<compile_context>
chip_gen: v7x
topology: tpu7x:2x2x1
jax: 0.10.2.dev20260603
libtpu: 0.0.44.dev20260713+nightly
codegen_flags: <defaults>
</compile_context>

<pallas_src>
import functools
import numpy as np
import jax
import jax.numpy as jnp
from jax import lax
from jax.experimental import pallas as pl
from jax.experimental.pallas import tpu as pltpu
from jax.experimental.pallas import tpu_sc as plsc

_B, _L, _V, _D = 1024, 200, 100000, 64

_NC, _NS = 2, 16
_W = _NC * _NS
_G = 128
_NBT = _B // _G
_NLW = _L // (_W // _NBT)
_NDT = _D // 8


def _pos_encoding_host():
    pos = np.arange(_L)[:, np.newaxis]
    i = np.arange(_D)[np.newaxis, :]
    angle_rates = 1.0 / np.power(10000, 2 * (i // 2) / np.float32(_D))
    angles = pos * angle_rates
    angles[:, 0::2] = np.sin(angles[:, 0::2])
    angles[:, 1::2] = np.cos(angles[:, 1::2])
    return np.asarray(angles, dtype=np.float32)


_MESH = plsc.VectorSubcoreMesh(core_axis_name="c", subcore_axis_name="s")


def _make_embed_pe_kernel(name):
    @functools.partial(
        pl.kernel,
        mesh=_MESH,
        out_type=jax.ShapeDtypeStruct((_L, _NDT, _NBT, 8, _G), jnp.float32),
        scratch_types=[
            pltpu.VMEM((_NLW, _G), jnp.int32),
            pltpu.VMEM((2, _G, _D), jnp.float32),
            pltpu.VMEM((2, _D, _G + 1), jnp.float32),
            pltpu.VMEM((_NLW, _D), jnp.float32),
            pltpu.SemaphoreType.DMA((2,)),
            pltpu.SemaphoreType.DMA((2,)),
        ],
        compiler_params=pltpu.CompilerParams(
            use_tc_tiling_on_sc=False, needs_layout_passes=False),
        name=name,
    )
    def _embed_pe_kernel(pe_hbm, idxt_hbm, tab_hbm, out_hbm,
                         idx_v, gath_v, tr_v, pe_v, gsem, osem):
        wid = lax.axis_index("s") * _NC + lax.axis_index("c")
        bt = wid // (_W // _NBT)
        l0 = _NLW * lax.rem(wid, _W // _NBT)
        pltpu.sync_copy(
            idxt_hbm.at[pl.ds(l0, _NLW), pl.ds(bt * _G, _G)], idx_v)
        pltpu.sync_copy(pe_hbm.at[pl.ds(l0, _NLW)], pe_v)
        lane16 = jax.lax.iota(jnp.int32, 16)
        drows = [lane16 + 16 * q for q in range(_D // 16)]

        def fire(u, b):
            pltpu.async_copy(
                tab_hbm.at[idx_v.at[u]], gath_v.at[b], gsem.at[b])

        def wait_gather(b):
            pltpu.make_async_copy(
                tab_hbm.at[pl.ds(0, _G)], gath_v.at[b], gsem.at[b]).wait()

        def wait_stores(b):
            pltpu.make_async_copy(
                tab_hbm.at[pl.ds(0, _G)], gath_v.at[b], osem.at[b]).wait()

        fire(0, 0)

        def unit_iter(u, carry):
            b = lax.rem(u, 2)

            @pl.when(u + 1 < _NLW)
            def _():
                fire(u + 1, 1 - b)

            wait_gather(b)

            @pl.when(u >= 2)
            def _():
                wait_stores(b)

            pe_q = [pe_v[u, pl.ds(16 * q, 16)] for q in range(_D // 16)]

            @plsc.parallel_loop(0, _G, unroll=8)
            def tr_body(r, b=b, pe_q=pe_q):
                rcol = lane16 * 0 + r
                for q in range(_D // 16):
                    val = gath_v[b, r, pl.ds(16 * q, 16)] + pe_q[q]
                    plsc.store_scatter(tr_v.at[b], [drows[q], rcol], val)

            for dt in range(_NDT):
                pltpu.async_copy(
                    tr_v.at[b, pl.ds(dt * 8, 8), pl.ds(0, _G)],
                    out_hbm.at[l0 + u, dt, bt],
                    osem.at[b],
                )
            return carry

        lax.fori_loop(0, _NLW, unit_iter, 0)
        wait_stores((_NLW - 1) % 2)
        wait_stores((_NLW - 2) % 2)

    return _embed_pe_kernel


_embed_g = _make_embed_pe_kernel("embed_pe_g")
_embed_e = _make_embed_pe_kernel("embed_pe_e")


def _assemble(out5):
    return out5.transpose(2, 4, 0, 1, 3).reshape(_B, _L, _D)


def kernel(g_text, e_text, g_table, e_table):
    pe = jnp.asarray(_pos_encoding_host())
    g_out = _embed_g(pe, g_text.T, g_table)
    e_out = _embed_e(pe, e_text.T, e_table)
    return (_assemble(g_out), _assemble(e_out))

# --- scband reference (transcript-rebuilt; emitter-appended) ---
"""Pipeline reference for scband-text-layer-53566832115712 (READ-ONLY COPY).

The authoritative reference and input builder live on the scoring server;
editing this copy changes nothing except your own understanding.
"""

import jax, jax.numpy as jnp
import numpy as np

B, L, V, D = 1024, 200, 100000, 64

def _pos_encoding(L, D):
    pos = np.arange(L)[:, np.newaxis]
    i = np.arange(D)[np.newaxis, :]
    angle_rates = 1.0 / np.power(10000, 2 * (i // 2) / np.float32(D))
    angles = pos * angle_rates
    angles[:, 0::2] = np.sin(angles[:, 0::2])
    angles[:, 1::2] = np.cos(angles[:, 1::2])
    return jnp.asarray(angles[np.newaxis, ...], dtype=jnp.float32)

def setup_inputs(seed: int = 0) -> dict:
    key = jax.random.key(seed)
    k1, k2, k3, k4 = jax.random.split(key, 4)
    g_text = jax.random.randint(k1, (B, L), 0, V, dtype=jnp.int32)
    e_text = jax.random.randint(k2, (B, L), 0, V, dtype=jnp.int32)
    g_table = jax.random.normal(k3, (V, D), dtype=jnp.float32) * 0.02
    e_table = jax.random.normal(k4, (V, D), dtype=jnp.float32) * 0.02
    return {"g_text": g_text, "e_text": e_text, "g_table": g_table, "e_table": e_table}

def reference(g_text, e_text, g_table, e_table):
    # TextVectorization (string->int) is replaced by pre-tokenized int ids,
    # which is the numerical core of the layer: two embedding gathers + sinusoidal PE add.
    pos_encoding = _pos_encoding(L, D)  # [1, L, D]
    g_text_embedded = jnp.take(g_table, g_text, axis=0)  # [B, L, D]
    e_text_embedded = jnp.take(e_table, e_text, axis=0)  # [B, L, D]
    return (g_text_embedded + pos_encoding, e_text_embedded + pos_encoding)

if __name__ == "__main__":
    import jax
    _d = setup_inputs()
    print(jax.jit(kernel)(*tuple(_d.values())))

</pallas_src>

<mosaic_0001>
#map = affine_map<(d0, d1) -> (0, 0)>
#map1 = affine_map<(d0, d1) -> (0, 0, 0, 0, 0)>
module attributes {stable_mosaic.version = 14 : i64} {
  func.func @embed_pe_g(%arg0: i32, %arg1: i32, %arg2: memref<200x64xf32, #tpu.memory_space<hbm>>, %arg3: memref<200x1024xi32, #tpu.memory_space<hbm>>, %arg4: memref<100000x64xf32, #tpu.memory_space<hbm>>, %arg5: memref<200x8x8x8x128xf32, #tpu.memory_space<hbm>>, %arg6: memref<50x128xi32, #tpu.memory_space<vmem>>, %arg7: memref<2x128x64xf32, #tpu.memory_space<vmem>>, %arg8: memref<2x64x129xf32, #tpu.memory_space<vmem>>, %arg9: memref<50x64xf32, #tpu.memory_space<vmem>>, %arg10: memref<2x!tpu.dma_semaphore, #tpu.memory_space<semaphore_mem>>, %arg11: memref<2x!tpu.dma_semaphore, #tpu.memory_space<semaphore_mem>>) attributes {dimension_semantics = [#tpu.dimension_semantics<core_parallel>, #tpu.dimension_semantics<subcore_parallel>], iteration_bounds = array<i64: 2, 16>, scalar_prefetch = 0 : i64, scratch_operands = 6 : i64, tpu.core_type = #tpu.core_type<sc_vector_subcore>, window_params = [{transform_indices = #map}, {transform_indices = #map}, {transform_indices = #map}, {transform_indices = #map1}]} {
    %mul3A = arith.constant 2 : i32
    %mul3A_0 = arith.muli %arg1, %mul3A : i32
    %add3A = arith.addi %mul3A_0, %arg0 : i32
    %jit3A = arith.constant 4 : i32
    %div3A = arith.divsi %add3A, %jit3A : i32
    %sign3A = arith.constant 0 : i32
    %sign3A_1 = arith.cmpi sgt, %add3A, %sign3A : i32
    %sign3A_2 = arith.extui %sign3A_1 : i1 to i32
    %sign3A_3 = arith.constant 0 : i32
    %sign3A_4 = arith.cmpi slt, %add3A, %sign3A_3 : i32
    %sign3A_5 = arith.extui %sign3A_4 : i1 to i32
    %sign3A_6 = arith.subi %sign3A_2, %sign3A_5 : i32
    %sign3A_7 = arith.constant 0 : i32
    %sign3A_8 = arith.cmpi sgt, %jit3A, %sign3A_7 : i32
    %sign3A_9 = arith.extui %sign3A_8 : i1 to i32
    %sign3A_10 = arith.constant 0 : i32
    %sign3A_11 = arith.cmpi slt, %jit3A, %sign3A_10 : i32
    %sign3A_12 = arith.extui %sign3A_11 : i1 to i32
    %sign3A_13 = arith.subi %sign3A_9, %sign3A_12 : i32
    %ne3A = arith.cmpi ne, %sign3A_6, %sign3A_13 : i32
    %rem3A = arith.remsi %add3A, %jit3A : i32
    %ne3A_14 = arith.constant 0 : i32
    %ne3A_15 = arith.cmpi ne, %rem3A, %ne3A_14 : i32
    %and3A = arith.andi %ne3A, %ne3A_15 : i1
    %sub3A = arith.constant 1 : i32
    %sub3A_16 = arith.subi %div3A, %sub3A : i32
    %select_n3A = arith.select %and3A, %sub3A_16, %div3A : i32
    %rem3A_17 = arith.constant 4 : i32
    %rem3A_18 = arith.remsi %add3A, %rem3A_17 : i32
    %mul3A_19 = arith.constant 50 : i32
    %mul3A_20 = arith.muli %mul3A_19, %rem3A_18 : i32
    %mul3A_21 = arith.constant 128 : i32
    %mul3A_22 = arith.muli %select_n3A, %mul3A_21 : i32
    "tpu.region"() ({
      %run_scoped3A = tpu.sem_alloc : memref<!tpu.dma_semaphore, #tpu.memory_space<semaphore_mem>>
      %dma_start3A_89 = tpu.memref_slice %arg3[%mul3A_20, %mul3A_22] : memref<200x1024xi32, #tpu.memory_space<hbm>> -> memref<50x128xi32, #tpu.memory_space<hbm>>
      %dma_start3A_90 = tpu.memref_slice %arg3[%mul3A_20, %mul3A_22] : memref<200x1024xi32, #tpu.memory_space<hbm>> -> memref<50x128xi32, #tpu.memory_space<hbm>>
      tpu.enqueue_dma source(%dma_start3A_90 : memref<50x128xi32, #tpu.memory_space<hbm>>) target(%arg6 : memref<50x128xi32, #tpu.memory_space<vmem>>) target_semaphore(%run_scoped3A : memref<!tpu.dma_semaphore, #tpu.memory_space<semaphore_mem>>)
      %dma_wait3A_91 = tpu.memref_slice %arg3[%mul3A_20, %mul3A_22] : memref<200x1024xi32, #tpu.memory_space<hbm>> -> memref<50x128xi32, #tpu.memory_space<hbm>>
      %dma_wait3A_92 = tpu.memref_slice %arg3[%mul3A_20, %mul3A_22] : memref<200x1024xi32, #tpu.memory_space<hbm>> -> memref<50x128xi32, #tpu.memory_space<hbm>>
      tpu.wait_dma2 semaphore(%run_scoped3A : memref<!tpu.dma_semaphore, #tpu.memory_space<semaphore_mem>>) src(%dma_wait3A_92 : memref<50x128xi32, #tpu.memory_space<hbm>>) dst(%arg6 : memref<50x128xi32, #tpu.memory_space<vmem>>)
      tpu.yield
    }) : () -> ()
    "tpu.region"() ({
      %run_scoped3A = tpu.sem_alloc : memref<!tpu.dma_semaphore, #tpu.memory_space<semaphore_mem>>
      %dma_start3A_89 = arith.constant 0 : i32
      %dma_start3A_90 = tpu.memref_slice %arg2[%mul3A_20, %dma_start3A_89] : memref<200x64xf32, #tpu.memory_space<hbm>> -> memref<50x64xf32, #tpu.memory_space<hbm>>
      %dma_start3A_91 = arith.constant 0 : i32
      %dma_start3A_92 = tpu.memref_slice %arg2[%mul3A_20, %dma_start3A_91] : memref<200x64xf32, #tpu.memory_space<hbm>> -> memref<50x64xf32, #tpu.memory_space<hbm>>
      tpu.enqueue_dma source(%dma_start3A_92 : memref<50x64xf32, #tpu.memory_space<hbm>>) target(%arg9 : memref<50x64xf32, #tpu.memory_space<vmem>>) target_semaphore(%run_scoped3A : memref<!tpu.dma_semaphore, #tpu.memory_space<semaphore_mem>>)
      %dma_wait3A_93 = arith.constant 0 : i32
      %dma_wait3A_94 = tpu.memref_slice %arg2[%mul3A_20, %dma_wait3A_93] : memref<200x64xf32, #tpu.memory_space<hbm>> -> memref<50x64xf32, #tpu.memory_space<hbm>>
      %dma_wait3A_95 = arith.constant 0 : i32
      %dma_wait3A_96 = tpu.memref_slice %arg2[%mul3A_20, %dma_wait3A_95] : memref<200x64xf32, #tpu.memory_space<hbm>> -> memref<50x64xf32, #tpu.memory_space<hbm>>
      tpu.wait_dma2 semaphore(%run_scoped3A : memref<!tpu.dma_semaphore, #tpu.memory_space<semaphore_mem>>) src(%dma_wait3A_96 : memref<50x64xf32, #tpu.memory_space<hbm>>) dst(%arg9 : memref<50x64xf32, #tpu.memory_space<vmem>>)
      tpu.yield
    }) : () -> ()
    %iota3A = tpu.iota {dimensions = array<i32: 0>} : vector<16xi32>
    %add3A_23 = arith.constant 0 : i32
    %add3A_24 = vector.broadcast %add3A_23 : i32 to vector<16xi32>
    %add3A_25 = arith.addi %iota3A, %add3A_24 : vector<16xi32>
    %add3A_26 = arith.constant 16 : i32
    %add3A_27 = vector.broadcast %add3A_26 : i32 to vector<16xi32>
    %add3A_28 = arith.addi %iota3A, %add3A_27 : vector<16xi32>
    %add3A_29 = arith.constant 32 : i32
    %add3A_30 = vector.broadcast %add3A_29 : i32 to vector<16xi32>
    %add3A_31 = arith.addi %iota3A, %add3A_30 : vector<16xi32>
    %add3A_32 = arith.constant 48 : i32
    %add3A_33 = vector.broadcast %add3A_32 : i32 to vector<16xi32>
    %add3A_34 = arith.addi %iota3A, %add3A_33 : vector<16xi32>
    %dma_start3A = arith.constant 0 : i32
    %dma_start3A_35 = arith.constant 0 : i32
    %dma_start3A_36 = arith.constant 0 : i32
    %dma_start3A_37 = arith.constant 0 : i32
    %dma_start3A_38 = arith.constant 0 : i32
    %dma_start3A_39 = tpu.memref_slice %arg7[%dma_start3A_35, %dma_start3A_37, %dma_start3A_38] : memref<2x128x64xf32, #tpu.memory_space<vmem>> -> memref<1x128x64xf32, #tpu.memory_space<vmem>>
    %dma_start3A_40 = tpu.memref_squeeze %dma_start3A_39 : memref<1x128x64xf32, #tpu.memory_space<vmem>> -> memref<128x64xf32, #tpu.memory_space<vmem>>
    %dma_start3A_41 = arith.constant 0 : i32
    %dma_start3A_42 = tpu.memref_slice %arg6[%dma_start3A, %dma_start3A_41] : memref<50x128xi32, #tpu.memory_space<vmem>> -> memref<1x128xi32, #tpu.memory_space<vmem>>
    %dma_start3A_43 = tpu.memref_squeeze %dma_start3A_42 : memref<1x128xi32, #tpu.memory_space<vmem>> -> memref<128xi32, #tpu.memory_space<vmem>>
    %dma_start3A_44 = arith.constant 0 : i32
    %dma_start3A_45 = arith.constant 0 : i32
    %dma_start3A_46 = tpu.memref_slice %arg4[%dma_start3A_44, %dma_start3A_45] : memref<100000x64xf32, #tpu.memory_space<hbm>> -> memref<100000x64xf32, #tpu.memory_space<hbm>>
    %dma_start3A_47 = tpu.memref_slice %arg10[%dma_start3A_36] : memref<2x!tpu.dma_semaphore, #tpu.memory_space<semaphore_mem>> -> memref<1x!tpu.dma_semaphore, #tpu.memory_space<semaphore_mem>>
    %dma_start3A_48 = tpu.memref_squeeze %dma_start3A_47 : memref<1x!tpu.dma_semaphore, #tpu.memory_space<semaphore_mem>> -> memref<!tpu.dma_semaphore, #tpu.memory_space<semaphore_mem>>
    tpu.enqueue_indirect_dma source(%dma_start3A_46 : memref<100000x64xf32, #tpu.memory_space<hbm>>) target(%dma_start3A_40 : memref<128x64xf32, #tpu.memory_space<vmem>>) offsets(%dma_start3A_43 : memref<128xi32, #tpu.memory_space<vmem>>) semaphore(%dma_start3A_48 : memref<!tpu.dma_semaphore, #tpu.memory_space<semaphore_mem>>)
    %scan3A = arith.constant 0 : i32
    %scan3A_49 = arith.constant 0 : i32
    %scan3A_50 = arith.constant 50 : i32
    %scan3A_51 = arith.addi %scan3A_49, %scan3A_50 : i32
    %scan3A_52 = arith.constant 1 : i32
    scf.for %scan3A_89 = %scan3A_49 to %scan3A_51 step %scan3A_52  : i32 {
      %rem3A_90 = arith.constant 2 : i32
      %rem3A_91 = arith.remsi %scan3A_89, %rem3A_90 : i32
      %add3A_92 = arith.constant 1 : i32
      %add3A_93 = arith.addi %scan3A_89, %add3A_92 : i32
      %lt3A = arith.constant 50 : i32
      %lt3A_94 = arith.cmpi slt, %add3A_93, %lt3A : i32
      %convert_element_type3A = arith.extui %lt3A_94 : i1 to i32
      %cond3A = arith.constant 0 : i32
      %cond3A_95 = arith.cmpi ne, %convert_element_type3A, %cond3A : i32
      scf.if %cond3A_95 {
        %add3A_289 = arith.constant 1 : i32
        %add3A_290 = arith.addi %scan3A_89, %add3A_289 : i32
        %sub3A_291 = arith.constant 1 : i32
        %sub3A_292 = arith.subi %sub3A_291, %rem3A_91 : i32
        %dma_start3A_293 = arith.constant 0 : i32
        %dma_start3A_294 = arith.constant 0 : i32
        %dma_start3A_295 = tpu.memref_slice %arg7[%sub3A_292, %dma_start3A_293, %dma_start3A_294] : memref<2x128x64xf32, #tpu.memory_space<vmem>> -> memref<1x128x64xf32, #tpu.memory_space<vmem>>
        %dma_start3A_296 = tpu.memref_squeeze %dma_start3A_295 : memref<1x128x64xf32, #tpu.memory_space<vmem>> -> memref<128x64xf32, #tpu.memory_space<vmem>>
        %dma_start3A_297 = arith.constant 0 : i32
        %dma_start3A_298 = tpu.memref_slice %arg6[%add3A_290, %dma_start3A_297] : memref<50x128xi32, #tpu.memory_space<vmem>> -> memref<1x128xi32, #tpu.memory_space<vmem>>
        %dma_start3A_299 = tpu.memref_squeeze %dma_start3A_298 : memref<1x128xi32, #tpu.memory_space<vmem>> -> memref<128xi32, #tpu.memory_space<vmem>>
        %dma_start3A_300 = arith.constant 0 : i32
        %dma_start3A_301 = arith.constant 0 : i32
        %dma_start3A_302 = tpu.memref_slice %arg4[%dma_start3A_300, %dma_start3A_301] : memref<100000x64xf32, #tpu.memory_space<hbm>> -> memref<100000x64xf32, #tpu.memory_space<hbm>>
        %dma_start3A_303 = tpu.memref_slice %arg10[%sub3A_292] : memref<2x!tpu.dma_semaphore, #tpu.memory_space<semaphore_mem>> -> memref<1x!tpu.dma_semaphore, #tpu.memory_space<semaphore_mem>>
        %dma_start3A_304 = tpu.memref_squeeze %dma_start3A_303 : memref<1x!tpu.dma_semaphore, #tpu.memory_space<semaphore_mem>> -> memref<!tpu.dma_semaphore, #tpu.memory_space<semaphore_mem>>
        tpu.enqueue_indirect_dma source(%dma_start3A_302 : memref<100000x64xf32, #tpu.memory_space<hbm>>) target(%dma_start3A_296 : memref<128x64xf32, #tpu.memory_space<vmem>>) offsets(%dma_start3A_299 : memref<128xi32, #tpu.memory_space<vmem>>) semaphore(%dma_start3A_304 : memref<!tpu.dma_semaphore, #tpu.memory_space<semaphore_mem>>)
      } else {
      }
      %dma_wait3A_96 = arith.constant 0 : i32
      %dma_wait3A_97 = arith.constant 0 : i32
      %dma_wait3A_98 = tpu.memref_slice %arg7[%rem3A_91, %dma_wait3A_96, %dma_wait3A_97] : memref<2x128x64xf32, #tpu.memory_space<vmem>> -> memref<1x128x64xf32, #tpu.memory_space<vmem>>
      %dma_wait3A_99 = tpu.memref_squeeze %dma_wait3A_98 : memref<1x128x64xf32, #tpu.memory_space<vmem>> -> memref<128x64xf32, #tpu.memory_space<vmem>>
      %dma_wait3A_100 = arith.constant 0 : i32
      %dma_wait3A_101 = arith.constant 0 : i32
      %dma_wait3A_102 = tpu.memref_slice %arg4[%dma_wait3A_100, %dma_wait3A_101] : memref<100000x64xf32, #tpu.memory_space<hbm>> -> memref<128x64xf32, #tpu.memory_space<hbm>>
      %dma_wait3A_103 = tpu.memref_slice %arg10[%rem3A_91] : memref<2x!tpu.dma_semaphore, #tpu.memory_space<semaphore_mem>> -> memref<1x!tpu.dma_semaphore, #tpu.memory_space<semaphore_mem>>
      %dma_wait3A_104 = tpu.memref_squeeze %dma_wait3A_103 : memref<1x!tpu.dma_semaphore, #tpu.memory_space<semaphore_mem>> -> memref<!tpu.dma_semaphore, #tpu.memory_space<semaphore_mem>>
      %dma_wait3A_105 = arith.constant 0 : i32
      %dma_wait3A_106 = arith.constant 0 : i32
      %dma_wait3A_107 = tpu.memref_slice %arg7[%rem3A_91, %dma_wait3A_105, %dma_wait3A_106] : memref<2x128x64xf32, #tpu.memory_space<vmem>> -> memref<1x128x64xf32, #tpu.memory_space<vmem>>
      %dma_wait3A_108 = tpu.memref_squeeze %dma_wait3A_107 : memref<1x128x64xf32, #tpu.memory_space<vmem>> -> memref<128x64xf32, #tpu.memory_space<vmem>>
      %dma_wait3A_109 = arith.constant 0 : i32
      %dma_wait3A_110 = arith.constant 0 : i32
      %dma_wait3A_111 = tpu.memref_slice %arg4[%dma_wait3A_109, %dma_wait3A_110] : memref<100000x64xf32, #tpu.memory_space<hbm>> -> memref<128x64xf32, #tpu.memory_space<hbm>>
      tpu.wait_dma2 semaphore(%dma_wait3A_104 : memref<!tpu.dma_semaphore, #tpu.memory_space<semaphore_mem>>) src(%dma_wait3A_111 : memref<128x64xf32, #tpu.memory_space<hbm>>) dst(%dma_wait3A_108 : memref<128x64xf32, #tpu.memory_space<vmem>>)
      %ge3A = arith.constant 2 : i32
      %ge3A_112 = arith.cmpi sge, %scan3A_89, %ge3A : i32
      %convert_element_type3A_113 = arith.extui %ge3A_112 : i1 to i32
      %cond3A_114 = arith.constant 0 : i32
      %cond3A_115 = arith.cmpi ne, %convert_element_type3A_113, %cond3A_114 : i32
      scf.if %cond3A_115 {
        %dma_wait3A_289 = arith.constant 0 : i32
        %dma_wait3A_290 = arith.constant 0 : i32
        %dma_wait3A_291 = tpu.memref_slice %arg7[%rem3A_91, %dma_wait3A_289, %dma_wait3A_290] : memref<2x128x64xf32, #tpu.memory_space<vmem>> -> memref<1x128x64xf32, #tpu.memory_space<vmem>>
        %dma_wait3A_292 = tpu.memref_squeeze %dma_wait3A_291 : memref<1x128x64xf32, #tpu.memory_space<vmem>> -> memref<128x64xf32, #tpu.memory_space<vmem>>
        %dma_wait3A_293 = arith.constant 0 : i32
        %dma_wait3A_294 = arith.constant 0 : i32
        %dma_wait3A_295 = tpu.memref_slice %arg4[%dma_wait3A_293, %dma_wait3A_294] : memref<100000x64xf32, #tpu.memory_space<hbm>> -> memref<128x64xf32, #tpu.memory_space<hbm>>
        %dma_wait3A_296 = tpu.memref_slice %arg11[%rem3A_91] : memref<2x!tpu.dma_semaphore, #tpu.memory_space<semaphore_mem>> -> memref<1x!tpu.dma_semaphore, #tpu.memory_space<semaphore_mem>>
        %dma_wait3A_297 = tpu.memref_squeeze %dma_wait3A_296 : memref<1x!tpu.dma_semaphore, #tpu.memory_space<semaphore_mem>> -> memref<!tpu.dma_semaphore, #tpu.memory_space<semaphore_mem>>
        %dma_wait3A_298 = arith.constant 0 : i32
        %dma_wait3A_299 = arith.constant 0 : i32
        %dma_wait3A_300 = tpu.memref_slice %arg7[%rem3A_91, %dma_wait3A_298, %dma_wait3A_299] : memref<2x128x64xf32, #tpu.memory_space<vmem>> -> memref<1x128x64xf32, #tpu.memory_space<vmem>>
        %dma_wait3A_301 = tpu.memref_squeeze %dma_wait3A_300 : memref<1x128x64xf32, #tpu.memory_space<vmem>> -> memref<128x64xf32, #tpu.memory_space<vmem>>
        %dma_wait3A_302 = arith.constant 0 : i32
        %dma_wait3A_303 = arith.constant 0 : i32
        %dma_wait3A_304 = tpu.memref_slice %arg4[%dma_wait3A_302, %dma_wait3A_303] : memref<100000x64xf32, #tpu.memory_space<hbm>> -> memref<128x64xf32, #tpu.memory_space<hbm>>
        tpu.wait_dma2 semaphore(%dma_wait3A_297 : memref<!tpu.dma_semaphore, #tpu.memory_space<semaphore_mem>>) src(%dma_wait3A_304 : memref<128x64xf32, #tpu.memory_space<hbm>>) dst(%dma_wait3A_301 : memref<128x64xf32, #tpu.memory_space<vmem>>)
      } else {
      }
      %get3A = arith.index_cast %scan3A_89 : i32 to index
      %get3A_116 = arith.constant 0 : index
      %get3A_117 = tpu.vector_load %arg9[%get3A, %get3A_116] {strides = array<i32>} : memref<50x64xf32, #tpu.memory_space<vmem>>, vector<16xf32>,
      %get3A_118 = arith.index_cast %scan3A_89 : i32 to index
      %get3A_119 = arith.constant 16 : index
      %get3A_120 = tpu.vector_load %arg9[%get3A_118, %get3A_119] {strides = array<i32>} : memref<50x64xf32, #tpu.memory_space<vmem>>, vector<16xf32>,
      %get3A_121 = arith.index_cast %scan3A_89 : i32 to index
      %get3A_122 = arith.constant 32 : index
      %get3A_123 = tpu.vector_load %arg9[%get3A_121, %get3A_122] {strides = array<i32>} : memref<50x64xf32, #tpu.memory_space<vmem>>, vector<16xf32>,
      %get3A_124 = arith.index_cast %scan3A_89 : i32 to index
      %get3A_125 = arith.constant 48 : index
      %get3A_126 = tpu.vector_load %arg9[%get3A_124, %get3A_125] {strides = array<i32>} : memref<50x64xf32, #tpu.memory_space<vmem>>, vector<16xf32>,
      %parallel_loop3A = arith.constant 0 : i32
      %parallel_loop3A_127 = arith.constant 128 : i32
      %parallel_loop3A_128 = arith.constant 1 : i32
      scf.for %parallel_loop3A_289 = %parallel_loop3A to %parallel_loop3A_127 step %parallel_loop3A_128  : i32 {
        %parallel_loop3A_290 = arith.constant 0 : i32
        %parallel_loop3A_291 = vector.broadcast %parallel_loop3A_290 : i32 to vector<16xi32>
        %parallel_loop3A_292 = arith.muli %iota3A, %parallel_loop3A_291 : vector<16xi32>
        %parallel_loop3A_293 = vector.broadcast %parallel_loop3A_289 : i32 to vector<16xi32>
        %parallel_loop3A_294 = arith.addi %parallel_loop3A_292, %parallel_loop3A_293 : vector<16xi32>
        %parallel_loop3A_295 = arith.index_cast %rem3A_91 : i32 to index
        %parallel_loop3A_296 = arith.index_cast %parallel_loop3A_289 : i32 to index
        %parallel_loop3A_297 = arith.constant 0 : index
        %parallel_loop3A_298 = tpu.vector_load %arg7[%parallel_loop3A_295, %parallel_loop3A_296, %parallel_loop3A_297] {strides = array<i32>} : memref<2x128x64xf32, #tpu.memory_space<vmem>>, vector<16xf32>,
        %parallel_loop3A_299 = arith.addf %parallel_loop3A_298, %get3A_117 : vector<16xf32>
        %parallel_loop3A_300 = arith.constant 0 : i32
        %parallel_loop3A_301 = arith.constant 0 : i32
        %parallel_loop3A_302 = tpu.memref_slice %arg8[%rem3A_91, %parallel_loop3A_300, %parallel_loop3A_301] : memref<2x64x129xf32, #tpu.memory_space<vmem>> -> memref<1x64x129xf32, #tpu.memory_space<vmem>>
        %parallel_loop3A_303 = tpu.memref_squeeze %parallel_loop3A_302 : memref<1x64x129xf32, #tpu.memory_space<vmem>> -> memref<64x129xf32, #tpu.memory_space<vmem>>
        tpu.vector_store_idx %parallel_loop3A_303[%add3A_25, %parallel_loop3A_294], %parallel_loop3A_299 : memref<64x129xf32, #tpu.memory_space<vmem>>[vector<16xi32>, vector<16xi32>], vector<16xf32>,
        %parallel_loop3A_304 = arith.index_cast %rem3A_91 : i32 to index
        %parallel_loop3A_305 = arith.index_cast %parallel_loop3A_289 : i32 to index
        %parallel_loop3A_306 = arith.constant 16 : index
        %parallel_loop3A_307 = tpu.vector_load %arg7[%parallel_loop3A_304, %parallel_loop3A_305, %parallel_loop3A_306] {strides = array<i32>} : memref<2x128x64xf32, #tpu.memory_space<vmem>>, vector<16xf32>,
        %parallel_loop3A_308 = arith.addf %parallel_loop3A_307, %get3A_120 : vector<16xf32>
        %parallel_loop3A_309 = arith.constant 0 : i32
        %parallel_loop3A_310 = arith.constant 0 : i32
        %parallel_loop3A_311 = tpu.memref_slice %arg8[%rem3A_91, %parallel_loop3A_309, %parallel_loop3A_310] : memref<2x64x129xf32, #tpu.memory_space<vmem>> -> memref<1x64x129xf32, #tpu.memory_space<vmem>>
        %parallel_loop3A_312 = tpu.memref_squeeze %parallel_loop3A_311 : memref<1x64x129xf32, #tpu.memory_space<vmem>> -> memref<64x129xf32, #tpu.memory_space<vmem>>
        tpu.vector_store_idx %parallel_loop3A_312[%add3A_28, %parallel_loop3A_294], %parallel_loop3A_308 : memref<64x129xf32, #tpu.memory_space<vmem>>[vector<16xi32>, vector<16xi32>], vector<16xf32>,
        %parallel_loop3A_313 = arith.index_cast %rem3A_91 : i32 to index
        %parallel_loop3A_314 = arith.index_cast %parallel_loop3A_289 : i32 to index
        %parallel_loop3A_315 = arith.constant 32 : index
        %parallel_loop3A_316 = tpu.vector_load %arg7[%parallel_loop3A_313, %parallel_loop3A_314, %parallel_loop3A_315] {strides = array<i32>} : memref<2x128x64xf32, #tpu.memory_space<vmem>>, vector<16xf32>,
        %parallel_loop3A_317 = arith.addf %parallel_loop3A_316, %get3A_123 : vector<16xf32>
        %parallel_loop3A_318 = arith.constant 0 : i32
        %parallel_loop3A_319 = arith.constant 0 : i32
        %parallel_loop3A_320 = tpu.memref_slice %arg8[%rem3A_91, %parallel_loop3A_318, %parallel_loop3A_319] : memref<2x64x129xf32, #tpu.memory_space<vmem>> -> memref<1x64x129xf32, #tpu.memory_space<vmem>>
        %parallel_loop3A_321 = tpu.memref_squeeze %parallel_loop3A_320 : memref<1x64x129xf32, #tpu.memory_space<vmem>> -> memref<64x129xf32, #tpu.memory_space<vmem>>
        tpu.vector_store_idx %parallel_loop3A_321[%add3A_31, %parallel_loop3A_294], %parallel_loop3A_317 : memref<64x129xf32, #tpu.memory_space<vmem>>[vector<16xi32>, vector<16xi32>], vector<16xf32>,
        %parallel_loop3A_322 = arith.index_cast %rem3A_91 : i32 to index
        %parallel_loop3A_323 = arith.index_cast %parallel_loop3A_289 : i32 to index
        %parallel_loop3A_324 = arith.constant 48 : index
        %parallel_loop3A_325 = tpu.vector_load %arg7[%parallel_loop3A_322, %parallel_loop3A_323, %parallel_loop3A_324] {strides = array<i32>} : memref<2x128x64xf32, #tpu.memory_space<vmem>>, vector<16xf32>,
        %parallel_loop3A_326 = arith.addf %parallel_loop3A_325, %get3A_126 : vector<16xf32>
        %parallel_loop3A_327 = arith.constant 0 : i32
        %parallel_loop3A_328 = arith.constant 0 : i32
        %parallel_loop3A_329 = tpu.memref_slice %arg8[%rem3A_91, %parallel_loop3A_327, %parallel_loop3A_328] : memref<2x64x129xf32, #tpu.memory_space<vmem>> -> memref<1x64x129xf32, #tpu.memory_space<vmem>>
        %parallel_loop3A_330 = tpu.memref_squeeze %parallel_loop3A_329 : memref<1x64x129xf32, #tpu.memory_space<vmem>> -> memref<64x129xf32, #tpu.memory_space<vmem>>
        tpu.vector_store_idx %parallel_loop3A_330[%add3A_34, %parallel_loop3A_294], %parallel_loop3A_326 : memref<64x129xf32, #tpu.memory_space<vmem>>[vector<16xi32>, vector<16xi32>], vector<16xf32>,
      } {sc.loop_unroll_factor = 8 : i64, sc.parallel_access}
      %add3A_129 = arith.addi %mul3A_20, %scan3A_89 : i32
      %dma_start3A_130 = arith.constant 0 : i32
      %dma_start3A_131 = arith.constant 0 : i32
      %dma_start3A_132 = arith.constant 0 : i32
      %dma_start3A_133 = tpu.memref_slice %arg8[%rem3A_91, %dma_start3A_131, %dma_start3A_132] : memref<2x64x129xf32, #tpu.memory_space<vmem>> -> memref<1x8x128xf32, #tpu.memory_space<vmem>>
      %dma_start3A_134 = tpu.memref_squeeze %dma_start3A_133 : memref<1x8x128xf32, #tpu.memory_space<vmem>> -> memref<8x128xf32, #tpu.memory_space<vmem>>
      %dma_start3A_135 = arith.constant 0 : i32
      %dma_start3A_136 = arith.constant 0 : i32
      %dma_start3A_137 = tpu.memref_slice %arg5[%add3A_129, %dma_start3A_130, %select_n3A, %dma_start3A_135, %dma_start3A_136] : memref<200x8x8x8x128xf32, #tpu.memory_space<hbm>> -> memref<1x1x1x8x128xf32, #tpu.memory_space<hbm>>
      %dma_start3A_138 = tpu.memref_squeeze %dma_start3A_137 : memref<1x1x1x8x128xf32, #tpu.memory_space<hbm>> -> memref<8x128xf32, #tpu.memory_space<hbm>>
      %dma_start3A_139 = tpu.memref_slice %arg11[%rem3A_91] : memref<2x!tpu.dma_semaphore, #tpu.memory_space<semaphore_mem>> -> memref<1x!tpu.dma_semaphore, #tpu.memory_space<semaphore_mem>>
      %dma_start3A_140 = tpu.memref_squeeze %dma_start3A_139 : memref<1x!tpu.dma_semaphore, #tpu.memory_space<semaphore_mem>> -> memref<!tpu.dma_semaphore, #tpu.memory_space<semaphore_mem>>
      %dma_start3A_141 = arith.constant 0 : i32
      %dma_start3A_142 = arith.constant 0 : i32
      %dma_start3A_143 = tpu.memref_slice %arg5[%add3A_129, %dma_start3A_130, %select_n3A, %dma_start3A_141, %dma_start3A_142] : memref<200x8x8x8x128xf32, #tpu.memory_space<hbm>> -> memref<1x1x1x8x128xf32, #tpu.memory_space<hbm>>
      %dma_start3A_144 = tpu.memref_squeeze %dma_start3A_143 : memref<1x1x1x8x128xf32, #tpu.memory_space<hbm>> -> memref<8x128xf32, #tpu.memory_space<hbm>>
      %dma_start3A_145 = arith.constant 0 : i32
      %dma_start3A_146 = arith.constant 0 : i32
      %dma_start3A_147 = tpu.memref_slice %arg8[%rem3A_91, %dma_start3A_145, %dma_start3A_146] : memref<2x64x129xf32, #tpu.memory_space<vmem>> -> memref<1x8x128xf32, #tpu.memory_space<vmem>>
      %dma_start3A_148 = tpu.memref_squeeze %dma_start3A_147 : memref<1x8x128xf32, #tpu.memory_space<vmem>> -> memref<8x128xf32, #tpu.memory_space<vmem>>
      tpu.enqueue_dma source(%dma_start3A_148 : memref<8x128xf32, #tpu.memory_space<vmem>>) target(%dma_start3A_144 : memref<8x128xf32, #tpu.memory_space<hbm>>) target_semaphore(%dma_start3A_140 : memref<!tpu.dma_semaphore, #tpu.memory_space<semaphore_mem>>)
      %add3A_149 = arith.addi %mul3A_20, %scan3A_89 : i32
      %dma_start3A_150 = arith.constant 1 : i32
      %dma_start3A_151 = arith.constant 8 : i32
      %dma_start3A_152 = arith.constant 0 : i32
      %dma_start3A_153 = tpu.memref_slice %arg8[%rem3A_91, %dma_start3A_151, %dma_start3A_152] : memref<2x64x129xf32, #tpu.memory_space<vmem>> -> memref<1x8x128xf32, #tpu.memory_space<vmem>>
      %dma_start3A_154 = tpu.memref_squeeze %dma_start3A_153 : memref<1x8x128xf32, #tpu.memory_space<vmem>> -> memref<8x128xf32, #tpu.memory_space<vmem>>
      %dma_start3A_155 = arith.constant 0 : i32
      %dma_start3A_156 = arith.constant 0 : i32
      %dma_start3A_157 = tpu.memref_slice %arg5[%add3A_149, %dma_start3A_150, %select_n3A, %dma_start3A_155, %dma_start3A_156] : memref<200x8x8x8x128xf32, #tpu.memory_space<hbm>> -> memref<1x1x1x8x128xf32, #tpu.memory_space<hbm>>
      %dma_start3A_158 = tpu.memref_squeeze %dma_start3A_157 : memref<1x1x1x8x128xf32, #tpu.memory_space<hbm>> -> memref<8x128xf32, #tpu.memory_space<hbm>>
      %dma_start3A_159 = tpu.memref_slice %arg11[%rem3A_91] : memref<2x!tpu.dma_semaphore, #tpu.memory_space<semaphore_mem>> -> memref<1x!tpu.dma_semaphore, #tpu.memory_space<semaphore_mem>>
      %dma_start3A_160 = tpu.memref_squeeze %dma_start3A_159 : memref<1x!tpu.dma_semaphore, #tpu.memory_space<semaphore_mem>> -> memref<!tpu.dma_semaphore, #tpu.memory_space<semaphore_mem>>
      %dma_start3A_161 = arith.constant 0 : i32
      %dma_start3A_162 = arith.constant 0 : i32
      %dma_start3A_163 = tpu.memref_slice %arg5[%add3A_149, %dma_start3A_150, %select_n3A, %dma_start3A_161, %dma_start3A_162] : memref<200x8x8x8x128xf32, #tpu.memory_space<hbm>> -> memref<1x1x1x8x128xf32, #tpu.memory_space<hbm>>
      %dma_start3A_164 = tpu.memref_squeeze %dma_start3A_163 : memref<1x1x1x8x128xf32, #tpu.memory_space<hbm>> -> memref<8x128xf32, #tpu.memory_space<hbm>>
      %dma_start3A_165 = arith.constant 8 : i32
      %dma_start3A_166 = arith.constant 0 : i32
      %dma_start3A_167 = tpu.memref_slice %arg8[%rem3A_91, %dma_start3A_165, %dma_start3A_166] : memref<2x64x129xf32, #tpu.memory_space<vmem>> -> memref<1x8x128xf32, #tpu.memory_space<vmem>>
      %dma_start3A_168 = tpu.memref_squeeze %dma_start3A_167 : memref<1x8x128xf32, #tpu.memory_space<vmem>> -> memref<8x128xf32, #tpu.memory_space<vmem>>
      tpu.enqueue_dma source(%dma_start3A_168 : memref<8x128xf32, #tpu.memory_space<vmem>>) target(%dma_start3A_164 : memref<8x128xf32, #tpu.memory_space<hbm>>) target_semaphore(%dma_start3A_160 : memref<!tpu.dma_semaphore, #tpu.memory_space<semaphore_mem>>)
      %add3A_169 = arith.addi %mul3A_20, %scan3A_89 : i32
      %dma_start3A_170 = arith.constant 2 : i32
      %dma_start3A_171 = arith.constant 16 : i32
      %dma_start3A_172 = arith.constant 0 : i32
      %dma_start3A_173 = tpu.memref_slice %arg8[%rem3A_91, %dma_start3A_171, %dma_start3A_172] : memref<2x64x129xf32, #tpu.memory_space<vmem>> -> memref<1x8x128xf32, #tpu.memory_space<vmem>>
      %dma_start3A_174 = tpu.memref_squeeze %dma_start3A_173 : memref<1x8x128xf32, #tpu.memory_space<vmem>> -> memref<8x128xf32, #tpu.memory_space<vmem>>
      %dma_start3A_175 = arith.constant 0 : i32
      %dma_start3A_176 = arith.constant 0 : i32
      %dma_start3A_177 = tpu.memref_slice %arg5[%add3A_169, %dma_start3A_170, %select_n3A, %dma_start3A_175, %dma_start3A_176] : memref<200x8x8x8x128xf32, #tpu.memory_space<hbm>> -> memref<1x1x1x8x128xf32, #tpu.memory_space<hbm>>
      %dma_start3A_178 = tpu.memref_squeeze %dma_start3A_177 : memref<1x1x1x8x128xf32, #tpu.memory_space<hbm>> -> memref<8x128xf32, #tpu.memory_space<hbm>>
      %dma_start3A_179 = tpu.memref_slice %arg11[%rem3A_91] : memref<2x!tpu.dma_semaphore, #tpu.memory_space<semaphore_mem>> -> memref<1x!tpu.dma_semaphore, #tpu.memory_space<semaphore_mem>>
      %dma_start3A_180 = tpu.memref_squeeze %dma_start3A_179 : memref<1x!tpu.dma_semaphore, #tpu.memory_space<semaphore_mem>> -> memref<!tpu.dma_semaphore, #tpu.memory_space<semaphore_mem>>
      %dma_start3A_181 = arith.constant 0 : i32
      %dma_start3A_182 = arith.constant 0 : i32
      %dma_start3A_183 = tpu.memref_slice %arg5[%add3A_169, %dma_start3A_170, %select_n3A, %dma_start3A_181, %dma_start3A_182] : memref<200x8x8x8x128xf32, #tpu.memory_space<hbm>> -> memref<1x1x1x8x128xf32, #tpu.memory_space<hbm>>
      %dma_start3A_184 = tpu.memref_squeeze %dma_start3A_183 : memref<1x1x1x8x128xf32, #tpu.memory_space<hbm>> -> memref<8x128xf32, #tpu.memory_space<hbm>>
      %dma_start3A_185 = arith.constant 16 : i32
      %dma_start3A_186 = arith.constant 0 : i32
      %dma_start3A_187 = tpu.memref_slice %arg8[%rem3A_91, %dma_start3A_185, %dma_start3A_186] : memref<2x64x129xf32, #tpu.memory_space<vmem>> -> memref<1x8x128xf32, #tpu.memory_space<vmem>>
      %dma_start3A_188 = tpu.memref_squeeze %dma_start3A_187 : memref<1x8x128xf32, #tpu.memory_space<vmem>> -> memref<8x128xf32, #tpu.memory_space<vmem>>
      tpu.enqueue_dma source(%dma_start3A_188 : memref<8x128xf32, #tpu.memory_space<vmem>>) target(%dma_start3A_184 : memref<8x128xf32, #tpu.memory_space<hbm>>) target_semaphore(%dma_start3A_180 : memref<!tpu.dma_semaphore, #tpu.memory_space<semaphore_mem>>)
      %add3A_189 = arith.addi %mul3A_20, %scan3A_89 : i32
      %dma_start3A_190 = arith.constant 3 : i32
      %dma_start3A_191 = arith.constant 24 : i32
      %dma_start3A_192 = arith.constant 0 : i32
      %dma_start3A_193 = tpu.memref_slice %arg8[%rem3A_91, %dma_start3A_191, %dma_start3A_192] : memref<2x64x129xf32, #tpu.memory_space<vmem>> -> memref<1x8x128xf32, #tpu.memory_space<vmem>>
      %dma_start3A_194 = tpu.memref_squeeze %dma_start3A_193 : memref<1x8x128xf32, #tpu.memory_space<vmem>> -> memref<8x128xf32, #tpu.memory_space<vmem>>
      %dma_start3A_195 = arith.constant 0 : i32
      %dma_start3A_196 = arith.constant 0 : i32
      %dma_start3A_197 = tpu.memref_slice %arg5[%add3A_189, %dma_start3A_190, %select_n3A, %dma_start3A_195, %dma_start3A_196] : memref<200x8x8x8x128xf32, #tpu.memory_space<hbm>> -> memref<1x1x1x8x128xf32, #tpu.memory_space<hbm>>
      %dma_start3A_198 = tpu.memref_squeeze %dma_start3A_197 : memref<1x1x1x8x128xf32, #tpu.memory_space<hbm>> -> memref<8x128xf32, #tpu.memory_space<hbm>>
      %dma_start3A_199 = tpu.memref_slice %arg11[%rem3A_91] : memref<2x!tpu.dma_semaphore, #tpu.memory_space<semaphore_mem>> -> memref<1x!tpu.dma_semaphore, #tpu.memory_space<semaphore_mem>>
      %dma_start3A_200 = tpu.memref_squeeze %dma_start3A_199 : memref<1x!tpu.dma_semaphore, #tpu.memory_space<semaphore_mem>> -> memref<!tpu.dma_semaphore, #tpu.memory_space<semaphore_mem>>
      %dma_start3A_201 = arith.constant 0 : i32
      %dma_start3A_202 = arith.constant 0 : i32
      %dma_start3A_203 = tpu.memref_slice %arg5[%add3A_189, %dma_start3A_190, %select_n3A, %dma_start3A_201, %dma_start3A_202] : memref<200x8x8x8x128xf32, #tpu.memory_space<hbm>> -> memref<1x1x1x8x128xf32, #tpu.memory_space<hbm>>
      %dma_start3A_204 = tpu.memref_squeeze %dma_start3A_203 : memref<1x1x1x8x128xf32, #tpu.memory_space<hbm>> -> memref<8x128xf32, #tpu.memory_space<hbm>>
      %dma_start3A_205 = arith.constant 24 : i32
      %dma_start3A_206 = arith.constant 0 : i32
      %dma_start3A_207 = tpu.memref_slice %arg8[%rem3A_91, %dma_start3A_205, %dma_start3A_206] : memref<2x64x129xf32, #tpu.memory_space<vmem>> -> memref<1x8x128xf32, #tpu.memory_space<vmem>>
      %dma_start3A_208 = tpu.memref_squeeze %dma_start3A_207 : memref<1x8x128xf32, #tpu.memory_space<vmem>> -> memref<8x128xf32, #tpu.memory_space<vmem>>
      tpu.enqueue_dma source(%dma_start3A_208 : memref<8x128xf32, #tpu.memory_space<vmem>>) target(%dma_start3A_204 : memref<8x128xf32, #tpu.memory_space<hbm>>) target_semaphore(%dma_start3A_200 : memref<!tpu.dma_semaphore, #tpu.memory_space<semaphore_mem>>)
      %add3A_209 = arith.addi %mul3A_20, %scan3A_89 : i32
      %dma_start3A_210 = arith.constant 4 : i32
      %dma_start3A_211 = arith.constant 32 : i32
      %dma_start3A_212 = arith.constant 0 : i32
      %dma_start3A_213 = tpu.memref_slice %arg8[%rem3A_91, %dma_start3A_211, %dma_start3A_212] : memref<2x64x129xf32, #tpu.memory_space<vmem>> -> memref<1x8x128xf32, #tpu.memory_space<vmem>>
      %dma_start3A_214 = tpu.memref_squeeze %dma_start3A_213 : memref<1x8x128xf32, #tpu.memory_space<vmem>> -> memref<8x128xf32, #tpu.memory_space<vmem>>
      %dma_start3A_215 = arith.constant 0 : i32
      %dma_start3A_216 = arith.constant 0 : i32
      %dma_start3A_217 = tpu.memref_slice %arg5[%add3A_209, %dma_start3A_210, %select_n3A, %dma_start3A_215, %dma_start3A_216] : memref<200x8x8x8x128xf32, #tpu.memory_space<hbm>> -> memref<1x1x1x8x128xf32, #tpu.memory_space<hbm>>
      %dma_start3A_218 = tpu.memref_squeeze %dma_start3A_217 : memref<1x1x1x8x128xf32, #tpu.memory_space<hbm>> -> memref<8x128xf32, #tpu.memory_space<hbm>>
      %dma_start3A_219 = tpu.memref_slice %arg11[%rem3A_91] : memref<2x!tpu.dma_semaphore, #tpu.memory_space<semaphore_mem>> -> memref<1x!tpu.dma_semaphore, #tpu.memory_space<semaphore_mem>>
      %dma_start3A_220 = tpu.memref_squeeze %dma_start3A_219 : memref<1x!tpu.dma_semaphore, #tpu.memory_space<semaphore_mem>> -> memref<!tpu.dma_semaphore, #tpu.memory_space<semaphore_mem>>
      %dma_start3A_221 = arith.constant 0 : i32
      %dma_start3A_222 = arith.constant 0 : i32
      %dma_start3A_223 = tpu.memref_slice %arg5[%add3A_209, %dma_start3A_210, %select_n3A, %dma_start3A_221, %dma_start3A_222] : memref<200x8x8x8x128xf32, #tpu.memory_space<hbm>> -> memref<1x1x1x8x128xf32, #tpu.memory_space<hbm>>
      %dma_start3A_224 = tpu.memref_squeeze %dma_start3A_223 : memref<1x1x1x8x128xf32, #tpu.memory_space<hbm>> -> memref<8x128xf32, #tpu.memory_space<hbm>>
      %dma_start3A_225 = arith.constant 32 : i32
      %dma_start3A_226 = arith.constant 0 : i32
      %dma_start3A_227 = tpu.memref_slice %arg8[%rem3A_91, %dma_start3A_225, %dma_start3A_226] : memref<2x64x129xf32, #tpu.memory_space<vmem>> -> memref<1x8x128xf32, #tpu.memory_space<vmem>>
      %dma_start3A_228 = tpu.memref_squeeze %dma_start3A_227 : memref<1x8x128xf32, #tpu.memory_space<vmem>> -> memref<8x128xf32, #tpu.memory_space<vmem>>
      tpu.enqueue_dma source(%dma_start3A_228 : memref<8x128xf32, #tpu.memory_space<vmem>>) target(%dma_start3A_224 : memref<8x128xf32, #tpu.memory_space<hbm>>) target_semaphore(%dma_start3A_220 : memref<!tpu.dma_semaphore, #tpu.memory_space<semaphore_mem>>)
      %add3A_229 = arith.addi %mul3A_20, %scan3A_89 : i32
      %dma_start3A_230 = arith.constant 5 : i32
      %dma_start3A_231 = arith.constant 40 : i32
      %dma_start3A_232 = arith.constant 0 : i32
      %dma_start3A_233 = tpu.memref_slice %arg8[%rem3A_91, %dma_start3A_231, %dma_start3A_232] : memref<2x64x129xf32, #tpu.memory_space<vmem>> -> memref<1x8x128xf32, #tpu.memory_space<vmem>>
      %dma_start3A_234 = tpu.memref_squeeze %dma_start3A_233 : memref<1x8x128xf32, #tpu.memory_space<vmem>> -> memref<8x128xf32, #tpu.memory_space<vmem>>
      %dma_start3A_235 = arith.constant 0 : i32
      %dma_start3A_236 = arith.constant 0 : i32
      %dma_start3A_237 = tpu.memref_slice %arg5[%add3A_229, %dma_start3A_230, %select_n3A, %dma_start3A_235, %dma_start3A_236] : memref<200x8x8x8x128xf32, #tpu.memory_space<hbm>> -> memref<1x1x1x8x128xf32, #tpu.memory_space<hbm>>
      %dma_start3A_238 = tpu.memref_squeeze %dma_start3A_237 : memref<1x1x1x8x128xf32, #tpu.memory_space<hbm>> -> memref<8x128xf32, #tpu.memory_space<hbm>>
      %dma_start3A_239 = tpu.memref_slice %arg11[%rem3A_91] : memref<2x!tpu.dma_semaphore, #tpu.memory_space<semaphore_mem>> -> memref<1x!tpu.dma_semaphore, #tpu.memory_space<semaphore_mem>>
      %dma_start3A_240 = tpu.memref_squeeze %dma_start3A_239 : memref<1x!tpu.dma_semaphore, #tpu.memory_space<semaphore_mem>> -> memref<!tpu.dma_semaphore, #tpu.memory_space<semaphore_mem>>
      %dma_start3A_241 = arith.constant 0 : i32
      %dma_start3A_242 = arith.constant 0 : i32
      %dma_start3A_243 = tpu.memref_slice %arg5[%add3A_229, %dma_start3A_230, %select_n3A, %dma_start3A_241, %dma_start3A_242] : memref<200x8x8x8x128xf32, #tpu.memory_space<hbm>> -> memref<1x1x1x8x128xf32, #tpu.memory_space<hbm>>
      %dma_start3A_244 = tpu.memref_squeeze %dma_start3A_243 : memref<1x1x1x8x128xf32, #tpu.memory_space<hbm>> -> memref<8x128xf32, #tpu.memory_space<hbm>>
      %dma_start3A_245 = arith.constant 40 : i32
      %dma_start3A_246 = arith.constant 0 : i32
      %dma_start3A_247 = tpu.memref_slice %arg8[%rem3A_91, %dma_start3A_245, %dma_start3A_246] : memref<2x64x129xf32, #tpu.memory_space<vmem>> -> memref<1x8x128xf32, #tpu.memory_space<vmem>>
      %dma_start3A_248 = tpu.memref_squeeze %dma_start3A_247 : memref<1x8x128xf32, #tpu.memory_space<vmem>> -> memref<8x128xf32, #tpu.memory_space<vmem>>
      tpu.enqueue_dma source(%dma_start3A_248 : memref<8x128xf32, #tpu.memory_space<vmem>>) target(%dma_start3A_244 : memref<8x128xf32, #tpu.memory_space<hbm>>) target_semaphore(%dma_start3A_240 : memref<!tpu.dma_semaphore, #tpu.memory_space<semaphore_mem>>)
      %add3A_249 = arith.addi %mul3A_20, %scan3A_89 : i32
      %dma_start3A_250 = arith.constant 6 : i32
      %dma_start3A_251 = arith.constant 48 : i32
      %dma_start3A_252 = arith.constant 0 : i32
      %dma_start3A_253 = tpu.memref_slice %arg8[%rem3A_91, %dma_start3A_251, %dma_start3A_252] : memref<2x64x129xf32, #tpu.memory_space<vmem>> -> memref<1x8x128xf32, #tpu.memory_space<vmem>>
      %dma_start3A_254 = tpu.memref_squeeze %dma_start3A_253 : memref<1x8x128xf32, #tpu.memory_space<vmem>> -> memref<8x128xf32, #tpu.memory_space<vmem>>
      %dma_start3A_255 = arith.constant 0 : i32
      %dma_start3A_256 = arith.constant 0 : i32
      %dma_start3A_257 = tpu.memref_slice %arg5[%add3A_249, %dma_start3A_250, %select_n3A, %dma_start3A_255, %dma_start3A_256] : memref<200x8x8x8x128xf32, #tpu.memory_space<hbm>> -> memref<1x1x1x8x128xf32, #tpu.memory_space<hbm>>
      %dma_start3A_258 = tpu.memref_squeeze %dma_start3A_257 : memref<1x1x1x8x128xf32, #tpu.memory_space<hbm>> -> memref<8x128xf32, #tpu.memory_space<hbm>>
      %dma_start3A_259 = tpu.memref_slice %arg11[%rem3A_91] : memref<2x!tpu.dma_semaphore, #tpu.memory_space<semaphore_mem>> -> memref<1x!tpu.dma_semaphore, #tpu.memory_space<semaphore_mem>>
      %dma_start3A_260 = tpu.memref_squeeze %dma_start3A_259 : memref<1x!tpu.dma_semaphore, #tpu.memory_space<semaphore_mem>> -> memref<!tpu.dma_semaphore, #tpu.memory_space<semaphore_mem>>
      %dma_start3A_261 = arith.constant 0 : i32
      %dma_start3A_262 = arith.constant 0 : i32
      %dma_start3A_263 = tpu.memref_slice %arg5[%add3A_249, %dma_start3A_250, %select_n3A, %dma_start3A_261, %dma_start3A_262] : memref<200x8x8x8x128xf32, #tpu.memory_space<hbm>> -> memref<1x1x1x8x128xf32, #tpu.memory_space<hbm>>
      %dma_start3A_264 = tpu.memref_squeeze %dma_start3A_263 : memref<1x1x1x8x128xf32, #tpu.memory_space<hbm>> -> memref<8x128xf32, #tpu.memory_space<hbm>>
      %dma_start3A_265 = arith.constant 48 : i32
      %dma_start3A_266 = arith.constant 0 : i32
      %dma_start3A_267 = tpu.memref_slice %arg8[%rem3A_91, %dma_start3A_265, %dma_start3A_266] : memref<2x64x129xf32, #tpu.memory_space<vmem>> -> memref<1x8x128xf32, #tpu.memory_space<vmem>>
      %dma_start3A_268 = tpu.memref_squeeze %dma_start3A_267 : memref<1x8x128xf32, #tpu.memory_space<vmem>> -> memref<8x128xf32, #tpu.memory_space<vmem>>
      tpu.enqueue_dma source(%dma_start3A_268 : memref<8x128xf32, #tpu.memory_space<vmem>>) target(%dma_start3A_264 : memref<8x128xf32, #tpu.memory_space<hbm>>) target_semaphore(%dma_start3A_260 : memref<!tpu.dma_semaphore, #tpu.memory_space<semaphore_mem>>)
      %add3A_269 = arith.addi %mul3A_20, %scan3A_89 : i32
      %dma_start3A_270 = arith.constant 7 : i32
      %dma_start3A_271 = arith.constant 56 : i32
      %dma_start3A_272 = arith.constant 0 : i32
      %dma_start3A_273 = tpu.memref_slice %arg8[%rem3A_91, %dma_start3A_271, %dma_start3A_272] : memref<2x64x129xf32, #tpu.memory_space<vmem>> -> memref<1x8x128xf32, #tpu.memory_space<vmem>>
      %dma_start3A_274 = tpu.memref_squeeze %dma_start3A_273 : memref<1x8x128xf32, #tpu.memory_space<vmem>> -> memref<8x128xf32, #tpu.memory_space<vmem>>
      %dma_start3A_275 = arith.constant 0 : i32
      %dma_start3A_276 = arith.constant 0 : i32
      %dma_start3A_277 = tpu.memref_slice %arg5[%add3A_269, %dma_start3A_270, %select_n3A, %dma_start3A_275, %dma_start3A_276] : memref<200x8x8x8x128xf32, #tpu.memory_space<hbm>> -> memref<1x1x1x8x128xf32, #tpu.memory_space<hbm>>
      %dma_start3A_278 = tpu.memref_squeeze %dma_start3A_277 : memref<1x1x1x8x128xf32, #tpu.memory_space<hbm>> -> memref<8x128xf32, #tpu.memory_space<hbm>>
      %dma_start3A_279 = tpu.memref_slice %arg11[%rem3A_91] : memref<2x!tpu.dma_semaphore, #tpu.memory_space<semaphore_mem>> -> memref<1x!tpu.dma_semaphore, #tpu.memory_space<semaphore_mem>>
      %dma_start3A_280 = tpu.memref_squeeze %dma_start3A_279 : memref<1x!tpu.dma_semaphore, #tpu.memory_space<semaphore_mem>> -> memref<!tpu.dma_semaphore, #tpu.memory_space<semaphore_mem>>
      %dma_start3A_281 = arith.constant 0 : i32
      %dma_start3A_282 = arith.constant 0 : i32
      %dma_start3A_283 = tpu.memref_slice %arg5[%add3A_269, %dma_start3A_270, %select_n3A, %dma_start3A_281, %dma_start3A_282] : memref<200x8x8x8x128xf32, #tpu.memory_space<hbm>> -> memref<1x1x1x8x128xf32, #tpu.memory_space<hbm>>
      %dma_start3A_284 = tpu.memref_squeeze %dma_start3A_283 : memref<1x1x1x8x128xf32, #tpu.memory_space<hbm>> -> memref<8x128xf32, #tpu.memory_space<hbm>>
      %dma_start3A_285 = arith.constant 56 : i32
      %dma_start3A_286 = arith.constant 0 : i32
      %dma_start3A_287 = tpu.memref_slice %arg8[%rem3A_91, %dma_start3A_285, %dma_start3A_286] : memref<2x64x129xf32, #tpu.memory_space<vmem>> -> memref<1x8x128xf32, #tpu.memory_space<vmem>>
      %dma_start3A_288 = tpu.memref_squeeze %dma_start3A_287 : memref<1x8x128xf32, #tpu.memory_space<vmem>> -> memref<8x128xf32, #tpu.memory_space<vmem>>
      tpu.enqueue_dma source(%dma_start3A_288 : memref<8x128xf32, #tpu.memory_space<vmem>>) target(%dma_start3A_284 : memref<8x128xf32, #tpu.memory_space<hbm>>) target_semaphore(%dma_start3A_280 : memref<!tpu.dma_semaphore, #tpu.memory_space<semaphore_mem>>)
    }
    %scan3A_53 = arith.constant 50 : i32
    %dma_wait3A = arith.constant 1 : i32
    %dma_wait3A_54 = arith.constant 1 : i32
    %dma_wait3A_55 = arith.constant 0 : i32
    %dma_wait3A_56 = arith.constant 0 : i32
    %dma_wait3A_57 = tpu.memref_slice %arg7[%dma_wait3A, %dma_wait3A_55, %dma_wait3A_56] : memref<2x128x64xf32, #tpu.memory_space<vmem>> -> memref<1x128x64xf32, #tpu.memory_space<vmem>>
    %dma_wait3A_58 = tpu.memref_squeeze %dma_wait3A_57 : memref<1x128x64xf32, #tpu.memory_space<vmem>> -> memref<128x64xf32, #tpu.memory_space<vmem>>
    %dma_wait3A_59 = arith.constant 0 : i32
    %dma_wait3A_60 = arith.constant 0 : i32
    %dma_wait3A_61 = tpu.memref_slice %arg4[%dma_wait3A_59, %dma_wait3A_60] : memref<100000x64xf32, #tpu.memory_space<hbm>> -> memref<128x64xf32, #tpu.memory_space<hbm>>
    %dma_wait3A_62 = tpu.memref_slice %arg11[%dma_wait3A_54] : memref<2x!tpu.dma_semaphore, #tpu.memory_space<semaphore_mem>> -> memref<1x!tpu.dma_semaphore, #tpu.memory_space<semaphore_mem>>
    %dma_wait3A_63 = tpu.memref_squeeze %dma_wait3A_62 : memref<1x!tpu.dma_semaphore, #tpu.memory_space<semaphore_mem>> -> memref<!tpu.dma_semaphore, #tpu.memory_space<semaphore_mem>>
    %dma_wait3A_64 = arith.constant 0 : i32
    %dma_wait3A_65 = arith.constant 0 : i32
    %dma_wait3A_66 = tpu.memref_slice %arg7[%dma_wait3A, %dma_wait3A_64, %dma_wait3A_65] : memref<2x128x64xf32, #tpu.memory_space<vmem>> -> memref<1x128x64xf32, #tpu.memory_space<vmem>>
    %dma_wait3A_67 = tpu.memref_squeeze %dma_wait3A_66 : memref<1x128x64xf32, #tpu.memory_space<vmem>> -> memref<128x64xf32, #tpu.memory_space<vmem>>
    %dma_wait3A_68 = arith.constant 0 : i32
    %dma_wait3A_69 = arith.constant 0 : i32
    %dma_wait3A_70 = tpu.memref_slice %arg4[%dma_wait3A_68, %dma_wait3A_69] : memref<100000x64xf32, #tpu.memory_space<hbm>> -> memref<128x64xf32, #tpu.memory_space<hbm>>
    tpu.wait_dma2 semaphore(%dma_wait3A_63 : memref<!tpu.dma_semaphore, #tpu.memory_space<semaphore_mem>>) src(%dma_wait3A_70 : memref<128x64xf32, #tpu.memory_space<hbm>>) dst(%dma_wait3A_67 : memref<128x64xf32, #tpu.memory_space<vmem>>)
    %dma_wait3A_71 = arith.constant 0 : i32
    %dma_wait3A_72 = arith.constant 0 : i32
    %dma_wait3A_73 = arith.constant 0 : i32
    %dma_wait3A_74 = arith.constant 0 : i32
    %dma_wait3A_75 = tpu.memref_slice %arg7[%dma_wait3A_71, %dma_wait3A_73, %dma_wait3A_74] : memref<2x128x64xf32, #tpu.memory_space<vmem>> -> memref<1x128x64xf32, #tpu.memory_space<vmem>>
    %dma_wait3A_76 = tpu.memref_squeeze %dma_wait3A_75 : memref<1x128x64xf32, #tpu.memory_space<vmem>> -> memref<128x64xf32, #tpu.memory_space<vmem>>
    %dma_wait3A_77 = arith.constant 0 : i32
    %dma_wait3A_78 = arith.constant 0 : i32
    %dma_wait3A_79 = tpu.memref_slice %arg4[%dma_wait3A_77, %dma_wait3A_78] : memref<100000x64xf32, #tpu.memory_space<hbm>> -> memref<128x64xf32, #tpu.memory_space<hbm>>
    %dma_wait3A_80 = tpu.memref_slice %arg11[%dma_wait3A_72] : memref<2x!tpu.dma_semaphore, #tpu.memory_space<semaphore_mem>> -> memref<1x!tpu.dma_semaphore, #tpu.memory_space<semaphore_mem>>
    %dma_wait3A_81 = tpu.memref_squeeze %dma_wait3A_80 : memref<1x!tpu.dma_semaphore, #tpu.memory_space<semaphore_mem>> -> memref<!tpu.dma_semaphore, #tpu.memory_space<semaphore_mem>>
    %dma_wait3A_82 = arith.constant 0 : i32
    %dma_wait3A_83 = arith.constant 0 : i32
    %dma_wait3A_84 = tpu.memref_slice %arg7[%dma_wait3A_71, %dma_wait3A_82, %dma_wait3A_83] : memref<2x128x64xf32, #tpu.memory_space<vmem>> -> memref<1x128x64xf32, #tpu.memory_space<vmem>>
    %dma_wait3A_85 = tpu.memref_squeeze %dma_wait3A_84 : memref<1x128x64xf32, #tpu.memory_space<vmem>> -> memref<128x64xf32, #tpu.memory_space<vmem>>
    %dma_wait3A_86 = arith.constant 0 : i32
    %dma_wait3A_87 = arith.constant 0 : i32
    %dma_wait3A_88 = tpu.memref_slice %arg4[%dma_wait3A_86, %dma_wait3A_87] : memref<100000x64xf32, #tpu.memory_space<hbm>> -> memref<128x64xf32, #tpu.memory_space<hbm>>
    tpu.wait_dma2 semaphore(%dma_wait3A_81 : memref<!tpu.dma_semaphore, #tpu.memory_space<semaphore_mem>>) src(%dma_wait3A_88 : memref<128x64xf32, #tpu.memory_space<hbm>>) dst(%dma_wait3A_85 : memref<128x64xf32, #tpu.memory_space<vmem>>)
    return
  }
}

#map = affine_map<(d0, d1) -> (0, 0)>
#map1 = affine_map<(d0, d1) -> (0, 0, 0, 0, 0)>
module attributes {stable_mosaic.version = 14 : i64} {
  func.func @embed_pe_e(%arg0: i32, %arg1: i32, %arg2: memref<200x64xf32, #tpu.memory_space<hbm>>, %arg3: memref<200x1024xi32, #tpu.memory_space<hbm>>, %arg4: memref<100000x64xf32, #tpu.memory_space<hbm>>, %arg5: memref<200x8x8x8x128xf32, #tpu.memory_space<hbm>>, %arg6: memref<50x128xi32, #tpu.memory_space<vmem>>, %arg7: memref<2x128x64xf32, #tpu.memory_space<vmem>>, %arg8: memref<2x64x129xf32, #tpu.memory_space<vmem>>, %arg9: memref<50x64xf32, #tpu.memory_space<vmem>>, %arg10: memref<2x!tpu.dma_semaphore, #tpu.memory_space<semaphore_mem>>, %arg11: memref<2x!tpu.dma_semaphore, #tpu.memory_space<semaphore_mem>>) attributes {dimension_semantics = [#tpu.dimension_semantics<core_parallel>, #tpu.dimension_semantics<subcore_parallel>], iteration_bounds = array<i64: 2, 16>, scalar_prefetch = 0 : i64, scratch_operands = 6 : i64, tpu.core_type = #tpu.core_type<sc_vector_subcore>, window_params = [{transform_indices = #map}, {transform_indices = #map}, {transform_indices = #map}, {transform_indices = #map1}]} {
    %mul3A = arith.constant 2 : i32
    %mul3A_0 = arith.muli %arg1, %mul3A : i32
    %add3A = arith.addi %mul3A_0, %arg0 : i32
    %jit3A = arith.constant 4 : i32
    %div3A = arith.divsi %add3A, %jit3A : i32
    %sign3A = arith.constant 0 : i32
    %sign3A_1 = arith.cmpi sgt, %add3A, %sign3A : i32
    %sign3A_2 = arith.extui %sign3A_1 : i1 to i32
    %sign3A_3 = arith.constant 0 : i32
    %sign3A_4 = arith.cmpi slt, %add3A, %sign3A_3 : i32
    %sign3A_5 = arith.extui %sign3A_4 : i1 to i32
    %sign3A_6 = arith.subi %sign3A_2, %sign3A_5 : i32
    %sign3A_7 = arith.constant 0 : i32
    %sign3A_8 = arith.cmpi sgt, %jit3A, %sign3A_7 : i32
    %sign3A_9 = arith.extui %sign3A_8 : i1 to i32
    %sign3A_10 = arith.constant 0 : i32
    %sign3A_11 = arith.cmpi slt, %jit3A, %sign3A_10 : i32
    %sign3A_12 = arith.extui %sign3A_11 : i1 to i32
    %sign3A_13 = arith.subi %sign3A_9, %sign3A_12 : i32
    %ne3A = arith.cmpi ne, %sign3A_6, %sign3A_13 : i32
    %rem3A = arith.remsi %add3A, %jit3A : i32
    %ne3A_14 = arith.constant 0 : i32
    %ne3A_15 = arith.cmpi ne, %rem3A, %ne3A_14 : i32
    %and3A = arith.andi %ne3A, %ne3A_15 : i1
    %sub3A = arith.constant 1 : i32
    %sub3A_16 = arith.subi %div3A, %sub3A : i32
    %select_n3A = arith.select %and3A, %sub3A_16, %div3A : i32
    %rem3A_17 = arith.constant 4 : i32
    %rem3A_18 = arith.remsi %add3A, %rem3A_17 : i32
    %mul3A_19 = arith.constant 50 : i32
    %mul3A_20 = arith.muli %mul3A_19, %rem3A_18 : i32
    %mul3A_21 = arith.constant 128 : i32
    %mul3A_22 = arith.muli %select_n3A, %mul3A_21 : i32
    "tpu.region"() ({
      %run_scoped3A = tpu.sem_alloc : memref<!tpu.dma_semaphore, #tpu.memory_space<semaphore_mem>>
      %dma_start3A_89 = tpu.memref_slice %arg3[%mul3A_20, %mul3A_22] : memref<200x1024xi32, #tpu.memory_space<hbm>> -> memref<50x128xi32, #tpu.memory_space<hbm>>
      %dma_start3A_90 = tpu.memref_slice %arg3[%mul3A_20, %mul3A_22] : memref<200x1024xi32, #tpu.memory_space<hbm>> -> memref<50x128xi32, #tpu.memory_space<hbm>>
      tpu.enqueue_dma source(%dma_start3A_90 : memref<50x128xi32, #tpu.memory_space<hbm>>) target(%arg6 : memref<50x128xi32, #tpu.memory_space<vmem>>) target_semaphore(%run_scoped3A : memref<!tpu.dma_semaphore, #tpu.memory_space<semaphore_mem>>)
      %dma_wait3A_91 = tpu.memref_slice %arg3[%mul3A_20, %mul3A_22] : memref<200x1024xi32, #tpu.memory_space<hbm>> -> memref<50x128xi32, #tpu.memory_space<hbm>>
      %dma_wait3A_92 = tpu.memref_slice %arg3[%mul3A_20, %mul3A_22] : memref<200x1024xi32, #tpu.memory_space<hbm>> -> memref<50x128xi32, #tpu.memory_space<hbm>>
      tpu.wait_dma2 semaphore(%run_scoped3A : memref<!tpu.dma_semaphore, #tpu.memory_space<semaphore_mem>>) src(%dma_wait3A_92 : memref<50x128xi32, #tpu.memory_space<hbm>>) dst(%arg6 : memref<50x128xi32, #tpu.memory_space<vmem>>)
      tpu.yield
    }) : () -> ()
    "tpu.region"() ({
      %run_scoped3A = tpu.sem_alloc : memref<!tpu.dma_semaphore, #tpu.memory_space<semaphore_mem>>
      %dma_start3A_89 = arith.constant 0 : i32
      %dma_start3A_90 = tpu.memref_slice %arg2[%mul3A_20, %dma_start3A_89] : memref<200x64xf32, #tpu.memory_space<hbm>> -> memref<50x64xf32, #tpu.memory_space<hbm>>
      %dma_start3A_91 = arith.constant 0 : i32
      %dma_start3A_92 = tpu.memref_slice %arg2[%mul3A_20, %dma_start3A_91] : memref<200x64xf32, #tpu.memory_space<hbm>> -> memref<50x64xf32, #tpu.memory_space<hbm>>
      tpu.enqueue_dma source(%dma_start3A_92 : memref<50x64xf32, #tpu.memory_space<hbm>>) target(%arg9 : memref<50x64xf32, #tpu.memory_space<vmem>>) target_semaphore(%run_scoped3A : memref<!tpu.dma_semaphore, #tpu.memory_space<semaphore_mem>>)
      %dma_wait3A_93 = arith.constant 0 : i32
      %dma_wait3A_94 = tpu.memref_slice %arg2[%mul3A_20, %dma_wait3A_93] : memref<200x64xf32, #tpu.memory_space<hbm>> -> memref<50x64xf32, #tpu.memory_space<hbm>>
      %dma_wait3A_95 = arith.constant 0 : i32
      %dma_wait3A_96 = tpu.memref_slice %arg2[%mul3A_20, %dma_wait3A_95] : memref<200x64xf32, #tpu.memory_space<hbm>> -> memref<50x64xf32, #tpu.memory_space<hbm>>
      tpu.wait_dma2 semaphore(%run_scoped3A : memref<!tpu.dma_semaphore, #tpu.memory_space<semaphore_mem>>) src(%dma_wait3A_96 : memref<50x64xf32, #tpu.memory_space<hbm>>) dst(%arg9 : memref<50x64xf32, #tpu.memory_space<vmem>>)
      tpu.yield
    }) : () -> ()
    %iota3A = tpu.iota {dimensions = array<i32: 0>} : vector<16xi32>
    %add3A_23 = arith.constant 0 : i32
    %add3A_24 = vector.broadcast %add3A_23 : i32 to vector<16xi32>
    %add3A_25 = arith.addi %iota3A, %add3A_24 : vector<16xi32>
    %add3A_26 = arith.constant 16 : i32
    %add3A_27 = vector.broadcast %add3A_26 : i32 to vector<16xi32>
    %add3A_28 = arith.addi %iota3A, %add3A_27 : vector<16xi32>
    %add3A_29 = arith.constant 32 : i32
    %add3A_30 = vector.broadcast %add3A_29 : i32 to vector<16xi32>
    %add3A_31 = arith.addi %iota3A, %add3A_30 : vector<16xi32>
    %add3A_32 = arith.constant 48 : i32
    %add3A_33 = vector.broadcast %add3A_32 : i32 to vector<16xi32>
    %add3A_34 = arith.addi %iota3A, %add3A_33 : vector<16xi32>
    %dma_start3A = arith.constant 0 : i32
    %dma_start3A_35 = arith.constant 0 : i32
    %dma_start3A_36 = arith.constant 0 : i32
    %dma_start3A_37 = arith.constant 0 : i32
    %dma_start3A_38 = arith.constant 0 : i32
    %dma_start3A_39 = tpu.memref_slice %arg7[%dma_start3A_35, %dma_start3A_37, %dma_start3A_38] : memref<2x128x64xf32, #tpu.memory_space<vmem>> -> memref<1x128x64xf32, #tpu.memory_space<vmem>>
    %dma_start3A_40 = tpu.memref_squeeze %dma_start3A_39 : memref<1x128x64xf32, #tpu.memory_space<vmem>> -> memref<128x64xf32, #tpu.memory_space<vmem>>
    %dma_start3A_41 = arith.constant 0 : i32
    %dma_start3A_42 = tpu.memref_slice %arg6[%dma_start3A, %dma_start3A_41] : memref<50x128xi32, #tpu.memory_space<vmem>> -> memref<1x128xi32, #tpu.memory_space<vmem>>
    %dma_start3A_43 = tpu.memref_squeeze %dma_start3A_42 : memref<1x128xi32, #tpu.memory_space<vmem>> -> memref<128xi32, #tpu.memory_space<vmem>>
    %dma_start3A_44 = arith.constant 0 : i32
    %dma_start3A_45 = arith.constant 0 : i32
    %dma_start3A_46 = tpu.memref_slice %arg4[%dma_start3A_44, %dma_start3A_45] : memref<100000x64xf32, #tpu.memory_space<hbm>> -> memref<100000x64xf32, #tpu.memory_space<hbm>>
    %dma_start3A_47 = tpu.memref_slice %arg10[%dma_start3A_36] : memref<2x!tpu.dma_semaphore, #tpu.memory_space<semaphore_mem>> -> memref<1x!tpu.dma_semaphore, #tpu.memory_space<semaphore_mem>>
    %dma_start3A_48 = tpu.memref_squeeze %dma_start3A_47 : memref<1x!tpu.dma_semaphore, #tpu.memory_space<semaphore_mem>> -> memref<!tpu.dma_semaphore, #tpu.memory_space<semaphore_mem>>
    tpu.enqueue_indirect_dma source(%dma_start3A_46 : memref<100000x64xf32, #tpu.memory_space<hbm>>) target(%dma_start3A_40 : memref<128x64xf32, #tpu.memory_space<vmem>>) offsets(%dma_start3A_43 : memref<128xi32, #tpu.memory_space<vmem>>) semaphore(%dma_start3A_48 : memref<!tpu.dma_semaphore, #tpu.memory_space<semaphore_mem>>)
    %scan3A = arith.constant 0 : i32
    %scan3A_49 = arith.constant 0 : i32
    %scan3A_50 = arith.constant 50 : i32
    %scan3A_51 = arith.addi %scan3A_49, %scan3A_50 : i32
    %scan3A_52 = arith.constant 1 : i32
    scf.for %scan3A_89 = %scan3A_49 to %scan3A_51 step %scan3A_52  : i32 {
      %rem3A_90 = arith.constant 2 : i32
      %rem3A_91 = arith.remsi %scan3A_89, %rem3A_90 : i32
      %add3A_92 = arith.constant 1 : i32
      %add3A_93 = arith.addi %scan3A_89, %add3A_92 : i32
      %lt3A = arith.constant 50 : i32
      %lt3A_94 = arith.cmpi slt, %add3A_93, %lt3A : i32
      %convert_element_type3A = arith.extui %lt3A_94 : i1 to i32
      %cond3A = arith.constant 0 : i32
      %cond3A_95 = arith.cmpi ne, %convert_element_type3A, %cond3A : i32
      scf.if %cond3A_95 {
        %add3A_289 = arith.constant 1 : i32
        %add3A_290 = arith.addi %scan3A_89, %add3A_289 : i32
        %sub3A_291 = arith.constant 1 : i32
        %sub3A_292 = arith.subi %sub3A_291, %rem3A_91 : i32
        %dma_start3A_293 = arith.constant 0 : i32
        %dma_start3A_294 = arith.constant 0 : i32
        %dma_start3A_295 = tpu.memref_slice %arg7[%sub3A_292, %dma_start3A_293, %dma_start3A_294] : memref<2x128x64xf32, #tpu.memory_space<vmem>> -> memref<1x128x64xf32, #tpu.memory_space<vmem>>
        %dma_start3A_296 = tpu.memref_squeeze %dma_start3A_295 : memref<1x128x64xf32, #tpu.memory_space<vmem>> -> memref<128x64xf32, #tpu.memory_space<vmem>>
        %dma_start3A_297 = arith.constant 0 : i32
        %dma_start3A_298 = tpu.memref_slice %arg6[%add3A_290, %dma_start3A_297] : memref<50x128xi32, #tpu.memory_space<vmem>> -> memref<1x128xi32, #tpu.memory_space<vmem>>
        %dma_start3A_299 = tpu.memref_squeeze %dma_start3A_298 : memref<1x128xi32, #tpu.memory_space<vmem>> -> memref<128xi32, #tpu.memory_space<vmem>>
        %dma_start3A_300 = arith.constant 0 : i32
        %dma_start3A_301 = arith.constant 0 : i32
        %dma_start3A_302 = tpu.memref_slice %arg4[%dma_start3A_300, %dma_start3A_301] : memref<100000x64xf32, #tpu.memory_space<hbm>> -> memref<100000x64xf32, #tpu.memory_space<hbm>>
        %dma_start3A_303 = tpu.memref_slice %arg10[%sub3A_292] : memref<2x!tpu.dma_semaphore, #tpu.memory_space<semaphore_mem>> -> memref<1x!tpu.dma_semaphore, #tpu.memory_space<semaphore_mem>>
        %dma_start3A_304 = tpu.memref_squeeze %dma_start3A_303 : memref<1x!tpu.dma_semaphore, #tpu.memory_space<semaphore_mem>> -> memref<!tpu.dma_semaphore, #tpu.memory_space<semaphore_mem>>
        tpu.enqueue_indirect_dma source(%dma_start3A_302 : memref<100000x64xf32, #tpu.memory_space<hbm>>) target(%dma_start3A_296 : memref<128x64xf32, #tpu.memory_space<vmem>>) offsets(%dma_start3A_299 : memref<128xi32, #tpu.memory_space<vmem>>) semaphore(%dma_start3A_304 : memref<!tpu.dma_semaphore, #tpu.memory_space<semaphore_mem>>)
      } else {
      }
      %dma_wait3A_96 = arith.constant 0 : i32
      %dma_wait3A_97 = arith.constant 0 : i32
      %dma_wait3A_98 = tpu.memref_slice %arg7[%rem3A_91, %dma_wait3A_96, %dma_wait3A_97] : memref<2x128x64xf32, #tpu.memory_space<vmem>> -> memref<1x128x64xf32, #tpu.memory_space<vmem>>
      %dma_wait3A_99 = tpu.memref_squeeze %dma_wait3A_98 : memref<1x128x64xf32, #tpu.memory_space<vmem>> -> memref<128x64xf32, #tpu.memory_space<vmem>>
      %dma_wait3A_100 = arith.constant 0 : i32
      %dma_wait3A_101 = arith.constant 0 : i32
      %dma_wait3A_102 = tpu.memref_slice %arg4[%dma_wait3A_100, %dma_wait3A_101] : memref<100000x64xf32, #tpu.memory_space<hbm>> -> memref<128x64xf32, #tpu.memory_space<hbm>>
      %dma_wait3A_103 = tpu.memref_slice %arg10[%rem3A_91] : memref<2x!tpu.dma_semaphore, #tpu.memory_space<semaphore_mem>> -> memref<1x!tpu.dma_semaphore, #tpu.memory_space<semaphore_mem>>
      %dma_wait3A_104 = tpu.memref_squeeze %dma_wait3A_103 : memref<1x!tpu.dma_semaphore, #tpu.memory_space<semaphore_mem>> -> memref<!tpu.dma_semaphore, #tpu.memory_space<semaphore_mem>>
      %dma_wait3A_105 = arith.constant 0 : i32
      %dma_wait3A_106 = arith.constant 0 : i32
      %dma_wait3A_107 = tpu.memref_slice %arg7[%rem3A_91, %dma_wait3A_105, %dma_wait3A_106] : memref<2x128x64xf32, #tpu.memory_space<vmem>> -> memref<1x128x64xf32, #tpu.memory_space<vmem>>
      %dma_wait3A_108 = tpu.memref_squeeze %dma_wait3A_107 : memref<1x128x64xf32, #tpu.memory_space<vmem>> -> memref<128x64xf32, #tpu.memory_space<vmem>>
      %dma_wait3A_109 = arith.constant 0 : i32
      %dma_wait3A_110 = arith.constant 0 : i32
      %dma_wait3A_111 = tpu.memref_slice %arg4[%dma_wait3A_109, %dma_wait3A_110] : memref<100000x64xf32, #tpu.memory_space<hbm>> -> memref<128x64xf32, #tpu.memory_space<hbm>>
      tpu.wait_dma2 semaphore(%dma_wait3A_104 : memref<!tpu.dma_semaphore, #tpu.memory_space<semaphore_mem>>) src(%dma_wait3A_111 : memref<128x64xf32, #tpu.memory_space<hbm>>) dst(%dma_wait3A_108 : memref<128x64xf32, #tpu.memory_space<vmem>>)
      %ge3A = arith.constant 2 : i32
      %ge3A_112 = arith.cmpi sge, %scan3A_89, %ge3A : i32
      %convert_element_type3A_113 = arith.extui %ge3A_112 : i1 to i32
      %cond3A_114 = arith.constant 0 : i32
      %cond3A_115 = arith.cmpi ne, %convert_element_type3A_113, %cond3A_114 : i32
      scf.if %cond3A_115 {
        %dma_wait3A_289 = arith.constant 0 : i32
        %dma_wait3A_290 = arith.constant 0 : i32
        %dma_wait3A_291 = tpu.memref_slice %arg7[%rem3A_91, %dma_wait3A_289, %dma_wait3A_290] : memref<2x128x64xf32, #tpu.memory_space<vmem>> -> memref<1x128x64xf32, #tpu.memory_space<vmem>>
        %dma_wait3A_292 = tpu.memref_squeeze %dma_wait3A_291 : memref<1x128x64xf32, #tpu.memory_space<vmem>> -> memref<128x64xf32, #tpu.memory_space<vmem>>
        %dma_wait3A_293 = arith.constant 0 : i32
        %dma_wait3A_294 = arith.constant 0 : i32
        %dma_wait3A_295 = tpu.memref_slice %arg4[%dma_wait3A_293, %dma_wait3A_294] : memref<100000x64xf32, #tpu.memory_space<hbm>> -> memref<128x64xf32, #tpu.memory_space<hbm>>
        %dma_wait3A_296 = tpu.memref_slice %arg11[%rem3A_91] : memref<2x!tpu.dma_semaphore, #tpu.memory_space<semaphore_mem>> -> memref<1x!tpu.dma_semaphore, #tpu.memory_space<semaphore_mem>>
        %dma_wait3A_297 = tpu.memref_squeeze %dma_wait3A_296 : memref<1x!tpu.dma_semaphore, #tpu.memory_space<semaphore_mem>> -> memref<!tpu.dma_semaphore, #tpu.memory_space<semaphore_mem>>
        %dma_wait3A_298 = arith.constant 0 : i32
        %dma_wait3A_299 = arith.constant 0 : i32
        %dma_wait3A_300 = tpu.memref_slice %arg7[%rem3A_91, %dma_wait3A_298, %dma_wait3A_299] : memref<2x128x64xf32, #tpu.memory_space<vmem>> -> memref<1x128x64xf32, #tpu.memory_space<vmem>>
        %dma_wait3A_301 = tpu.memref_squeeze %dma_wait3A_300 : memref<1x128x64xf32, #tpu.memory_space<vmem>> -> memref<128x64xf32, #tpu.memory_space<vmem>>
        %dma_wait3A_302 = arith.constant 0 : i32
        %dma_wait3A_303 = arith.constant 0 : i32
        %dma_wait3A_304 = tpu.memref_slice %arg4[%dma_wait3A_302, %dma_wait3A_303] : memref<100000x64xf32, #tpu.memory_space<hbm>> -> memref<128x64xf32, #tpu.memory_space<hbm>>
        tpu.wait_dma2 semaphore(%dma_wait3A_297 : memref<!tpu.dma_semaphore, #tpu.memory_space<semaphore_mem>>) src(%dma_wait3A_304 : memref<128x64xf32, #tpu.memory_space<hbm>>) dst(%dma_wait3A_301 : memref<128x64xf32, #tpu.memory_space<vmem>>)
      } else {
      }
      %get3A = arith.index_cast %scan3A_89 : i32 to index
      %get3A_116 = arith.constant 0 : index
      %get3A_117 = tpu.vector_load %arg9[%get3A, %get3A_116] {strides = array<i32>} : memref<50x64xf32, #tpu.memory_space<vmem>>, vector<16xf32>,
      %get3A_118 = arith.index_cast %scan3A_89 : i32 to index
      %get3A_119 = arith.constant 16 : index
      %get3A_120 = tpu.vector_load %arg9[%get3A_118, %get3A_119] {strides = array<i32>} : memref<50x64xf32, #tpu.memory_space<vmem>>, vector<16xf32>,
      %get3A_121 = arith.index_cast %scan3A_89 : i32 to index
      %get3A_122 = arith.constant 32 : index
      %get3A_123 = tpu.vector_load %arg9[%get3A_121, %get3A_122] {strides = array<i32>} : memref<50x64xf32, #tpu.memory_space<vmem>>, vector<16xf32>,
      %get3A_124 = arith.index_cast %scan3A_89 : i32 to index
      %get3A_125 = arith.constant 48 : index
      %get3A_126 = tpu.vector_load %arg9[%get3A_124, %get3A_125] {strides = array<i32>} : memref<50x64xf32, #tpu.memory_space<vmem>>, vector<16xf32>,
      %parallel_loop3A = arith.constant 0 : i32
      %parallel_loop3A_127 = arith.constant 128 : i32
      %parallel_loop3A_128 = arith.constant 1 : i32
      scf.for %parallel_loop3A_289 = %parallel_loop3A to %parallel_loop3A_127 step %parallel_loop3A_128  : i32 {
        %parallel_loop3A_290 = arith.constant 0 : i32
        %parallel_loop3A_291 = vector.broadcast %parallel_loop3A_290 : i32 to vector<16xi32>
        %parallel_loop3A_292 = arith.muli %iota3A, %parallel_loop3A_291 : vector<16xi32>
        %parallel_loop3A_293 = vector.broadcast %parallel_loop3A_289 : i32 to vector<16xi32>
        %parallel_loop3A_294 = arith.addi %parallel_loop3A_292, %parallel_loop3A_293 : vector<16xi32>
        %parallel_loop3A_295 = arith.index_cast %rem3A_91 : i32 to index
        %parallel_loop3A_296 = arith.index_cast %parallel_loop3A_289 : i32 to index
        %parallel_loop3A_297 = arith.constant 0 : index
        %parallel_loop3A_298 = tpu.vector_load %arg7[%parallel_loop3A_295, %parallel_loop3A_296, %parallel_loop3A_297] {strides = array<i32>} : memref<2x128x64xf32, #tpu.memory_space<vmem>>, vector<16xf32>,
        %parallel_loop3A_299 = arith.addf %parallel_loop3A_298, %get3A_117 : vector<16xf32>
        %parallel_loop3A_300 = arith.constant 0 : i32
        %parallel_loop3A_301 = arith.constant 0 : i32
        %parallel_loop3A_302 = tpu.memref_slice %arg8[%rem3A_91, %parallel_loop3A_300, %parallel_loop3A_301] : memref<2x64x129xf32, #tpu.memory_space<vmem>> -> memref<1x64x129xf32, #tpu.memory_space<vmem>>
        %parallel_loop3A_303 = tpu.memref_squeeze %parallel_loop3A_302 : memref<1x64x129xf32, #tpu.memory_space<vmem>> -> memref<64x129xf32, #tpu.memory_space<vmem>>
        tpu.vector_store_idx %parallel_loop3A_303[%add3A_25, %parallel_loop3A_294], %parallel_loop3A_299 : memref<64x129xf32, #tpu.memory_space<vmem>>[vector<16xi32>, vector<16xi32>], vector<16xf32>,
        %parallel_loop3A_304 = arith.index_cast %rem3A_91 : i32 to index
        %parallel_loop3A_305 = arith.index_cast %parallel_loop3A_289 : i32 to index
        %parallel_loop3A_306 = arith.constant 16 : index
        %parallel_loop3A_307 = tpu.vector_load %arg7[%parallel_loop3A_304, %parallel_loop3A_305, %parallel_loop3A_306] {strides = array<i32>} : memref<2x128x64xf32, #tpu.memory_space<vmem>>, vector<16xf32>,
        %parallel_loop3A_308 = arith.addf %parallel_loop3A_307, %get3A_120 : vector<16xf32>
        %parallel_loop3A_309 = arith.constant 0 : i32
        %parallel_loop3A_310 = arith.constant 0 : i32
        %parallel_loop3A_311 = tpu.memref_slice %arg8[%rem3A_91, %parallel_loop3A_309, %parallel_loop3A_310] : memref<2x64x129xf32, #tpu.memory_space<vmem>> -> memref<1x64x129xf32, #tpu.memory_space<vmem>>
        %parallel_loop3A_312 = tpu.memref_squeeze %parallel_loop3A_311 : memref<1x64x129xf32, #tpu.memory_space<vmem>> -> memref<64x129xf32, #tpu.memory_space<vmem>>
        tpu.vector_store_idx %parallel_loop3A_312[%add3A_28, %parallel_loop3A_294], %parallel_loop3A_308 : memref<64x129xf32, #tpu.memory_space<vmem>>[vector<16xi32>, vector<16xi32>], vector<16xf32>,
        %parallel_loop3A_313 = arith.index_cast %rem3A_91 : i32 to index
        %parallel_loop3A_314 = arith.index_cast %parallel_loop3A_289 : i32 to index
        %parallel_loop3A_315 = arith.constant 32 : index
        %parallel_loop3A_316 = tpu.vector_load %arg7[%parallel_loop3A_313, %parallel_loop3A_314, %parallel_loop3A_315] {strides = array<i32>} : memref<2x128x64xf32, #tpu.memory_space<vmem>>, vector<16xf32>,
        %parallel_loop3A_317 = arith.addf %parallel_loop3A_316, %get3A_123 : vector<16xf32>
        %parallel_loop3A_318 = arith.constant 0 : i32
        %parallel_loop3A_319 = arith.constant 0 : i32
        %parallel_loop3A_320 = tpu.memref_slice %arg8[%rem3A_91, %parallel_loop3A_318, %parallel_loop3A_319] : memref<2x64x129xf32, #tpu.memory_space<vmem>> -> memref<1x64x129xf32, #tpu.memory_space<vmem>>
        %parallel_loop3A_321 = tpu.memref_squeeze %parallel_loop3A_320 : memref<1x64x129xf32, #tpu.memory_space<vmem>> -> memref<64x129xf32, #tpu.memory_space<vmem>>
        tpu.vector_store_idx %parallel_loop3A_321[%add3A_31, %parallel_loop3A_294], %parallel_loop3A_317 : memref<64x129xf32, #tpu.memory_space<vmem>>[vector<16xi32>, vector<16xi32>], vector<16xf32>,
        %parallel_loop3A_322 = arith.index_cast %rem3A_91 : i32 to index
        %parallel_loop3A_323 = arith.index_cast %parallel_loop3A_289 : i32 to index
        %parallel_loop3A_324 = arith.constant 48 : index
        %parallel_loop3A_325 = tpu.vector_load %arg7[%parallel_loop3A_322, %parallel_loop3A_323, %parallel_loop3A_324] {strides = array<i32>} : memref<2x128x64xf32, #tpu.memory_space<vmem>>, vector<16xf32>,
        %parallel_loop3A_326 = arith.addf %parallel_loop3A_325, %get3A_126 : vector<16xf32>
        %parallel_loop3A_327 = arith.constant 0 : i32
        %parallel_loop3A_328 = arith.constant 0 : i32
        %parallel_loop3A_329 = tpu.memref_slice %arg8[%rem3A_91, %parallel_loop3A_327, %parallel_loop3A_328] : memref<2x64x129xf32, #tpu.memory_space<vmem>> -> memref<1x64x129xf32, #tpu.memory_space<vmem>>
        %parallel_loop3A_330 = tpu.memref_squeeze %parallel_loop3A_329 : memref<1x64x129xf32, #tpu.memory_space<vmem>> -> memref<64x129xf32, #tpu.memory_space<vmem>>
        tpu.vector_store_idx %parallel_loop3A_330[%add3A_34, %parallel_loop3A_294], %parallel_loop3A_326 : memref<64x129xf32, #tpu.memory_space<vmem>>[vector<16xi32>, vector<16xi32>], vector<16xf32>,
      } {sc.loop_unroll_factor = 8 : i64, sc.parallel_access}
      %add3A_129 = arith.addi %mul3A_20, %scan3A_89 : i32
      %dma_start3A_130 = arith.constant 0 : i32
      %dma_start3A_131 = arith.constant 0 : i32
      %dma_start3A_132 = arith.constant 0 : i32
      %dma_start3A_133 = tpu.memref_slice %arg8[%rem3A_91, %dma_start3A_131, %dma_start3A_132] : memref<2x64x129xf32, #tpu.memory_space<vmem>> -> memref<1x8x128xf32, #tpu.memory_space<vmem>>
      %dma_start3A_134 = tpu.memref_squeeze %dma_start3A_133 : memref<1x8x128xf32, #tpu.memory_space<vmem>> -> memref<8x128xf32, #tpu.memory_space<vmem>>
      %dma_start3A_135 = arith.constant 0 : i32
      %dma_start3A_136 = arith.constant 0 : i32
      %dma_start3A_137 = tpu.memref_slice %arg5[%add3A_129, %dma_start3A_130, %select_n3A, %dma_start3A_135, %dma_start3A_136] : memref<200x8x8x8x128xf32, #tpu.memory_space<hbm>> -> memref<1x1x1x8x128xf32, #tpu.memory_space<hbm>>
      %dma_start3A_138 = tpu.memref_squeeze %dma_start3A_137 : memref<1x1x1x8x128xf32, #tpu.memory_space<hbm>> -> memref<8x128xf32, #tpu.memory_space<hbm>>
      %dma_start3A_139 = tpu.memref_slice %arg11[%rem3A_91] : memref<2x!tpu.dma_semaphore, #tpu.memory_space<semaphore_mem>> -> memref<1x!tpu.dma_semaphore, #tpu.memory_space<semaphore_mem>>
      %dma_start3A_140 = tpu.memref_squeeze %dma_start3A_139 : memref<1x!tpu.dma_semaphore, #tpu.memory_space<semaphore_mem>> -> memref<!tpu.dma_semaphore, #tpu.memory_space<semaphore_mem>>
      %dma_start3A_141 = arith.constant 0 : i32
      %dma_start3A_142 = arith.constant 0 : i32
      %dma_start3A_143 = tpu.memref_slice %arg5[%add3A_129, %dma_start3A_130, %select_n3A, %dma_start3A_141, %dma_start3A_142] : memref<200x8x8x8x128xf32, #tpu.memory_space<hbm>> -> memref<1x1x1x8x128xf32, #tpu.memory_space<hbm>>
      %dma_start3A_144 = tpu.memref_squeeze %dma_start3A_143 : memref<1x1x1x8x128xf32, #tpu.memory_space<hbm>> -> memref<8x128xf32, #tpu.memory_space<hbm>>
      %dma_start3A_145 = arith.constant 0 : i32
      %dma_start3A_146 = arith.constant 0 : i32
      %dma_start3A_147 = tpu.memref_slice %arg8[%rem3A_91, %dma_start3A_145, %dma_start3A_146] : memref<2x64x129xf32, #tpu.memory_space<vmem>> -> memref<1x8x128xf32, #tpu.memory_space<vmem>>
      %dma_start3A_148 = tpu.memref_squeeze %dma_start3A_147 : memref<1x8x128xf32, #tpu.memory_space<vmem>> -> memref<8x128xf32, #tpu.memory_space<vmem>>
      tpu.enqueue_dma source(%dma_start3A_148 : memref<8x128xf32, #tpu.memory_space<vmem>>) target(%dma_start3A_144 : memref<8x128xf32, #tpu.memory_space<hbm>>) target_semaphore(%dma_start3A_140 : memref<!tpu.dma_semaphore, #tpu.memory_space<semaphore_mem>>)
      %add3A_149 = arith.addi %mul3A_20, %scan3A_89 : i32
      %dma_start3A_150 = arith.constant 1 : i32
      %dma_start3A_151 = arith.constant 8 : i32
      %dma_start3A_152 = arith.constant 0 : i32
      %dma_start3A_153 = tpu.memref_slice %arg8[%rem3A_91, %dma_start3A_151, %dma_start3A_152] : memref<2x64x129xf32, #tpu.memory_space<vmem>> -> memref<1x8x128xf32, #tpu.memory_space<vmem>>
      %dma_start3A_154 = tpu.memref_squeeze %dma_start3A_153 : memref<1x8x128xf32, #tpu.memory_space<vmem>> -> memref<8x128xf32, #tpu.memory_space<vmem>>
      %dma_start3A_155 = arith.constant 0 : i32
      %dma_start3A_156 = arith.constant 0 : i32
      %dma_start3A_157 = tpu.memref_slice %arg5[%add3A_149, %dma_start3A_150, %select_n3A, %dma_start3A_155, %dma_start3A_156] : memref<200x8x8x8x128xf32, #tpu.memory_space<hbm>> -> memref<1x1x1x8x128xf32, #tpu.memory_space<hbm>>
      %dma_start3A_158 = tpu.memref_squeeze %dma_start3A_157 : memref<1x1x1x8x128xf32, #tpu.memory_space<hbm>> -> memref<8x128xf32, #tpu.memory_space<hbm>>
      %dma_start3A_159 = tpu.memref_slice %arg11[%rem3A_91] : memref<2x!tpu.dma_semaphore, #tpu.memory_space<semaphore_mem>> -> memref<1x!tpu.dma_semaphore, #tpu.memory_space<semaphore_mem>>
      %dma_start3A_160 = tpu.memref_squeeze %dma_start3A_159 : memref<1x!tpu.dma_semaphore, #tpu.memory_space<semaphore_mem>> -> memref<!tpu.dma_semaphore, #tpu.memory_space<semaphore_mem>>
      %dma_start3A_161 = arith.constant 0 : i32
      %dma_start3A_162 = arith.constant 0 : i32
      %dma_start3A_163 = tpu.memref_slice %arg5[%add3A_149, %dma_start3A_150, %select_n3A, %dma_start3A_161, %dma_start3A_162] : memref<200x8x8x8x128xf32, #tpu.memory_space<hbm>> -> memref<1x1x1x8x128xf32, #tpu.memory_space<hbm>>
      %dma_start3A_164 = tpu.memref_squeeze %dma_start3A_163 : memref<1x1x1x8x128xf32, #tpu.memory_space<hbm>> -> memref<8x128xf32, #tpu.memory_space<hbm>>
      %dma_start3A_165 = arith.constant 8 : i32
      %dma_start3A_166 = arith.constant 0 : i32
      %dma_start3A_167 = tpu.memref_slice %arg8[%rem3A_91, %dma_start3A_165, %dma_start3A_166] : memref<2x64x129xf32, #tpu.memory_space<vmem>> -> memref<1x8x128xf32, #tpu.memory_space<vmem>>
      %dma_start3A_168 = tpu.memref_squeeze %dma_start3A_167 : memref<1x8x128xf32, #tpu.memory_space<vmem>> -> memref<8x128xf32, #tpu.memory_space<vmem>>
      tpu.enqueue_dma source(%dma_start3A_168 : memref<8x128xf32, #tpu.memory_space<vmem>>) target(%dma_start3A_164 : memref<8x128xf32, #tpu.memory_space<hbm>>) target_semaphore(%dma_start3A_160 : memref<!tpu.dma_semaphore, #tpu.memory_space<semaphore_mem>>)
      %add3A_169 = arith.addi %mul3A_20, %scan3A_89 : i32
      %dma_start3A_170 = arith.constant 2 : i32
      %dma_start3A_171 = arith.constant 16 : i32
      %dma_start3A_172 = arith.constant 0 : i32
      %dma_start3A_173 = tpu.memref_slice %arg8[%rem3A_91, %dma_start3A_171, %dma_start3A_172] : memref<2x64x129xf32, #tpu.memory_space<vmem>> -> memref<1x8x128xf32, #tpu.memory_space<vmem>>
      %dma_start3A_174 = tpu.memref_squeeze %dma_start3A_173 : memref<1x8x128xf32, #tpu.memory_space<vmem>> -> memref<8x128xf32, #tpu.memory_space<vmem>>
      %dma_start3A_175 = arith.constant 0 : i32
      %dma_start3A_176 = arith.constant 0 : i32
      %dma_start3A_177 = tpu.memref_slice %arg5[%add3A_169, %dma_start3A_170, %select_n3A, %dma_start3A_175, %dma_start3A_176] : memref<200x8x8x8x128xf32, #tpu.memory_space<hbm>> -> memref<1x1x1x8x128xf32, #tpu.memory_space<hbm>>
      %dma_start3A_178 = tpu.memref_squeeze %dma_start3A_177 : memref<1x1x1x8x128xf32, #tpu.memory_space<hbm>> -> memref<8x128xf32, #tpu.memory_space<hbm>>
      %dma_start3A_179 = tpu.memref_slice %arg11[%rem3A_91] : memref<2x!tpu.dma_semaphore, #tpu.memory_space<semaphore_mem>> -> memref<1x!tpu.dma_semaphore, #tpu.memory_space<semaphore_mem>>
      %dma_start3A_180 = tpu.memref_squeeze %dma_start3A_179 : memref<1x!tpu.dma_semaphore, #tpu.memory_space<semaphore_mem>> -> memref<!tpu.dma_semaphore, #tpu.memory_space<semaphore_mem>>
      %dma_start3A_181 = arith.constant 0 : i32
      %dma_start3A_182 = arith.constant 0 : i32
      %dma_start3A_183 = tpu.memref_slice %arg5[%add3A_169, %dma_start3A_170, %select_n3A, %dma_start3A_181, %dma_start3A_182] : memref<200x8x8x8x128xf32, #tpu.memory_space<hbm>> -> memref<1x1x1x8x128xf32, #tpu.memory_space<hbm>>
      %dma_start3A_184 = tpu.memref_squeeze %dma_start3A_183 : memref<1x1x1x8x128xf32, #tpu.memory_space<hbm>> -> memref<8x128xf32, #tpu.memory_space<hbm>>
      %dma_start3A_185 = arith.constant 16 : i32
      %dma_start3A_186 = arith.constant 0 : i32
      %dma_start3A_187 = tpu.memref_slice %arg8[%rem3A_91, %dma_start3A_185, %dma_start3A_186] : memref<2x64x129xf32, #tpu.memory_space<vmem>> -> memref<1x8x128xf32, #tpu.memory_space<vmem>>
      %dma_start3A_188 = tpu.memref_squeeze %dma_start3A_187 : memref<1x8x128xf32, #tpu.memory_space<vmem>> -> memref<8x128xf32, #tpu.memory_space<vmem>>
      tpu.enqueue_dma source(%dma_start3A_188 : memref<8x128xf32, #tpu.memory_space<vmem>>) target(%dma_start3A_184 : memref<8x128xf32, #tpu.memory_space<hbm>>) target_semaphore(%dma_start3A_180 : memref<!tpu.dma_semaphore, #tpu.memory_space<semaphore_mem>>)
      %add3A_189 = arith.addi %mul3A_20, %scan3A_89 : i32
      %dma_start3A_190 = arith.constant 3 : i32
      %dma_start3A_191 = arith.constant 24 : i32
      %dma_start3A_192 = arith.constant 0 : i32
      %dma_start3A_193 = tpu.memref_slice %arg8[%rem3A_91, %dma_start3A_191, %dma_start3A_192] : memref<2x64x129xf32, #tpu.memory_space<vmem>> -> memref<1x8x128xf32, #tpu.memory_space<vmem>>
      %dma_start3A_194 = tpu.memref_squeeze %dma_start3A_193 : memref<1x8x128xf32, #tpu.memory_space<vmem>> -> memref<8x128xf32, #tpu.memory_space<vmem>>
      %dma_start3A_195 = arith.constant 0 : i32
      %dma_start3A_196 = arith.constant 0 : i32
      %dma_start3A_197 = tpu.memref_slice %arg5[%add3A_189, %dma_start3A_190, %select_n3A, %dma_start3A_195, %dma_start3A_196] : memref<200x8x8x8x128xf32, #tpu.memory_space<hbm>> -> memref<1x1x1x8x128xf32, #tpu.memory_space<hbm>>
      %dma_start3A_198 = tpu.memref_squeeze %dma_start3A_197 : memref<1x1x1x8x128xf32, #tpu.memory_space<hbm>> -> memref<8x128xf32, #tpu.memory_space<hbm>>
      %dma_start3A_199 = tpu.memref_slice %arg11[%rem3A_91] : memref<2x!tpu.dma_semaphore, #tpu.memory_space<semaphore_mem>> -> memref<1x!tpu.dma_semaphore, #tpu.memory_space<semaphore_mem>>
      %dma_start3A_200 = tpu.memref_squeeze %dma_start3A_199 : memref<1x!tpu.dma_semaphore, #tpu.memory_space<semaphore_mem>> -> memref<!tpu.dma_semaphore, #tpu.memory_space<semaphore_mem>>
      %dma_start3A_201 = arith.constant 0 : i32
      %dma_start3A_202 = arith.constant 0 : i32
      %dma_start3A_203 = tpu.memref_slice %arg5[%add3A_189, %dma_start3A_190, %select_n3A, %dma_start3A_201, %dma_start3A_202] : memref<200x8x8x8x128xf32, #tpu.memory_space<hbm>> -> memref<1x1x1x8x128xf32, #tpu.memory_space<hbm>>
      %dma_start3A_204 = tpu.memref_squeeze %dma_start3A_203 : memref<1x1x1x8x128xf32, #tpu.memory_space<hbm>> -> memref<8x128xf32, #tpu.memory_space<hbm>>
      %dma_start3A_205 = arith.constant 24 : i32
      %dma_start3A_206 = arith.constant 0 : i32
      %dma_start3A_207 = tpu.memref_slice %arg8[%rem3A_91, %dma_start3A_205, %dma_start3A_206] : memref<2x64x129xf32, #tpu.memory_space<vmem>> -> memref<1x8x128xf32, #tpu.memory_space<vmem>>
      %dma_start3A_208 = tpu.memref_squeeze %dma_start3A_207 : memref<1x8x128xf32, #tpu.memory_space<vmem>> -> memref<8x128xf32, #tpu.memory_space<vmem>>
      tpu.enqueue_dma source(%dma_start3A_208 : memref<8x128xf32, #tpu.memory_space<vmem>>) target(%dma_start3A_204 : memref<8x128xf32, #tpu.memory_space<hbm>>) target_semaphore(%dma_start3A_200 : memref<!tpu.dma_semaphore, #tpu.memory_space<semaphore_mem>>)
      %add3A_209 = arith.addi %mul3A_20, %scan3A_89 : i32
      %dma_start3A_210 = arith.constant 4 : i32
      %dma_start3A_211 = arith.constant 32 : i32
      %dma_start3A_212 = arith.constant 0 : i32
      %dma_start3A_213 = tpu.memref_slice %arg8[%rem3A_91, %dma_start3A_211, %dma_start3A_212] : memref<2x64x129xf32, #tpu.memory_space<vmem>> -> memref<1x8x128xf32, #tpu.memory_space<vmem>>
      %dma_start3A_214 = tpu.memref_squeeze %dma_start3A_213 : memref<1x8x128xf32, #tpu.memory_space<vmem>> -> memref<8x128xf32, #tpu.memory_space<vmem>>
      %dma_start3A_215 = arith.constant 0 : i32
      %dma_start3A_216 = arith.constant 0 : i32
      %dma_start3A_217 = tpu.memref_slice %arg5[%add3A_209, %dma_start3A_210, %select_n3A, %dma_start3A_215, %dma_start3A_216] : memref<200x8x8x8x128xf32, #tpu.memory_space<hbm>> -> memref<1x1x1x8x128xf32, #tpu.memory_space<hbm>>
      %dma_start3A_218 = tpu.memref_squeeze %dma_start3A_217 : memref<1x1x1x8x128xf32, #tpu.memory_space<hbm>> -> memref<8x128xf32, #tpu.memory_space<hbm>>
      %dma_start3A_219 = tpu.memref_slice %arg11[%rem3A_91] : memref<2x!tpu.dma_semaphore, #tpu.memory_space<semaphore_mem>> -> memref<1x!tpu.dma_semaphore, #tpu.memory_space<semaphore_mem>>
      %dma_start3A_220 = tpu.memref_squeeze %dma_start3A_219 : memref<1x!tpu.dma_semaphore, #tpu.memory_space<semaphore_mem>> -> memref<!tpu.dma_semaphore, #tpu.memory_space<semaphore_mem>>
      %dma_start3A_221 = arith.constant 0 : i32
      %dma_start3A_222 = arith.constant 0 : i32
      %dma_start3A_223 = tpu.memref_slice %arg5[%add3A_209, %dma_start3A_210, %select_n3A, %dma_start3A_221, %dma_start3A_222] : memref<200x8x8x8x128xf32, #tpu.memory_space<hbm>> -> memref<1x1x1x8x128xf32, #tpu.memory_space<hbm>>
      %dma_start3A_224 = tpu.memref_squeeze %dma_start3A_223 : memref<1x1x1x8x128xf32, #tpu.memory_space<hbm>> -> memref<8x128xf32, #tpu.memory_space<hbm>>
      %dma_start3A_225 = arith.constant 32 : i32
      %dma_start3A_226 = arith.constant 0 : i32
      %dma_start3A_227 = tpu.memref_slice %arg8[%rem3A_91, %dma_start3A_225, %dma_start3A_226] : memref<2x64x129xf32, #tpu.memory_space<vmem>> -> memref<1x8x128xf32, #tpu.memory_space<vmem>>
      %dma_start3A_228 = tpu.memref_squeeze %dma_start3A_227 : memref<1x8x128xf32, #tpu.memory_space<vmem>> -> memref<8x128xf32, #tpu.memory_space<vmem>>
      tpu.enqueue_dma source(%dma_start3A_228 : memref<8x128xf32, #tpu.memory_space<vmem>>) target(%dma_start3A_224 : memref<8x128xf32, #tpu.memory_space<hbm>>) target_semaphore(%dma_start3A_220 : memref<!tpu.dma_semaphore, #tpu.memory_space<semaphore_mem>>)
      %add3A_229 = arith.addi %mul3A_20, %scan3A_89 : i32
      %dma_start3A_230 = arith.constant 5 : i32
      %dma_start3A_231 = arith.constant 40 : i32
      %dma_start3A_232 = arith.constant 0 : i32
      %dma_start3A_233 = tpu.memref_slice %arg8[%rem3A_91, %dma_start3A_231, %dma_start3A_232] : memref<2x64x129xf32, #tpu.memory_space<vmem>> -> memref<1x8x128xf32, #tpu.memory_space<vmem>>
      %dma_start3A_234 = tpu.memref_squeeze %dma_start3A_233 : memref<1x8x128xf32, #tpu.memory_space<vmem>> -> memref<8x128xf32, #tpu.memory_space<vmem>>
      %dma_start3A_235 = arith.constant 0 : i32
      %dma_start3A_236 = arith.constant 0 : i32
      %dma_start3A_237 = tpu.memref_slice %arg5[%add3A_229, %dma_start3A_230, %select_n3A, %dma_start3A_235, %dma_start3A_236] : memref<200x8x8x8x128xf32, #tpu.memory_space<hbm>> -> memref<1x1x1x8x128xf32, #tpu.memory_space<hbm>>
      %dma_start3A_238 = tpu.memref_squeeze %dma_start3A_237 : memref<1x1x1x8x128xf32, #tpu.memory_space<hbm>> -> memref<8x128xf32, #tpu.memory_space<hbm>>
      %dma_start3A_239 = tpu.memref_slice %arg11[%rem3A_91] : memref<2x!tpu.dma_semaphore, #tpu.memory_space<semaphore_mem>> -> memref<1x!tpu.dma_semaphore, #tpu.memory_space<semaphore_mem>>
      %dma_start3A_240 = tpu.memref_squeeze %dma_start3A_239 : memref<1x!tpu.dma_semaphore, #tpu.memory_space<semaphore_mem>> -> memref<!tpu.dma_semaphore, #tpu.memory_space<semaphore_mem>>
      %dma_start3A_241 = arith.constant 0 : i32
      %dma_start3A_242 = arith.constant 0 : i32
      %dma_start3A_243 = tpu.memref_slice %arg5[%add3A_229, %dma_start3A_230, %select_n3A, %dma_start3A_241, %dma_start3A_242] : memref<200x8x8x8x128xf32, #tpu.memory_space<hbm>> -> memref<1x1x1x8x128xf32, #tpu.memory_space<hbm>>
      %dma_start3A_244 = tpu.memref_squeeze %dma_start3A_243 : memref<1x1x1x8x128xf32, #tpu.memory_space<hbm>> -> memref<8x128xf32, #tpu.memory_space<hbm>>
      %dma_start3A_245 = arith.constant 40 : i32
      %dma_start3A_246 = arith.constant 0 : i32
      %dma_start3A_247 = tpu.memref_slice %arg8[%rem3A_91, %dma_start3A_245, %dma_start3A_246] : memref<2x64x129xf32, #tpu.memory_space<vmem>> -> memref<1x8x128xf32, #tpu.memory_space<vmem>>
      %dma_start3A_248 = tpu.memref_squeeze %dma_start3A_247 : memref<1x8x128xf32, #tpu.memory_space<vmem>> -> memref<8x128xf32, #tpu.memory_space<vmem>>
      tpu.enqueue_dma source(%dma_start3A_248 : memref<8x128xf32, #tpu.memory_space<vmem>>) target(%dma_start3A_244 : memref<8x128xf32, #tpu.memory_space<hbm>>) target_semaphore(%dma_start3A_240 : memref<!tpu.dma_semaphore, #tpu.memory_space<semaphore_mem>>)
      %add3A_249 = arith.addi %mul3A_20, %scan3A_89 : i32
      %dma_start3A_250 = arith.constant 6 : i32
      %dma_start3A_251 = arith.constant 48 : i32
      %dma_start3A_252 = arith.constant 0 : i32
      %dma_start3A_253 = tpu.memref_slice %arg8[%rem3A_91, %dma_start3A_251, %dma_start3A_252] : memref<2x64x129xf32, #tpu.memory_space<vmem>> -> memref<1x8x128xf32, #tpu.memory_space<vmem>>
      %dma_start3A_254 = tpu.memref_squeeze %dma_start3A_253 : memref<1x8x128xf32, #tpu.memory_space<vmem>> -> memref<8x128xf32, #tpu.memory_space<vmem>>
      %dma_start3A_255 = arith.constant 0 : i32
      %dma_start3A_256 = arith.constant 0 : i32
      %dma_start3A_257 = tpu.memref_slice %arg5[%add3A_249, %dma_start3A_250, %select_n3A, %dma_start3A_255, %dma_start3A_256] : memref<200x8x8x8x128xf32, #tpu.memory_space<hbm>> -> memref<1x1x1x8x128xf32, #tpu.memory_space<hbm>>
      %dma_start3A_258 = tpu.memref_squeeze %dma_start3A_257 : memref<1x1x1x8x128xf32, #tpu.memory_space<hbm>> -> memref<8x128xf32, #tpu.memory_space<hbm>>
      %dma_start3A_259 = tpu.memref_slice %arg11[%rem3A_91] : memref<2x!tpu.dma_semaphore, #tpu.memory_space<semaphore_mem>> -> memref<1x!tpu.dma_semaphore, #tpu.memory_space<semaphore_mem>>
      %dma_start3A_260 = tpu.memref_squeeze %dma_start3A_259 : memref<1x!tpu.dma_semaphore, #tpu.memory_space<semaphore_mem>> -> memref<!tpu.dma_semaphore, #tpu.memory_space<semaphore_mem>>
      %dma_start3A_261 = arith.constant 0 : i32
      %dma_start3A_262 = arith.constant 0 : i32
      %dma_start3A_263 = tpu.memref_slice %arg5[%add3A_249, %dma_start3A_250, %select_n3A, %dma_start3A_261, %dma_start3A_262] : memref<200x8x8x8x128xf32, #tpu.memory_space<hbm>> -> memref<1x1x1x8x128xf32, #tpu.memory_space<hbm>>
      %dma_start3A_264 = tpu.memref_squeeze %dma_start3A_263 : memref<1x1x1x8x128xf32, #tpu.memory_space<hbm>> -> memref<8x128xf32, #tpu.memory_space<hbm>>
      %dma_start3A_265 = arith.constant 48 : i32
      %dma_start3A_266 = arith.constant 0 : i32
      %dma_start3A_267 = tpu.memref_slice %arg8[%rem3A_91, %dma_start3A_265, %dma_start3A_266] : memref<2x64x129xf32, #tpu.memory_space<vmem>> -> memref<1x8x128xf32, #tpu.memory_space<vmem>>
      %dma_start3A_268 = tpu.memref_squeeze %dma_start3A_267 : memref<1x8x128xf32, #tpu.memory_space<vmem>> -> memref<8x128xf32, #tpu.memory_space<vmem>>
      tpu.enqueue_dma source(%dma_start3A_268 : memref<8x128xf32, #tpu.memory_space<vmem>>) target(%dma_start3A_264 : memref<8x128xf32, #tpu.memory_space<hbm>>) target_semaphore(%dma_start3A_260 : memref<!tpu.dma_semaphore, #tpu.memory_space<semaphore_mem>>)
      %add3A_269 = arith.addi %mul3A_20, %scan3A_89 : i32
      %dma_start3A_270 = arith.constant 7 : i32
      %dma_start3A_271 = arith.constant 56 : i32
      %dma_start3A_272 = arith.constant 0 : i32
      %dma_start3A_273 = tpu.memref_slice %arg8[%rem3A_91, %dma_start3A_271, %dma_start3A_272] : memref<2x64x129xf32, #tpu.memory_space<vmem>> -> memref<1x8x128xf32, #tpu.memory_space<vmem>>
      %dma_start3A_274 = tpu.memref_squeeze %dma_start3A_273 : memref<1x8x128xf32, #tpu.memory_space<vmem>> -> memref<8x128xf32, #tpu.memory_space<vmem>>
      %dma_start3A_275 = arith.constant 0 : i32
      %dma_start3A_276 = arith.constant 0 : i32
      %dma_start3A_277 = tpu.memref_slice %arg5[%add3A_269, %dma_start3A_270, %select_n3A, %dma_start3A_275, %dma_start3A_276] : memref<200x8x8x8x128xf32, #tpu.memory_space<hbm>> -> memref<1x1x1x8x128xf32, #tpu.memory_space<hbm>>
      %dma_start3A_278 = tpu.memref_squeeze %dma_start3A_277 : memref<1x1x1x8x128xf32, #tpu.memory_space<hbm>> -> memref<8x128xf32, #tpu.memory_space<hbm>>
      %dma_start3A_279 = tpu.memref_slice %arg11[%rem3A_91] : memref<2x!tpu.dma_semaphore, #tpu.memory_space<semaphore_mem>> -> memref<1x!tpu.dma_semaphore, #tpu.memory_space<semaphore_mem>>
      %dma_start3A_280 = tpu.memref_squeeze %dma_start3A_279 : memref<1x!tpu.dma_semaphore, #tpu.memory_space<semaphore_mem>> -> memref<!tpu.dma_semaphore, #tpu.memory_space<semaphore_mem>>
      %dma_start3A_281 = arith.constant 0 : i32
      %dma_start3A_282 = arith.constant 0 : i32
      %dma_start3A_283 = tpu.memref_slice %arg5[%add3A_269, %dma_start3A_270, %select_n3A, %dma_start3A_281, %dma_start3A_282] : memref<200x8x8x8x128xf32, #tpu.memory_space<hbm>> -> memref<1x1x1x8x128xf32, #tpu.memory_space<hbm>>
      %dma_start3A_284 = tpu.memref_squeeze %dma_start3A_283 : memref<1x1x1x8x128xf32, #tpu.memory_space<hbm>> -> memref<8x128xf32, #tpu.memory_space<hbm>>
      %dma_start3A_285 = arith.constant 56 : i32
      %dma_start3A_286 = arith.constant 0 : i32
      %dma_start3A_287 = tpu.memref_slice %arg8[%rem3A_91, %dma_start3A_285, %dma_start3A_286] : memref<2x64x129xf32, #tpu.memory_space<vmem>> -> memref<1x8x128xf32, #tpu.memory_space<vmem>>
      %dma_start3A_288 = tpu.memref_squeeze %dma_start3A_287 : memref<1x8x128xf32, #tpu.memory_space<vmem>> -> memref<8x128xf32, #tpu.memory_space<vmem>>
      tpu.enqueue_dma source(%dma_start3A_288 : memref<8x128xf32, #tpu.memory_space<vmem>>) target(%dma_start3A_284 : memref<8x128xf32, #tpu.memory_space<hbm>>) target_semaphore(%dma_start3A_280 : memref<!tpu.dma_semaphore, #tpu.memory_space<semaphore_mem>>)
    }
    %scan3A_53 = arith.constant 50 : i32
    %dma_wait3A = arith.constant 1 : i32
    %dma_wait3A_54 = arith.constant 1 : i32
    %dma_wait3A_55 = arith.constant 0 : i32
    %dma_wait3A_56 = arith.constant 0 : i32
    %dma_wait3A_57 = tpu.memref_slice %arg7[%dma_wait3A, %dma_wait3A_55, %dma_wait3A_56] : memref<2x128x64xf32, #tpu.memory_space<vmem>> -> memref<1x128x64xf32, #tpu.memory_space<vmem>>
    %dma_wait3A_58 = tpu.memref_squeeze %dma_wait3A_57 : memref<1x128x64xf32, #tpu.memory_space<vmem>> -> memref<128x64xf32, #tpu.memory_space<vmem>>
    %dma_wait3A_59 = arith.constant 0 : i32
    %dma_wait3A_60 = arith.constant 0 : i32
    %dma_wait3A_61 = tpu.memref_slice %arg4[%dma_wait3A_59, %dma_wait3A_60] : memref<100000x64xf32, #tpu.memory_space<hbm>> -> memref<128x64xf32, #tpu.memory_space<hbm>>
    %dma_wait3A_62 = tpu.memref_slice %arg11[%dma_wait3A_54] : memref<2x!tpu.dma_semaphore, #tpu.memory_space<semaphore_mem>> -> memref<1x!tpu.dma_semaphore, #tpu.memory_space<semaphore_mem>>
    %dma_wait3A_63 = tpu.memref_squeeze %dma_wait3A_62 : memref<1x!tpu.dma_semaphore, #tpu.memory_space<semaphore_mem>> -> memref<!tpu.dma_semaphore, #tpu.memory_space<semaphore_mem>>
    %dma_wait3A_64 = arith.constant 0 : i32
    %dma_wait3A_65 = arith.constant 0 : i32
    %dma_wait3A_66 = tpu.memref_slice %arg7[%dma_wait3A, %dma_wait3A_64, %dma_wait3A_65] : memref<2x128x64xf32, #tpu.memory_space<vmem>> -> memref<1x128x64xf32, #tpu.memory_space<vmem>>
    %dma_wait3A_67 = tpu.memref_squeeze %dma_wait3A_66 : memref<1x128x64xf32, #tpu.memory_space<vmem>> -> memref<128x64xf32, #tpu.memory_space<vmem>>
    %dma_wait3A_68 = arith.constant 0 : i32
    %dma_wait3A_69 = arith.constant 0 : i32
    %dma_wait3A_70 = tpu.memref_slice %arg4[%dma_wait3A_68, %dma_wait3A_69] : memref<100000x64xf32, #tpu.memory_space<hbm>> -> memref<128x64xf32, #tpu.memory_space<hbm>>
    tpu.wait_dma2 semaphore(%dma_wait3A_63 : memref<!tpu.dma_semaphore, #tpu.memory_space<semaphore_mem>>) src(%dma_wait3A_70 : memref<128x64xf32, #tpu.memory_space<hbm>>) dst(%dma_wait3A_67 : memref<128x64xf32, #tpu.memory_space<vmem>>)
    %dma_wait3A_71 = arith.constant 0 : i32
    %dma_wait3A_72 = arith.constant 0 : i32
    %dma_wait3A_73 = arith.constant 0 : i32
    %dma_wait3A_74 = arith.constant 0 : i32
    %dma_wait3A_75 = tpu.memref_slice %arg7[%dma_wait3A_71, %dma_wait3A_73, %dma_wait3A_74] : memref<2x128x64xf32, #tpu.memory_space<vmem>> -> memref<1x128x64xf32, #tpu.memory_space<vmem>>
    %dma_wait3A_76 = tpu.memref_squeeze %dma_wait3A_75 : memref<1x128x64xf32, #tpu.memory_space<vmem>> -> memref<128x64xf32, #tpu.memory_space<vmem>>
    %dma_wait3A_77 = arith.constant 0 : i32
    %dma_wait3A_78 = arith.constant 0 : i32
    %dma_wait3A_79 = tpu.memref_slice %arg4[%dma_wait3A_77, %dma_wait3A_78] : memref<100000x64xf32, #tpu.memory_space<hbm>> -> memref<128x64xf32, #tpu.memory_space<hbm>>
    %dma_wait3A_80 = tpu.memref_slice %arg11[%dma_wait3A_72] : memref<2x!tpu.dma_semaphore, #tpu.memory_space<semaphore_mem>> -> memref<1x!tpu.dma_semaphore, #tpu.memory_space<semaphore_mem>>
    %dma_wait3A_81 = tpu.memref_squeeze %dma_wait3A_80 : memref<1x!tpu.dma_semaphore, #tpu.memory_space<semaphore_mem>> -> memref<!tpu.dma_semaphore, #tpu.memory_space<semaphore_mem>>
    %dma_wait3A_82 = arith.constant 0 : i32
    %dma_wait3A_83 = arith.constant 0 : i32
    %dma_wait3A_84 = tpu.memref_slice %arg7[%dma_wait3A_71, %dma_wait3A_82, %dma_wait3A_83] : memref<2x128x64xf32, #tpu.memory_space<vmem>> -> memref<1x128x64xf32, #tpu.memory_space<vmem>>
    %dma_wait3A_85 = tpu.memref_squeeze %dma_wait3A_84 : memref<1x128x64xf32, #tpu.memory_space<vmem>> -> memref<128x64xf32, #tpu.memory_space<vmem>>
    %dma_wait3A_86 = arith.constant 0 : i32
    %dma_wait3A_87 = arith.constant 0 : i32
    %dma_wait3A_88 = tpu.memref_slice %arg4[%dma_wait3A_86, %dma_wait3A_87] : memref<100000x64xf32, #tpu.memory_space<hbm>> -> memref<128x64xf32, #tpu.memory_space<hbm>>
    tpu.wait_dma2 semaphore(%dma_wait3A_81 : memref<!tpu.dma_semaphore, #tpu.memory_space<semaphore_mem>>) src(%dma_wait3A_88 : memref<128x64xf32, #tpu.memory_space<hbm>>) dst(%dma_wait3A_85 : memref<128x64xf32, #tpu.memory_space<vmem>>)
    return
  }
}

</mosaic_0001>

<sc_bundles>
// kernel: embed_pe_e.3.cloned.1.call-start
scs
__scs_entry_jumppad:
0x0: {  	(pc) =	sbr.rel $0x88, $3  }
0x1: {  	(tag) =	ssettag $0x0;
	lr =	simm.s32 $0x1  }
0x2: {  	[smem:$0x3F9D] =	sst lr;
	_ =	strace $0xD0000000  }
0x3: {  	_ = 	snop  }
0x4: {  	_ = 	snop  }
0x5: {  	_ = 	snop  }
0x6: {  	_ = 	snop  }
0x7: {  	_ = 	snop  }
__scs_overlays_trampoline_lowered:
0x8: {  	[smem:$0x3FAC] =	sst s0  }
0x9: {  	[smem:$0x3FAD] =	sst s1  }
0xa: {  	[smem:$0x3FAE] =	sst s2  }
0xb: {  	[smem:$0x3FAF] =	sst s3  }
0xc: {  	[smem:$0x3FB0] =	sst s4  }
0xd: {  	[smem:$0x3FB1] =	sst s5  }
0xe: {  	[smem:$0x3FB2] =	sst s6  }
0xf: {  	[smem:$0x3FB3] =	sst s7  }
0x10: {  	[smem:$0x3FB4] =	sst s8  }
0x11: {  	[smem:$0x3FB5] =	sst s9;
	s0 =	simm.s32 @!p0 $0x0  }
0x12: {  	s1 =	sld [smem:$0x3F9B];
	s0 =	simm.s32 @p0 $0x1  }
0x13: {  	[smem:$0x3FB6] =	sst s0;
	s0 =	simm.s32 @!p1 $0x0  }
0x14: {  	s2 =	sld [smem:$0x3F9A];
	s0 =	simm.s32 @p1 $0x1  }
0x15: {  	[smem:$0x3FB7] =	sst s0;
	s0 =	simm.s32 @!p2 $0x0  }
0x16: {  	s3 =	sld [smem:$0x3FDB];
	s0 =	simm.s32 @p2 $0x1  }
0x17: {  	s4 =	simm.s32 $0x1BF5;
	[smem:$0x3FB9] =	sst s0  }
0x18: {  	s0 =	sld [smem:$0x3F9C];
	_ =	swait.ge [sflag:s4], $0x0  }
0x19: {  	s7 =	sld [smem:$0x3F9D]  }
0x1a: {  	s8 =	sadd.s32 $0xFFFFE003, lr  }
0x1b: {  	s9 =	sadd.s32 $0xFFFFFEF7, lr;
	s5 =	simm.s32 $0xFFFFFFFF;
	p2 =	slt.u32 s8, $0xFFFFF086  }
0x1c: {  	p1 =	slt.u32 s9, $0xF7A;
	s5 =	simm.s32 @!p2 $0x0  }
0x1d: {  	s5 =	simm.s32 @p1 $0x1;
	p0 =	seq.s32 s7, s2  }
0x1e: {  	s7 =	smul.u32 @!p0 $0xF7A, s2;
	p2 =	seq.s32 @!p0 s5, $0x0  }
0x1f: {  	s9 =	smul.u32 $0xF7A, s1;
	s8 =	simm.s32 @!p0 $0x1BF5;
	p2 =	por !p2, p0  }
0x20: {  	[sflag:s8] =	ssyncset.s32 @!p0 $0xFFFFF086;
	s6 =	sadd.s32 @!p0 s3, s7;
	s7 =	simm.s32 @!p0 $0x108  }
0x21: {  	s3 =	sadd.s32 s3, s9;
	s6 =	sadd.s32 @!p0 $0x88, s6;
	s7 =	simm.s32 @p2 $0x1082  }
0x22: {  	[simem:s7], [sflag:s8] =	dma.local @!p0 [hbm:s6], $0xF7A  }
0x23: {  	s9 =	sor.u32 $0xD0000000, s2;
	s6 =	simm.s32 $0x108;
	_ =	swait.ge @!p0 [sflag:s8], $0x0  }
0x24: {  	s3 =	sadd.s32 $0x88, s3;
	s6 =	simm.s32 @!p1 $0x1082;
	[sflag:s4] =	ssyncset.s32 $0xFFFFF086  }
0x25: {  	[simem:s6], [sflag:s4] =	dma.local [hbm:s3], $0xF7A  }
0x26: {  	[smem:$0x3F9D] =	sst s1;
	(tag) =	ssettag s2;
	_ =	strace s9  }
0x27: {  	s1 =	sld [smem:$0x3FAD]  }
0x28: {  	s2 =	sld [smem:$0x3FAE]  }
0x29: {  	s4 =	sld [smem:$0x3FB0]  }
0x2a: {  	p0 =	seq.s32 s5, $0x0;
	s5 =	sld [smem:$0x3FB1]  }
0x2b: {  	s6 =	sld [smem:$0x3FB2]  }
0x2c: {  	s7 =	sld [smem:$0x3FB3]  }
0x2d: {  	s3 =	simm.s32 $0x108;
	s8 =	sld [smem:$0x3FB4]  }
0x2e: {  	s3 =	simm.s32 @!p0 $0x1082;
	s9 =	sld [smem:$0x3FB5]  }
0x2f: {  	lr =	sadd.s32 s0, s3;
	s0 =	sld [smem:$0x3FAC]  }
0x30: {  	s3 =	sld [smem:$0x3FAF]  }
0x31: {  	[smem:$0x3FB8] =	sst s10  }
0x32: {  	s10 =	sld [smem:$0x3FB6];
	_ =	sdelay $0x3  }
0x33: {  	p0 =	seq.s32 s10, $0x1;
	s10 =	sld [smem:$0x3FB8];
	_ =	sdelay $0x3  }
0x34: {  	[smem:$0x3FB8] =	sst s10  }
0x35: {  	s10 =	sld [smem:$0x3FB7];
	_ =	sdelay $0x3  }
0x36: {  	p1 =	seq.s32 s10, $0x1;
	s10 =	sld [smem:$0x3FB8];
	_ =	sdelay $0x3  }
0x37: {  	[smem:$0x3FB8] =	sst s10  }
0x38: {  	s10 =	sld [smem:$0x3FB9]  }
0x39: {  	_ = 	snop;
	(pc) =	sbr.ind lr, $3  }
0x3a: {  	_ = 	snop  }
0x3b: {  	_ = 	snop  }
0x3c: {  	p2 =	seq.s32 s10, $0x1;
	s10 =	sld [smem:$0x3FB8]  }
0x3d: {  	_ =	shalt  }
0x3e: {  	_ =	shalt  }
0x3f: {  	_ =	shalt  }
0x40: {  	_ =	shalt  }
0x41: {  	_ =	shalt  }
0x42: {  	_ =	shalt  }
0x43: {  	_ =	shalt  }
0x44: {  	_ =	shalt  }
0x45: {  	_ =	shalt  }
0x46: {  	_ =	shalt  }
0x47: {  	_ =	shalt  }
0x48: {  	_ =	shalt  }
0x49: {  	_ =	shalt  }
0x4a: {  	_ =	shalt  }
0x4b: {  	_ =	shalt  }
0x4c: {  	_ =	shalt  }
0x4d: {  	_ =	shalt  }
0x4e: {  	_ =	shalt  }
0x4f: {  	_ =	shalt  }
0x50: {  	_ =	shalt  }
0x51: {  	_ =	shalt  }
0x52: {  	_ =	shalt  }
0x53: {  	_ =	shalt  }
0x54: {  	_ =	shalt  }
0x55: {  	_ =	shalt  }
0x56: {  	_ =	shalt  }
0x57: {  	_ =	shalt  }
0x58: {  	_ =	shalt  }
0x59: {  	_ =	shalt  }
0x5a: {  	_ =	shalt  }
0x5b: {  	_ =	shalt  }
0x5c: {  	_ =	shalt  }
0x5d: {  	_ =	shalt  }
0x5e: {  	_ =	shalt  }
0x5f: {  	_ =	shalt  }
0x60: {  	_ =	shalt  }
0x61: {  	_ =	shalt  }
0x62: {  	_ =	shalt  }
0x63: {  	_ =	shalt  }
0x64: {  	_ =	shalt  }
0x65: {  	_ =	shalt  }
0x66: {  	_ =	shalt  }
0x67: {  	_ =	shalt  }
0x68: {  	_ =	shalt  }
0x69: {  	_ =	shalt  }
0x6a: {  	_ =	shalt  }
0x6b: {  	_ =	shalt  }
0x6c: {  	_ =	shalt  }
0x6d: {  	_ =	shalt  }
0x6e: {  	_ =	shalt  }
0x6f: {  	_ =	shalt  }
0x70: {  	_ =	shalt  }
0x71: {  	_ =	shalt  }
0x72: {  	_ =	shalt  }
0x73: {  	_ =	shalt  }
0x74: {  	_ =	shalt  }
0x75: {  	_ =	shalt  }
0x76: {  	_ =	shalt  }
0x77: {  	_ =	shalt  }
0x78: {  	_ =	shalt  }
0x79: {  	_ =	shalt  }
0x7a: {  	_ =	shalt  }
0x7b: {  	_ =	shalt  }
0x7c: {  	_ =	shalt  }
0x7d: {  	_ =	shalt  }
0x7e: {  	_ =	shalt  }
0x7f: {  	_ =	shalt  }
0x80: {  	_ =	shalt  }
0x81: {  	_ =	shalt  }
0x82: {  	_ =	shalt  }
0x83: {  	_ =	shalt  }
0x84: {  	_ =	shalt  }
0x85: {  	_ =	shalt  }
0x86: {  	_ =	shalt  }
0x87: {  	_ =	shalt  }
.Lfunc_end0:
.L_simem_size_0:
called_computation.1_lowered:
.L_overlay_start_0:
0x88: {  	s2 =	sld [smem:$0x3FD9]  }
0x89: {  	s3 =	sld [smem:$0x3FFE];
	_ =	sdelay $0x1  }
0x8a: {  	s1 =	srdreg.scid  }
0x8b: {  	s0 =	sand.u32 $0x1, s1  }
0x8c: {  	s14 =	sshll.u32 s0, $0xA;
	s2 =	sadd.s32 s3, s2  }
0x8d: {  	s2 =	sadd.s32 s2, s14  }
0x8e: {  	[smem:$0x3FC4] =	sst s2  }
0x8f: {  	_ = 	snop  }
0x90: {  	s2 =	sld [smem:$0x3FD0];
	_ =	sdelay $0x2  }
0x91: {  	s15 =	simm.s32 $0xB;
	s4 =	simm.s32 $0x10  }
0x92: {  	[smem:s4], [sflag:s15] =	dma.local [hbm:s2], $0x1  }
0x93: {  	_ =	swait.eq [sflag:s15], $0x1  }
0x94: {  	[sflag:s15] =	ssyncset.done $0x0  }
0x95: {  	[sflag:s15] =	ssyncadd.s32 $0xFFFFFFFF  }
0x96: {  	s16 =	sld [smem:$0x11];
	(tm) =	ssettm $0x1  }
0x97: {  	s17 =	sld [smem:$0x3FFB];
	_ =	sdelay $0x3  }
0x98: {  	_ =	strace s17  }
0x99: {  	s3 =	sld [smem:$0x3FFC];
	_ =	sdelay $0x3  }
0x9a: {  	_ =	strace s3  }
0x9b: {  	s3 =	sld [smem:$0x3FFD];
	_ =	sdelay $0x3  }
0x9c: {  	_ =	strace s3  }
0x9d: {  	_ =	strace $0x8FFFFFFF  }
0x9e: {  	s18 =	sld [smem:$0x3FDB];
	_ =	sdelay $0x1  }
0x9f: {  	s19 =	simm.s32 $_scs_section_size  }
0xa0: {  	s5 =	simm.s32 $_size__tile_overlayer_lowered;
	s6 =	simm.s32 $_tile_overlayer_lowered  }
0xa1: {  	s22 =	simm.s32 $0x1BFF;
	s21 =	sshll.u32 s6, $0x1;
	s3 =	sadd.s32 s19, s18  }
0xa2: {  	s7 =	simm.s32 $0x0;
	s20 =	sshll.u32 s5, $0x1;
	s5 =	sadd.s32 s21, s3  }
0xa3: {  	[timem:s7], [sflag:s22] =	dma.local [hbm:s5], s20  }
0xa4: {  	_ =	swait.ge [sflag:s22], s20  }
0xa5: {  	s4 =	ssub.s32 $0x0, s20;
	[sflag:s22] =	ssyncset.done $0x0  }
0xa6: {  	[sflag:s22] =	ssyncadd.s32 s4;
	_ =	sdelay $0x1  }
0xa7: {  	s23 =	simm.s32 $0x1B8B  }
0xa8: {  	_ =	swait.ge [sflag:s23], $0x1  }
0xa9: {  	[sflag:s23] =	ssyncset.done $0x0  }
0xaa: {  	s25 =	simm.s32 $0x1B8E;
	s24 =	sld [smem:$0x3FFE];
	[sflag:s23] =	ssyncadd.s32 $0xFFFFFFFF  }
0xab: {  	s26 =	simm.s32 $execute0_lowered;
	[smem:$0x3FD2] =	sst s25  }
0xac: {  	s5 =	sshll.u32 s26, $0x1;
	_ =	strace $0x80000046;
	[dreg:$0x1] =	wrdreg $0xFFFFFFFF  }
0xad: {  	s28 =	simm.s32 $_size_execute0_lowered;
	s3 =	sadd.s32 s3, s5;
	[dreg:$0x0] =	wrdreg $0x0  }
0xae: {  	s5 =	sshll.u32 s28, $0x1;
	[dreg:$0x2] =	wrdreg s3  }
0xaf: {  	[dreg:$0x3] =	wrdreg s5  }
0xb0: {  	[dreg:$0x4] =	wrdreg $0xC0  }
0xb1: {  	_ =	task [dreg:s7], $0x5FFFF  }
0xb2: {  	[dreg:$0x1] =	wrdreg $0xFFFFFFFF  }
0xb3: {  	[dreg:$0x0] =	wrdreg $0x60  }
0xb4: {  	[dreg:$0x2] =	wrdreg s24  }
0xb5: {  	[dreg:$0x3] =	wrdreg s16  }
0xb6: {  	[dreg:$0x4] =	wrdreg $0xA  }
0xb7: {  	_ =	task.clear_ibuf [dreg:s7], $0x5FFFF;
	_ =	strace $0x90000046  }
0xb8: {  	s29 =	simm.s32 $0xA;
	_ =	strace $0x80000048  }
0xb9: {  	_ =	swait.ge [sflag:s29], $0x1  }
0xba: {  	[sflag:s29] =	ssyncadd.s32 $0xFFFFFFFF  }
0xbb: {  	_ =	strace $0x90000048  }
0xbc: {  	_ =	sfence  }
0xbd: {  	s30 =	sld [smem:$0x0];
	_ =	sdelay $0x2  }
0xbe: {  	s31 =	sshll.u32 s1, $0xD;
	s1 =	sshrl.u32 s1, $0x2  }
0xbf: {  	s3 =	sand.u32 $0x4000, s31;
	s1 =	sadd.s32 s1, s30  }
0xc0: {  	s0 =	sor.u32 s3, s0;
	s1 =	sshll.u32 s1, $0x11  }
0xc1: {  	s0 =	sor.u32 s1, s0  }
0xc2: {  	s0 =	sadd.s32 $0x8F2B, s0  }
0xc3: {  	[sflag:s0] =	ssyncadd.remote.s32 $0x1  }
0xc4: {  	_ =	sfence.sel $0xFFFF  }
0xc5: {  	[dreg:$0x0] =	wrdreg $0xFFFFFFFF;
	(pc) =	sbr.abs _section_cstart, $3  }
0xc6: {  	[dreg:$0x1] =	wrdreg $0xFFFFFFFF  }
0xc7: {  	_ =	task.clear_ibuf [dreg:s7], $0x2FFFF;
	_ =	strace $0x9FFFFFFF  }
0xc8: {  	(tm) =	ssettm $0x7FFFFFFF  }
0xc9: {  	_ =	shalt  }
tec
execute0_lowered:
.L_overlay_start_1:
0x0: {  	(tag) =	ssettag $0x1  }
0x1: {  	v0 =	vlaneseq.u32  }
0x2: {  	s3 =	stileid.u32;
	s5 =	rddreg [dreg:$0x0];
	v25 =	vmul.u32 $0x88, v0  }
0x3: {  	s1 =	sshll.u32 s3, $0x1;
	s4 =	sshll.u32 s3, $0x6;
	s3 =	simm.s32 $0x0  }
0x4: {  	[smem:$0x7FF] =	sst s3;
	v28 =	vadd.s32 $0x1101, v25  }
0x5: {  	s2 =	rddreg [dreg:$0x1];
	v18 =	vadd.s32 $0x880, v25;
	_ =	strace $0x80000047;
	[tilespmem:$0x1FE90] =	vst v28  }
0x6: {  	v20 =	vadd.s32 $0x1102, v25;
	[tilespmem:$0x1FEA0] =	vst v18  }
0x7: {  	v38 =	vadd.s32 $0x884, v25;
	[tilespmem:$0x1FEB0] =	vst v20  }
0x8: {  	v46 =	vadd.s32 $0x1985, v25;
	[tilespmem:$0x1FEC0] =	vst v38  }
0x9: {  	v1 =	vadd.s32 $0x1986, v25;
	[tilespmem:$0x1FED0] =	vst v46  }
0xa: {  	v3 =	vadd.s32 $0x1987, v25;
	[tilespmem:$0x1FEE0] =	vst v1  }
0xb: {  	v14 =	vadd.s32 $0x1984, v25;
	[tilespmem:$0x1FEF0] =	vst v3  }
0xc: {  	v32 =	vor.u32 $0x7, v25;
	[tilespmem:$0x1FF00] =	vst v14  }
0xd: {  	v42 =	vadd.s32 $0x886, v25;
	[tilespmem:$0x1FF10] =	vst v32  }
0xe: {  	v45 =	vadd.s32 $0x887, v25;
	[tilespmem:$0x1FF20] =	vst v42  }
0xf: {  	v39 =	vor.u32 $0x5, v25;
	[tilespmem:$0x1FF30] =	vst v45  }
0x10: {  	v48 =	vadd.s32 $0x1107, v25;
	[tilespmem:$0x1FF40] =	vst v39  }
0x11: {  	s0 =	srdreg.scid;
	s19 =	simm.s32 $0x5;
	v47 =	vadd.s32 $0x1105, v25;
	[tilespmem:$0x1FF50] =	vst v48  }
0x12: {  	s22 =	simm.s32 $0x4;
	s23 =	simm.s32 $0x3;
	s24 =	simm.s32 $0x0;
	v61 =	vadd.s32 $0x885, v25;
	[tilespmem:$0x1FF60] =	vst v47  }
0x13: {  	s0 =	sand.u32 $0x1, s0;
	s9 =	sadd.s32 $0x400, s2;
	s1 =	sand.u32 $0x2, s1;
	v49 =	vadd.s32 $0x1104, v25;
	[tilespmem:$0x1FF70] =	vst v61  }
0x14: {  	s10 =	sadd.s32 $0x800, s2;
	s11 =	sadd.s32 $0xC00, s2;
	s1 =	sor.u32 s0, s1;
	v51 =	vadd.s32 $0x1106, v25;
	[tilespmem:$0x1FF80] =	vst v49  }
0x15: {  	s12 =	sadd.s32 $0x1000, s2;
	s13 =	sadd.s32 $0x1400, s2;
	v17 =	vadd.s32 $0x1983, v25;
	s6 =	smul.u32 $0xC800, s1;
	[tilespmem:$0x1FF90] =	vst v51  }
0x16: {  	s14 =	sadd.s32 $0x1800, s2;
	s4 =	sand.u32 $0x380, s4;
	v50 =	vor.u32 $0x6, v25;
	s7 =	smul.u32 $0x190, s1;
	[tilespmem:$0x1FFA0] =	vst v17  }
0x17: {  	vm0 =	vcmask $0x300;
	v0 =	vimm.s32 $0x0;
	s15 =	sadd.s32 $0x1C00, s2;
	s0 =	ssub.s32 $0x2, s0;
	v58 =	vor.u32 $0x4, v25;
	[tilespmem:$0x1FFB0] =	vst v50;
	s6 =	sor.u32 s4, s6  }
0x18: {  	v31 =	vsel vm0, $0x3, v0;
	v19 =	vadd.s32 $0x1100, v25;
	v0 =	vadd.s32 $0x883, v25;
	s29 =	sshrl.u32 s0, $0x1;
	[tilespmem:$0x1FFC0] =	vst v58;
	s8 =	sadd.s32 s7, s5;
	s6 =	sshrl.u32 s6, $0x3  }
0x19: {  	v21 =	vadd.s32 $0x1980, v25;
	v23 =	vor.u32 $0x1, v25;
	v2 =	vadd.s32 $0x1103, v25;
	[tilespmem:$0x1FFD0] =	vst v0;
	s0 =	ssub.s32 s0, s29;
	s31 =	sadd.s32 $0x2600, s8;
	s28 =	sadd.s32 s6, s5  }
0x1a: {  	v24 =	vadd.s32 $0x881, v25;
	v26 =	vadd.s32 $0x1981, v25;
	v22 =	vadd.s32 $0x1982, v25;
	[tilespmem:$0x1FFE0] =	vst v2;
	s16 =	smax.u32 s0, $0x1;
	[dreg:$0x4] =	wrdreg s31;
	s30 =	sadd.s32 $0x2E00, s28  }
0x1b: {  	v30 =	vor.u32 $0x2, v25;
	v37 =	vadd.s32 $0x882, v25;
	v57 =	vor.u32 $0x3, v25;
	[tilespmem:$0x1FFF0] =	vst v22;
	s5 =	sadd.s32 $0x9200, s5;
	s6 =	smul.u32 $0x32, s1;
	[dreg:$0x3] =	wrdreg s30  }
.LBB2_1:
0x1c: {  	s0 =	rddreg [dreg:$0x3];
	s1 =	simm.s32 $0x80;
	s7 =	simm.s32 $0x400  }
0x1d: {  	[tilespmem:s3], [sflag:$0x5] =	stream.strided.gather [hbm4b:s0+s1], $0x1900, s7, s1, $0x38;
	[tilespmem:$0xA980] =	vst v63  }
0x1e: {  	_ =	swait.ge [sflag:s19], $0x1900  }
0x1f: {  	[sflag:s19] =	ssyncset.done $0x0  }
0x20: {  	s30 =	simm.s32 $0x9D00;
	s28 =	rddreg [dreg:$0x4];
	[sflag:s19] =	ssyncadd.s32 $0xFFFFE700  }
0x21: {  	[tilespmem:s30], [sflag:$0x5] =	stream.linear.gather [hbm4b:s28+s3], $0xC80, $0x38;
	[tilespmem:$0xA980] =	vst v63  }
0x22: {  	_ =	swait.ge [sflag:s19], $0xC80  }
0x23: {  	s31 =	simm.s32 $0x1900;
	[sflag:s19] =	ssyncset.done $0x0  }
0x24: {  	p0 =	por $0x0, $0x0;
	s29 =	simm.s32 $0x0;
	[sflag:s19] =	ssyncadd.s32 $0xFFFFF380  }
0x25: {  	[tilespmem:s31], [sflag:$0x1] =	stream.indirect.gather [hbm4b:s5+s1], $0x40, s3, s1, $0xb8;
	[tilespmem:$0xA980] =	vst v63  }
.LBB2_2:
0x26: {  	s28 =	sand.u32 $0x1, s29;
	p1 =	seq.s32 s29, $0x31  }
0x27: {  	s25 =	sadd.s32 $0x1, s29;
	s0 =	sxor.u32 @!p1 $0x1, s28  }
0x28: {  	s18 =	sshll.u32 @!p1 s25, $0x7;
	s26 =	simm.s32 @!p1 $0x80;
	s1 =	sshll.u32 @!p1 s0, $0xD  }
0x29: {  	s18 =	sand.u32 @!p1 $0x3FFFFF80, s18;
	s0 =	sadd.s32 @!p1 $0x1, s0;
	s1 =	sor.u32 @!p1 $0x1900, s1  }
0x2a: {  	[tilespmem:s1], [sflag:s0] =	stream.indirect.gather @!p1 [hbm4b:s5+s26], $0x40, s18, s26, $0xb8;
	[tilespmem:$0xA980] =	vst v63  }
0x2b: {  	s1 =	sadd.s32 $0x1, s28  }
0x2c: {  	_ =	swait.ge [sflag:s1], $0x2000  }
0x2d: {  	p1 =	slt.u32 s29, $0x2;
	[sflag:s1] =	ssyncset.done $0x0  }
0x2e: {  	s7 =	sshll.u32 s29, $0x6;
	s0 =	sadd.s32 @!p1 $0x3, s28;
	[sflag:s1] =	ssyncadd.s32 $0xFFFFE000  }
0x2f: {  	s20 =	simm.s32 $0x4;
	s21 =	simm.s32 $0x1;
	_ =	swait.ge @!p1 [sflag:s0], $0x2000  }
0x30: {  	s31 =	simm.s32 $0x2;
	s1 =	simm.s32 $0x1;
	[sflag:s0] =	ssyncset.done @!p1 $0x0  }
0x31: {  	v5 =	vmov s21;
	s1 =	simm.s32 @!p0 $0x0;
	[sflag:s0] =	ssyncadd.s32 @!p1 $0xFFFFE000;
	s0 =	sand.u32 $0x3FFFFFC0, s7  }
0x32: {  	v3 =	vmov s20;
	v6 =	vmov s31;
	v5 =	vshrl.u32 v5, $0x3;
	s1 =	sshll.u32 s1, $0xD;
	v36 =	vld [tilespmem:s0+$0x9D00]  }
0x33: {  	v3 =	vshrl.u32 v3, $0x3;
	v6 =	vshrl.u32 v6, $0x3;
	v5 =	vshll.u32 v5, v31;
	s1 =	sor.u32 $0x1A00, s1;
	v35 =	vld [tilespmem:s0+$0x9D10]  }
0x34: {  	v3 =	vshll.u32 v3, v31;
	v6 =	vshll.u32 v6, v31;
	v5 =	vbroadcast v5, $0x0;
	s7 =	simm.s32 $0x3;
	v8 =	vld [tilespmem:s1+$0xFFFFFF40]  }
0x35: {  	v44 =	vbroadcast v3, $0x0;
	v1 =	vbroadcast v6, $0x0;
	v3 =	vmov s7;
	v9 =	vld [tilespmem:s1+$0xFFFFFF80]  }
0x36: {  	s8 =	simm.s32 $0x0;
	v10 =	vadd.s32 v23, v5;
	v11 =	vadd.s32 v26, v5;
	v7 =	vld [tilespmem:s1+$0x0];
	v3 =	vshrl.u32 v3, $0x3  }
0x37: {  	v27 =	vmovc v0;
	v0 =	vmov s8;
	s8 =	smul.u32 $0x8800, s28;
	v12 =	vadd.s32 v30, v1;
	v34 =	vld [tilespmem:s0+$0x9D20];
	[tilespmem:$0x1FE30] =	vst v11;
	v3 =	vshll.u32 v3, v31  }
0x38: {  	s30 =	simm.s32 $0x5;
	v0 =	vshrl.u32 v0, $0x3;
	v6 =	vadd.s32 v58, v44;
	v11 =	vld [tilespmem:s1+$0xFFFFFFC0];
	v56 =	vbroadcast v3, $0x0  }
0x39: {  	v4 =	vmov s30;
	v17 =	vshll.u32 v0, v31;
	s26 =	sshrl.u32 s8, $0x2;
	v33 =	vld [tilespmem:s0+$0x9D30];
	v0 =	vadd.f32 v8, v36  }
0x3a: {  	s17 =	simm.s32 $0x7;
	v4 =	vshrl.u32 v4, $0x3;
	s30 =	sadd.s32 $0x5900, s26;
	v13 =	vld [tilespmem:s1+$0xC0];
	v15 =	vadd.s32 v57, v56;
	v9 =	vadd.f32 v9, v36  }
0x3b: {  	v29 =	vmovc v2;
	v2 =	vmov s17;
	v4 =	vshll.u32 v4, v31;
	v16 =	vld [tilespmem:s1+$0x80];
	v7 =	vadd.f32 v7, v36;
	[tilespmem:v10+s30+$0x0] =	vst.idx.msk $0xffff, v0  }
0x3c: {  	s17 =	simm.s32 $0x6;
	v2 =	vshrl.u32 v2, $0x3;
	v55 =	vbroadcast v4, $0x0;
	[tilespmem:v12+s30+$0x0] =	vst.idx.msk $0xffff, v9;
	v4 =	vld [tilespmem:s1+$0xFFFFFF50]  }
0x3d: {  	v46 =	vmovc v14;
	v14 =	vmov s17;
	v2 =	vshll.u32 v2, v31;
	[tilespmem:v6+s30+$0x0] =	vst.idx.msk $0xffff, v7;
	v7 =	vadd.f32 v11, v36;
	v10 =	vld [tilespmem:s1+$0xFFFFFF90]  }
0x3e: {  	v54 =	vbroadcast v17, $0x0;
	v17 =	vadd.s32 v37, v1;
	v3 =	vld [tilespmem:s1+$0xFFFFFF00];
	v8 =	vshrl.u32 v14, $0x3  }
0x3f: {  	v14 =	vld [tilespmem:s1+$0x40];
	v8 =	vshll.u32 v8, v31;
	v0 =	vadd.s32 v61, v55;
	[tilespmem:v15+s30+$0x0] =	vst.idx.msk $0xffff, v7  }
0x40: {  	v52 =	vbroadcast v8, $0x0;
	v8 =	vadd.f32 v13, v36;
	v6 =	vld [tilespmem:s1+$0x10];
	[tilespmem:$0x1FE10] =	vst v0;
	v0 =	vadd.s32 v29, v56  }
0x41: {  	v12 =	vbroadcast v2, $0x0;
	v11 =	vadd.s32 v38, v44;
	v13 =	vld [tilespmem:s1+$0xFFFFFFD0];
	[tilespmem:$0x1FE40] =	vst v0;
	v0 =	vadd.s32 v18, v54  }
0x42: {  	v38 =	vadd.f32 v4, v35;
	v4 =	vadd.f32 v10, v35;
	[tilespmem:$0x1FE20] =	vst v0;
	v0 =	vadd.s32 v47, v55  }
0x43: {  	v9 =	vadd.s32 v24, v5;
	v7 =	vadd.s32 v50, v52;
	[tilespmem:$0x1FE60] =	vst v0  }
0x44: {  	s31 =	sadd.s32 $0x200, s1;
	v10 =	vadd.s32 v45, v12;
	v0 =	vadd.s32 v51, v52;
	[tilespmem:v17+s30+$0x0] =	vst.idx.msk $0xffff, v4  }
0x45: {  	s20 =	simm.s32 $0x9;
	v45 =	vadd.s32 v28, v5;
	v5 =	vadd.s32 v48, v12;
	v48 =	vld [tilespmem:s31+$0xFFFFFF40];
	[tilespmem:$0x1FE50] =	vst v0;
	v0 =	vadd.s32 v19, v54  }
0x46: {  	v59 =	vmov s20;
	v39 =	vadd.s32 v39, v55;
	[tilespmem:$0x1FE70] =	vst v0  }
0x47: {  	v59 =	vshrl.u32 v59, $0x3;
	v16 =	vadd.f32 v16, v36;
	v40 =	vld [tilespmem:s1+$0xFFFFFFA0]  }
0x48: {  	v63 =	vshll.u32 v59, v31;
	v43 =	vadd.s32 v27, v56;
	v4 =	vld [tilespmem:s31+$0x80]  }
0x49: {  	v41 =	vadd.s32 v25, v54;
	v14 =	vadd.f32 v14, v36;
	[tilespmem:v7+s30+$0x0] =	vst.idx.msk $0xffff, v16;
	v60 =	vld [tilespmem:s31+$0xFFFFFF80]  }
0x4a: {  	v3 =	vadd.f32 v3, v36;
	v6 =	vadd.f32 v6, v35;
	[tilespmem:v9+s30+$0x0] =	vst.idx.msk $0xffff, v38;
	v62 =	vld [tilespmem:s31+$0x0]  }
0x4b: {  	s8 =	simm.s32 $0xA;
	s7 =	simm.s32 $0xC;
	v15 =	vadd.s32 v32, v12;
	v51 =	vbroadcast v63, $0x0;
	v13 =	vadd.f32 v13, v35;
	[tilespmem:v39+s30+$0x0] =	vst.idx.msk $0xffff, v14;
	v59 =	vld [tilespmem:s1+$0x90]  }
0x4c: {  	v47 =	vadd.s32 v20, v1;
	v7 =	vmov s7;
	v16 =	vmov s8;
	v38 =	vld [tilespmem:$0x1FEC0];
	[tilespmem:v11+s30+$0x0] =	vst.idx.msk $0xffff, v6  }
0x4d: {  	v0 =	vadd.s32 v26, v51;
	v16 =	vshrl.u32 v16, $0x3;
	v7 =	vshrl.u32 v7, $0x3;
	v6 =	vld [tilespmem:s1+$0x50];
	[tilespmem:v43+s30+$0x0] =	vst.idx.msk $0xffff, v13  }
0x4e: {  	v29 =	vmov v42;
	v14 =	vshll.u32 v16, v31;
	v16 =	vld [tilespmem:s1+$0xFFFFFF60];
	v7 =	vshll.u32 v7, v31;
	[tilespmem:$0x1FE00] =	vst v0  }
0x4f: {  	v42 =	vadd.s32 v42, v52;
	[tilespmem:v41+s30+$0x0] =	vst.idx.msk $0xffff, v3;
	v11 =	vadd.f32 v40, v34;
	v40 =	vbroadcast v7, $0x0;
	v7 =	vld [tilespmem:s31+$0xFFFFFF00]  }
0x50: {  	v39 =	vbroadcast v14, $0x0;
	[tilespmem:v15+s30+$0x0] =	vst.idx.msk $0xffff, v8;
	v3 =	vadd.f32 v60, v36;
	v60 =	vld [tilespmem:s1+$0xFFFFFF10]  }
0x51: {  	v15 =	vadd.f32 v59, v35;
	v59 =	vadd.f32 v62, v36;
	v62 =	vld [tilespmem:s31+$0xFFFFFFC0];
	v8 =	vadd.s32 v58, v40  }
0x52: {  	s21 =	simm.s32 $0xF;
	[tilespmem:v47+s30+$0x0] =	vst.idx.msk $0xffff, v11;
	v11 =	vld [tilespmem:s31+$0x40]  }
0x53: {  	v53 =	vmov s21;
	s21 =	simm.s32 $0xE;
	v63 =	vadd.s32 v30, v39;
	v16 =	vadd.f32 v16, v34;
	v58 =	vld [tilespmem:s1+$0xD0]  }
0x54: {  	v14 =	vshrl.u32 v53, $0x3;
	v53 =	vadd.s32 v23, v51;
	v47 =	vld [tilespmem:s31+$0xC0];
	[tilespmem:v42+s30+$0x0] =	vst.idx.msk $0xffff, v15;
	v15 =	vmov s21  }
0x55: {  	v0 =	vadd.f32 v48, v36;
	v2 =	vld [tilespmem:s1+$0xFFFFFFB0];
	[tilespmem:v45+s30+$0x0] =	vst.idx.msk $0xffff, v16;
	v15 =	vshrl.u32 v15, $0x3;
	v48 =	vadd.f32 v7, v36  }
0x56: {  	v16 =	vld [tilespmem:s1+$0x20];
	v7 =	vshll.u32 v15, v31;
	[tilespmem:v8+s30+$0x0] =	vst.idx.msk $0xffff, v59;
	v8 =	vadd.s32 v24, v51  }
0x57: {  	v41 =	vbroadcast v7, $0x0;
	v7 =	vld [tilespmem:s1+$0xFFFFFF70];
	[tilespmem:$0x1FE80] =	vst v8  }
0x58: {  	v27 =	vmov v1;
	v1 =	vld [tilespmem:$0x1FFA0];
	[tilespmem:v63+s30+$0x0] =	vst.idx.msk $0xffff, v3;
	v3 =	vadd.f32 v58, v35  }
0x59: {  	[tilespmem:v53+s30+$0x0] =	vst.idx.msk $0xffff, v0  }
0x5a: {  	[tilespmem:v10+s30+$0x0] =	vst.idx.msk $0xffff, v3  }
0x5b: {  	v8 =	vld [tilespmem:$0x1FE10];
	_ =	sdelay $0x1  }
0x5c: {  	v17 =	vadd.s32 v49, v44;
	_ =	sdelay $0x2  }
0x5d: {  	v3 =	vadd.f32 v16, v34  }
0x5e: {  	v6 =	vadd.f32 v6, v35  }
0x5f: {  	s18 =	simm.s32 $0x8;
	[tilespmem:v17+s30+$0x0] =	vst.idx.msk $0xffff, v3  }
0x60: {  	s20 =	simm.s32 $0xB;
	v49 =	vmov s18;
	[tilespmem:v8+s30+$0x0] =	vst.idx.msk $0xffff, v6  }
0x61: {  	v13 =	vshrl.u32 v49, $0x3;
	v49 =	vmov s20;
	v3 =	vld [tilespmem:$0x1FE20]  }
0x62: {  	v43 =	vshrl.u32 v49, $0x3  }
0x63: {  	v15 =	vshll.u32 v43, v31  }
0x64: {  	v43 =	vbroadcast v15, $0x0;
	_ =	sdelay $0x1  }
0x65: {  	v0 =	vadd.s32 v57, v43  }
0x66: {  	v8 =	vadd.f32 v60, v35;
	_ =	sdelay $0x1  }
0x67: {  	v10 =	vadd.f32 v62, v36;
	v6 =	vld [tilespmem:s1+$0xE0];
	[tilespmem:v3+s30+$0x0] =	vst.idx.msk $0xffff, v8  }
0x68: {  	v16 =	vadd.s32 v46, v44;
	v46 =	vld [tilespmem:$0x1FED0]  }
0x69: {  	v3 =	vld [tilespmem:$0x1FFE0];
	[tilespmem:v0+s30+$0x0] =	vst.idx.msk $0xffff, v10  }
0x6a: {  	v8 =	vadd.f32 v4, v36;
	v4 =	vld [tilespmem:$0x1FE30];
	_ =	sdelay $0x4  }
0x6b: {  	v6 =	vadd.f32 v6, v34  }
0x6c: {  	v7 =	vadd.f32 v7, v33  }
0x6d: {  	[tilespmem:v5+s30+$0x0] =	vst.idx.msk $0xffff, v6  }
0x6e: {  	[tilespmem:v4+s30+$0x0] =	vst.idx.msk $0xffff, v7  }
0x6f: {  	s17 =	simm.s32 $0xD;
	v14 =	vshll.u32 v14, v31;
	v6 =	vld [tilespmem:$0x1FE40]  }
0x70: {  	v9 =	vmov s17;
	v45 =	vbroadcast v14, $0x0;
	v14 =	vld [tilespmem:s1+$0xFFFFFFE0]  }
0x71: {  	v9 =	vshrl.u32 v9, $0x3  }
0x72: {  	v9 =	vshll.u32 v9, v31  }
0x73: {  	v42 =	vbroadcast v9, $0x0;
	v9 =	vld [tilespmem:s1+$0xA0]  }
0x74: {  	v49 =	vadd.f32 v47, v36  }
0x75: {  	v47 =	vadd.s32 v61, v42;
	v61 =	vadd.f32 v2, v33;
	v2 =	vadd.f32 v14, v34;
	_ =	sdelay $0x1  }
0x76: {  	[tilespmem:v6+s30+$0x0] =	vst.idx.msk $0xffff, v2  }
0x77: {  	v62 =	vadd.f32 v11, v36;
	v11 =	vadd.f32 v9, v34;
	v9 =	vadd.s32 v1, v56;
	v1 =	vld [tilespmem:$0x1FFD0];
	_ =	sdelay $0x4  }
0x78: {  	v63 =	vadd.s32 v1, v43;
	v1 =	vld [tilespmem:$0x1FE50];
	_ =	sdelay $0x7  }
0x79: {  	[tilespmem:v1+s30+$0x0] =	vst.idx.msk $0xffff, v11  }
0x7a: {  	v1 =	vld [tilespmem:$0x1FEF0];
	_ =	sdelay $0x4  }
0x7b: {  	v11 =	vadd.s32 v1, v12;
	v1 =	vld [tilespmem:$0x1FF30];
	_ =	sdelay $0x4  }
0x7c: {  	v56 =	vadd.s32 v1, v45;
	v1 =	vld [tilespmem:$0x1FE60]  }
0x7d: {  	v0 =	vld [tilespmem:s1+$0x60];
	_ =	sdelay $0x3  }
0x7e: {  	v15 =	vld [tilespmem:s31+$0x10]  }
0x7f: {  	v10 =	vld [tilespmem:s1+$0x30];
	v0 =	vadd.f32 v0, v34;
	_ =	sdelay $0x1  }
0x80: {  	[tilespmem:v1+s30+$0x0] =	vst.idx.msk $0xffff, v0  }
0x81: {  	v59 =	vadd.s32 v50, v41;
	v50 =	vadd.s32 v38, v40;
	v0 =	vld [tilespmem:$0x1FEE0]  }
0x82: {  	v13 =	vshll.u32 v13, v31  }
0x83: {  	v44 =	vbroadcast v13, $0x0;
	v13 =	vadd.f32 v15, v35;
	v15 =	vadd.f32 v10, v33;
	_ =	sdelay $0x1  }
0x84: {  	[tilespmem:v16+s30+$0x0] =	vst.idx.msk $0xffff, v15  }
0x85: {  	v10 =	vadd.s32 v0, v52;
	v0 =	vld [tilespmem:$0x1FF40];
	[tilespmem:v50+s30+$0x0] =	vst.idx.msk $0xffff, v13  }
0x86: {  	v1 =	vld [tilespmem:$0x1FF60];
	_ =	sdelay $0x4  }
0x87: {  	v50 =	vadd.s32 v1, v42;
	v1 =	vld [tilespmem:$0x1FF50]  }
0x88: {  	v17 =	vld [tilespmem:s31+$0xFFFFFF50];
	_ =	sdelay $0x2  }
0x89: {  	v7 =	vld [tilespmem:s31+$0xFFFFFF90]  }
0x8a: {  	v52 =	vadd.s32 v1, v45;
	v1 =	vld [tilespmem:$0x1FE70]  }
0x8b: {  	v4 =	vadd.f32 v17, v35;
	v17 =	vld [tilespmem:s1+$0xFFFFFF20];
	_ =	sdelay $0x4  }
0x8c: {  	v14 =	vadd.f32 v7, v35;
	v7 =	vadd.f32 v17, v34;
	_ =	sdelay $0x1  }
0x8d: {  	[tilespmem:v1+s30+$0x0] =	vst.idx.msk $0xffff, v7  }
0x8e: {  	v1 =	vld [tilespmem:$0x1FE80];
	_ =	sdelay $0x6  }
0x8f: {  	v5 =	vld [tilespmem:s31+$0xFFFFFFD0]  }
0x90: {  	v2 =	vld [tilespmem:s1+$0xF0];
	[tilespmem:v1+s30+$0x0] =	vst.idx.msk $0xffff, v4  }
0x91: {  	v1 =	vld [tilespmem:$0x1FF90]  }
0x92: {  	v53 =	vadd.s32 v32, v45;
	v58 =	vadd.s32 v29, v41  }
0x93: {  	v32 =	vadd.s32 v3, v43;
	v3 =	vadd.s32 v37, v39;
	v60 =	vadd.s32 v46, v55;
	v12 =	vld [tilespmem:s1+$0xB0]  }
0x94: {  	v55 =	vadd.s32 v25, v44;
	v6 =	vadd.f32 v5, v35;
	v5 =	vadd.s32 v21, v54;
	v15 =	vld [tilespmem:s1+$0xFFFFFFF0]  }
0x95: {  	v54 =	vadd.s32 v18, v44;
	v17 =	vadd.f32 v2, v33;
	v2 =	vld [tilespmem:s1+$0x70];
	v16 =	vadd.s32 v0, v42  }
0x96: {  	s0 =	simm.s32 $0x10;
	s18 =	sadd.s32 $0x200, s31;
	v0 =	vadd.s32 v28, v51;
	v13 =	vld [tilespmem:s1+$0xFFFFFF30];
	v4 =	vadd.s32 v20, v39;
	v51 =	vadd.s32 v1, v41  }
.LBB2_3:
0x97: {  	_ =	sdelay $0x2  }
0x98: {  	v1 =	vadd.s32 v19, v44;
	[tilespmem:v16+s30+$0x0] =	vst.idx.msk $0xffff, v62  }
0x99: {  	v18 =	vld [tilespmem:s18+$0xFFFFFF40];
	[tilespmem:$0x1FDF0] =	vst v1  }
0x9a: {  	s21 =	smov.u32 s0;
	v1 =	vld [tilespmem:$0x1FF80];
	[tilespmem:v59+s30+$0x0] =	vst.idx.msk $0xffff, v8  }
0x9b: {  	[tilespmem:v3+s30+$0x0] =	vst.idx.msk $0xffff, v14;
	s17 =	sadd.s32 $0x2, s21;
	v8 =	vld [tilespmem:s18+$0x80]  }
0x9c: {  	[tilespmem:v11+s30+$0x0] =	vst.idx.msk $0xffff, v17;
	v20 =	vld [tilespmem:s31+$0xFFFFFFA0];
	v17 =	vmov s17;
	v3 =	vadd.f32 v15, v33  }
0x9d: {  	s20 =	sadd.s32 $0x7, s0;
	v28 =	vmov v19;
	v16 =	vshrl.u32 v17, $0x3;
	v17 =	vld [tilespmem:s31+$0x50];
	v12 =	vadd.f32 v12, v33  }
0x9e: {  	v29 =	vmovc v21;
	v19 =	vmov s20;
	s20 =	sadd.s32 $0x1, s21;
	v21 =	vadd.s32 v22, v27;
	v22 =	vld [tilespmem:s18+$0xFFFFFF80];
	v13 =	vadd.f32 v13, v33;
	[tilespmem:v9+s30+$0x0] =	vst.idx.msk $0xffff, v3  }
0x9f: {  	v11 =	vmov s20;
	v9 =	vshll.u32 v16, v31;
	v16 =	vld [tilespmem:s31+$0x90];
	[tilespmem:v10+s30+$0x0] =	vst.idx.msk $0xffff, v12  }
0xa0: {  	v11 =	vshrl.u32 v11, $0x3;
	v12 =	vld [tilespmem:s31+$0xFFFFFF60];
	[tilespmem:v5+s30+$0x0] =	vst.idx.msk $0xffff, v13  }
0xa1: {  	v59 =	vmov s21;
	s7 =	sadd.s32 $0x4, s21;
	v3 =	vadd.f32 v2, v33;
	v2 =	vshll.u32 v11, v31;
	v5 =	vld [tilespmem:s18+$0xFFFFFF00];
	[tilespmem:v63+s30+$0x0] =	vst.idx.msk $0xffff, v6  }
0xa2: {  	v14 =	vmov s7;
	v7 =	vadd.s32 v1, v40;
	v1 =	vld [tilespmem:$0x1FFC0];
	v2 =	vbroadcast v2, $0x0;
	[tilespmem:v55+s30+$0x0] =	vst.idx.msk $0xffff, v48  }
0xa3: {  	v27 =	vmovc v39;
	v10 =	vshrl.u32 v14, $0x3;
	v13 =	vshrl.u32 v59, $0x3;
	v39 =	vbroadcast v9, $0x0;
	[tilespmem:v60+s30+$0x0] =	vst.idx.msk $0xffff, v3;
	v55 =	vld [tilespmem:s31+$0xFFFFFF10]  }
0xa4: {  	v3 =	vshll.u32 v10, v31;
	v10 =	vadd.f32 v20, v34;
	v9 =	vld [tilespmem:s18+$0x40];
	v14 =	vadd.s32 v23, v2  }
0xa5: {  	s8 =	sadd.s32 $0x5, s21;
	s1 =	sadd.s32 $0x6, s21;
	s21 =	sadd.s32 $0x3, s21;
	v20 =	vld [tilespmem:s18+$0x0];
	[tilespmem:v21+s30+$0x0] =	vst.idx.msk $0xffff, v61;
	v3 =	vbroadcast v3, $0x0;
	v21 =	vadd.s32 v30, v39;
	v16 =	vadd.f32 v16, v35  }
0xa6: {  	v59 =	vmov s21;
	v60 =	vld [tilespmem:s31+$0x20];
	[tilespmem:v4+s30+$0x0] =	vst.idx.msk $0xffff, v10;
	v12 =	vadd.f32 v12, v34;
	v5 =	vadd.f32 v5, v36  }
0xa7: {  	v59 =	vshrl.u32 v59, $0x3;
	v4 =	vadd.f32 v18, v36;
	v6 =	vadd.s32 v1, v3;
	v1 =	vld [tilespmem:$0x1FFB0];
	[tilespmem:v58+s30+$0x0] =	vst.idx.msk $0xffff, v16  }
0xa8: {  	v62 =	vshll.u32 v59, v31;
	[tilespmem:v0+s30+$0x0] =	vst.idx.msk $0xffff, v12;
	v0 =	vld [tilespmem:s31+$0xFFFFFFB0];
	v12 =	vadd.f32 v22, v36;
	v48 =	vmov v5  }
0xa9: {  	v22 =	vld [tilespmem:s31+$0xFFFFFF70];
	[tilespmem:v14+s30+$0x0] =	vst.idx.msk $0xffff, v4;
	v5 =	vbroadcast v62, $0x0;
	v62 =	vadd.f32 v9, v36;
	v9 =	vadd.f32 v55, v35  }
0xaa: {  	v11 =	vshrl.u32 v19, $0x3;
	v20 =	vadd.f32 v20, v36;
	v14 =	vld [tilespmem:$0x1FF00];
	[tilespmem:v21+s30+$0x0] =	vst.idx.msk $0xffff, v12  }
0xab: {  	v11 =	vshll.u32 v11, v31;
	v17 =	vadd.f32 v17, v35;
	[tilespmem:v54+s30+$0x0] =	vst.idx.msk $0xffff, v9;
	v9 =	vld [tilespmem:$0x1FE00]  }
0xac: {  	v15 =	vmov s8;
	v58 =	vadd.f32 v60, v34;
	v21 =	vbroadcast v11, $0x0;
	v11 =	vld [tilespmem:$0x1FF70];
	[tilespmem:v6+s30+$0x0] =	vst.idx.msk $0xffff, v20  }
0xad: {  	v15 =	vshrl.u32 v15, $0x3;
	v18 =	vmov s1;
	[tilespmem:v47+s30+$0x0] =	vst.idx.msk $0xffff, v17;
	v12 =	vld [tilespmem:s18+$0x10]  }
0xae: {  	v15 =	vshll.u32 v15, v31;
	v18 =	vshrl.u32 v18, $0x3;
	[tilespmem:v7+s30+$0x0] =	vst.idx.msk $0xffff, v58;
	v7 =	vld [tilespmem:s31+$0x60]  }
0xaf: {  	v13 =	vshll.u32 v13, v31;
	v18 =	vshll.u32 v18, v31;
	v6 =	vbroadcast v15, $0x0  }
0xb0: {  	v19 =	vadd.s32 v26, v2;
	v18 =	vbroadcast v18, $0x0;
	v60 =	vadd.s32 v46, v42  }
0xb1: {  	v20 =	vadd.s32 v24, v2;
	v42 =	vmovc v6;
	v11 =	vadd.s32 v11, v6;
	v6 =	vadd.f32 v22, v33  }
0xb2: {  	v61 =	vld [tilespmem:s18+$0xC0];
	v59 =	vadd.s32 v1, v18;
	v1 =	vadd.s32 v38, v3;
	v38 =	vmovc v31;
	v31 =	vmov v24  }
0xb3: {  	v24 =	vadd.s32 v14, v40;
	v14 =	vld [tilespmem:s18+$0xFFFFFF50];
	[tilespmem:v9+s30+$0x0] =	vst.idx.msk $0xffff, v6;
	v6 =	vadd.f32 v7, v34;
	v7 =	vmov v19  }
0xb4: {  	[tilespmem:$0x1FE00] =	vst v7;
	v7 =	vld [tilespmem:$0x1FF20]  }
0xb5: {  	[tilespmem:v53+s30+$0x0] =	vst.idx.msk $0xffff, v49;
	v10 =	vld [tilespmem:s18+$0xFFFFFFC0]  }
0xb6: {  	v16 =	vld [tilespmem:s31+$0xD0]  }
0xb7: {  	v40 =	vmov v3;
	v3 =	vld [tilespmem:$0x1FFE0]  }
0xb8: {  	v47 =	vmov v11;
	v11 =	vld [tilespmem:s31+$0x30]  }
0xb9: {  	v58 =	vadd.s32 v7, v18;
	v7 =	vld [tilespmem:$0x1FFA0]  }
0xba: {  	v13 =	vbroadcast v13, $0x0  }
0xbb: {  	v15 =	vld [tilespmem:s31+$0xA0];
	v16 =	vadd.f32 v16, v35  }
0xbc: {  	v49 =	vadd.f32 v61, v36;
	v55 =	vadd.s32 v25, v13  }
0xbd: {  	v4 =	vadd.f32 v10, v36;
	[tilespmem:v56+s30+$0x0] =	vst.idx.msk $0xffff, v16;
	v16 =	vadd.s32 v57, v5  }
0xbe: {  	v46 =	vmovc v57;
	v56 =	vadd.s32 v3, v5;
	v9 =	vadd.s32 v7, v43;
	v7 =	vadd.f32 v11, v33  }
0xbf: {  	v63 =	vld [tilespmem:$0x1FF10];
	v57 =	vmovc v37;
	v3 =	vadd.s32 v37, v39;
	v37 =	vmovc v26;
	v26 =	vmov v25;
	v25 =	vadd.f32 v12, v35  }
0xc0: {  	v10 =	vld [tilespmem:s31+$0xFFFFFFE0];
	v61 =	vadd.f32 v0, v33;
	v0 =	vadd.f32 v15, v34;
	[tilespmem:v24+s30+$0x0] =	vst.idx.msk $0xffff, v7  }
0xc1: {  	[tilespmem:v1+s30+$0x0] =	vst.idx.msk $0xffff, v25;
	v1 =	vld [tilespmem:$0x1FF60]  }
0xc2: {  	[tilespmem:v51+s30+$0x0] =	vst.idx.msk $0xffff, v0;
	v0 =	vld [tilespmem:$0x1FEF0]  }
0xc3: {  	v17 =	vld [tilespmem:s31+$0xE0]  }
0xc4: {  	v12 =	vld [tilespmem:s18+$0xFFFFFF90]  }
0xc5: {  	v19 =	vmov v28;
	v28 =	vld [tilespmem:$0x1FE90]  }
0xc6: {  	[tilespmem:v50+s30+$0x0] =	vst.idx.msk $0xffff, v6;
	v50 =	vadd.s32 v1, v42;
	v1 =	vld [tilespmem:$0x1FF50]  }
0xc7: {  	v11 =	vadd.s32 v0, v45;
	v0 =	vld [tilespmem:$0x1FF30]  }
0xc8: {  	v22 =	vadd.f32 v14, v35;
	[tilespmem:v16+s30+$0x0] =	vst.idx.msk $0xffff, v4;
	v4 =	vld [tilespmem:s31+$0xFFFFFF20]  }
0xc9: {  	v15 =	vadd.f32 v17, v34;
	v16 =	vld [tilespmem:s18+$0xFFFFFFD0]  }
0xca: {  	v10 =	vadd.f32 v10, v34;
	[tilespmem:v20+s30+$0x0] =	vst.idx.msk $0xffff, v22;
	v22 =	vld [tilespmem:$0x1FFF0];
	v45 =	vmov v21  }
0xcb: {  	[tilespmem:v52+s30+$0x0] =	vst.idx.msk $0xffff, v15;
	v52 =	vadd.s32 v1, v45;
	v1 =	vld [tilespmem:$0x1FDF0]  }
0xcc: {  	[tilespmem:v32+s30+$0x0] =	vst.idx.msk $0xffff, v10;
	v32 =	vmov v56;
	v56 =	vadd.s32 v0, v45;
	v0 =	vld [tilespmem:$0x1FEE0]  }
0xcd: {  	v20 =	vld [tilespmem:$0x1FEB0]  }
0xce: {  	v15 =	vld [tilespmem:s31+$0xFFFFFFF0]  }
0xcf: {  	v17 =	vld [tilespmem:s31+$0xF0]  }
0xd0: {  	v43 =	vmov v5;
	v5 =	vld [tilespmem:$0x1FFD0]  }
0xd1: {  	v4 =	vadd.f32 v4, v34;
	v10 =	vadd.s32 v0, v41;
	v41 =	vmov v18;
	v18 =	vld [tilespmem:$0x1FEA0]  }
0xd2: {  	v0 =	vld [tilespmem:$0x1FF40]  }
0xd3: {  	p1 =	slt.u32 s0, $0x78;
	[tilespmem:v1+s30+$0x0] =	vst.idx.msk $0xffff, v4;
	v1 =	vld [tilespmem:$0x1FF90]  }
.Ltmp0:
0xd4: {  	v8 =	vadd.f32 v8, v36;
	v53 =	vadd.s32 v63, v21;
	v14 =	vadd.f32 v12, v35;
	v12 =	vld [tilespmem:s31+$0xB0];
	(pc) =	sbr.rel @p1 .LBB2_3-.Ltmp0, $4  }
0xd5: {  	v6 =	vadd.f32 v16, v35;
	v17 =	vadd.f32 v17, v33;
	v24 =	vmovc v31;
	v31 =	vmov v38;
	v38 =	vld [tilespmem:$0x1FEC0]  }
0xd6: {  	v25 =	vmovc v26;
	v26 =	vmovc v37;
	v37 =	vmov v57;
	v57 =	vmov v46;
	v46 =	vld [tilespmem:$0x1FED0];
	v63 =	vadd.s32 v5, v43  }
0xd7: {  	v5 =	vadd.s32 v29, v44;
	v44 =	vmovc v13;
	v16 =	vadd.s32 v0, v42;
	v0 =	vadd.s32 v28, v2;
	v2 =	vld [tilespmem:s31+$0x70]  }
0xd8: {  	s0 =	sadd.s32 $0x8, s0;
	v21 =	vmovc v29;
	v54 =	vadd.s32 v18, v44;
	v4 =	vadd.s32 v20, v39;
	v13 =	vld [tilespmem:s31+$0xFFFFFF30];
	s31 =	smov.u32 s18;
	s18 =	sadd.s32 $0x200, s18;
	v51 =	vadd.s32 v1, v41  }
0xd9: {  	_ =	sdelay $0x3  }
0xda: {  	[tilespmem:v59+s30+$0x0] =	vst.idx.msk $0xffff, v8  }
0xdb: {  	[tilespmem:v3+s30+$0x0] =	vst.idx.msk $0xffff, v14  }
0xdc: {  	[tilespmem:v53+s30+$0x0] =	vst.idx.msk $0xffff, v49  }
0xdd: {  	[tilespmem:v11+s30+$0x0] =	vst.idx.msk $0xffff, v17  }
0xde: {  	[tilespmem:v16+s30+$0x0] =	vst.idx.msk $0xffff, v62;
	v7 =	vld [tilespmem:s31+$0xD0]  }
0xdf: {  	v3 =	vadd.f32 v15, v33;
	v36 =	vadd.s32 v22, v27;
	[tilespmem:v55+s30+$0x0] =	vst.idx.msk $0xffff, v48  }
0xe0: {  	v49 =	vadd.f32 v12, v33;
	[tilespmem:v63+s30+$0x0] =	vst.idx.msk $0xffff, v6  }
0xe1: {  	[tilespmem:v9+s30+$0x0] =	vst.idx.msk $0xffff, v3;
	v3 =	vld [tilespmem:s31+$0x90];
	v2 =	vadd.f32 v2, v33  }
0xe2: {  	[tilespmem:v10+s30+$0x0] =	vst.idx.msk $0xffff, v49  }
0xe3: {  	v53 =	vld [tilespmem:s31+$0x50];
	[tilespmem:v60+s30+$0x0] =	vst.idx.msk $0xffff, v2;
	v7 =	vadd.f32 v7, v35  }
0xe4: {  	v55 =	vld [tilespmem:s31+$0xFFFFFF60];
	[tilespmem:v36+s30+$0x0] =	vst.idx.msk $0xffff, v61  }
0xe5: {  	v2 =	vld [tilespmem:s31+$0xFFFFFF10];
	[tilespmem:v56+s30+$0x0] =	vst.idx.msk $0xffff, v7  }
0xe6: {  	v3 =	vadd.f32 v3, v35;
	v49 =	vld [tilespmem:$0x1FF80]  }
0xe7: {  	v7 =	vld [tilespmem:s31+$0xE0]  }
0xe8: {  	v60 =	vadd.f32 v53, v35;
	[tilespmem:v58+s30+$0x0] =	vst.idx.msk $0xffff, v3;
	v3 =	vld [tilespmem:s31+$0xFFFFFFE0]  }
0xe9: {  	v59 =	vld [tilespmem:s31+$0x20];
	v62 =	vadd.f32 v13, v33  }
0xea: {  	[tilespmem:v47+s30+$0x0] =	vst.idx.msk $0xffff, v60;
	v12 =	vld [tilespmem:s31+$0xA0];
	v2 =	vadd.f32 v2, v35  }
0xeb: {  	v63 =	vadd.f32 v55, v34;
	[tilespmem:v5+s30+$0x0] =	vst.idx.msk $0xffff, v62;
	v6 =	vld [tilespmem:s31+$0x60];
	v61 =	vadd.s32 v49, v40  }
0xec: {  	v35 =	vld [tilespmem:s31+$0xFFFFFFA0];
	[tilespmem:v54+s30+$0x0] =	vst.idx.msk $0xffff, v2;
	v2 =	vadd.f32 v7, v34  }
0xed: {  	[tilespmem:v0+s30+$0x0] =	vst.idx.msk $0xffff, v63;
	v3 =	vadd.f32 v3, v34  }
0xee: {  	v8 =	vadd.f32 v59, v34;
	[tilespmem:v52+s30+$0x0] =	vst.idx.msk $0xffff, v2  }
0xef: {  	v0 =	vld [tilespmem:s31+$0xFFFFFF20];
	v47 =	vadd.f32 v12, v34;
	[tilespmem:v32+s30+$0x0] =	vst.idx.msk $0xffff, v3  }
0xf0: {  	v2 =	vadd.f32 v6, v34;
	[tilespmem:v61+s30+$0x0] =	vst.idx.msk $0xffff, v8  }
0xf1: {  	v36 =	vadd.s32 v19, v44;
	v48 =	vadd.f32 v35, v34;
	v14 =	vld [tilespmem:$0x1FF00];
	[tilespmem:v51+s30+$0x0] =	vst.idx.msk $0xffff, v47  }
0xf2: {  	v16 =	vld [tilespmem:$0x1FEF0];
	[tilespmem:v50+s30+$0x0] =	vst.idx.msk $0xffff, v2  }
0xf3: {  	v8 =	vld [tilespmem:s31+$0x30];
	[tilespmem:v4+s30+$0x0] =	vst.idx.msk $0xffff, v48  }
0xf4: {  	v0 =	vadd.f32 v0, v34;
	v17 =	vld [tilespmem:$0x1FFA0]  }
0xf5: {  	v12 =	vld [tilespmem:s31+$0xFFFFFFB0]  }
0xf6: {  	v15 =	vld [tilespmem:$0x1FEE0];
	[tilespmem:v36+s30+$0x0] =	vst.idx.msk $0xffff, v0  }
0xf7: {  	v7 =	vld [tilespmem:$0x1FE00]  }
0xf8: {  	v5 =	vld [tilespmem:s31+$0xFFFFFF70];
	v61 =	vadd.s32 v22, v39  }
0xf9: {  	v3 =	vld [tilespmem:s31+$0xF0];
	v52 =	vadd.s32 v14, v40  }
0xfa: {  	v53 =	vld [tilespmem:s31+$0xFFFFFFF0]  }
0xfb: {  	v2 =	vld [tilespmem:s31+$0xB0];
	v54 =	vadd.s32 v16, v45;
	v63 =	vadd.f32 v12, v33  }
0xfc: {  	v58 =	vld [tilespmem:s31+$0x70];
	v8 =	vadd.f32 v8, v33;
	v56 =	vadd.s32 v17, v43  }
0xfd: {  	v55 =	vadd.f32 v5, v33;
	v59 =	vld [tilespmem:s31+$0xFFFFFF30];
	v13 =	vadd.s32 v15, v41;
	[tilespmem:v61+s30+$0x0] =	vst.idx.msk $0xffff, v63  }
0xfe: {  	v0 =	vadd.s32 v46, v42;
	v3 =	vadd.f32 v3, v33;
	[tilespmem:v52+s30+$0x0] =	vst.idx.msk $0xffff, v8  }
0xff: {  	v62 =	vadd.s32 v21, v44;
	v60 =	vadd.f32 v53, v33;
	[tilespmem:v7+s30+$0x0] =	vst.idx.msk $0xffff, v55  }
0x100: {  	v2 =	vadd.f32 v2, v33;
	[tilespmem:v54+s30+$0x0] =	vst.idx.msk $0xffff, v3  }
0x101: {  	s0 =	sadd.s32 s6, s29;
	v3 =	vadd.f32 v58, v33;
	[tilespmem:v56+s30+$0x0] =	vst.idx.msk $0xffff, v60  }
0x102: {  	s0 =	sshll.u32 s0, $0xD;
	[tilespmem:v13+s30+$0x0] =	vst.idx.msk $0xffff, v2;
	v2 =	vadd.f32 v59, v33  }
0x103: {  	s1 =	sor.u32 s4, s0;
	[tilespmem:v0+s30+$0x0] =	vst.idx.msk $0xffff, v3  }
0x104: {  	s0 =	sadd.s32 $0x3, s28;
	s7 =	sadd.s32 s2, s1;
	[tilespmem:v62+s30+$0x0] =	vst.idx.msk $0xffff, v2  }
0x105: {  	[hbm4b:s7+s3] =	stream.linear.scatter [tilespmem:s30], [sflag:s0], $0x80, $0x38;
	[tilespmem:$0xA980] =	vst v63  }
0x106: {  	s8 =	sadd.s32 $0x5988, s26;
	s17 =	sadd.s32 $0x10, s7  }
0x107: {  	[hbm4b:s17+s3] =	stream.linear.scatter [tilespmem:s8], [sflag:s0], $0x80, $0x38;
	[tilespmem:$0xA980] =	vst v63  }
0x108: {  	s21 =	sadd.s32 $0x5A10, s26;
	s28 =	sadd.s32 $0x20, s7  }
0x109: {  	[hbm4b:s28+s3] =	stream.linear.scatter [tilespmem:s21], [sflag:s0], $0x80, $0x38;
	[tilespmem:$0xA980] =	vst v63  }
0x10a: {  	s31 =	sadd.s32 $0x30, s7;
	s30 =	sadd.s32 $0x5A98, s26  }
0x10b: {  	[hbm4b:s31+s3] =	stream.linear.scatter [tilespmem:s30], [sflag:s0], $0x80, $0x38;
	[tilespmem:$0xA980] =	vst v63  }
0x10c: {  	s18 =	sadd.s32 $0x40, s7;
	s17 =	sadd.s32 $0x5B20, s26  }
0x10d: {  	[hbm4b:s18+s3] =	stream.linear.scatter [tilespmem:s17], [sflag:s0], $0x80, $0x38;
	[tilespmem:$0xA980] =	vst v63  }
0x10e: {  	s20 =	sadd.s32 $0x5BA8, s26;
	s21 =	sadd.s32 $0x50, s7  }
0x10f: {  	[hbm4b:s21+s3] =	stream.linear.scatter [tilespmem:s20], [sflag:s0], $0x80, $0x38;
	[tilespmem:$0xA980] =	vst v63  }
0x110: {  	s28 =	sadd.s32 $0x5C30, s26;
	s30 =	sadd.s32 $0x60, s7  }
0x111: {  	[hbm4b:s30+s3] =	stream.linear.scatter [tilespmem:s28], [sflag:s0], $0x80, $0x38;
	[tilespmem:$0xA980] =	vst v63  }
0x112: {  	s31 =	sadd.s32 $0x5CB8, s26;
	s7 =	sadd.s32 $0x70, s7  }
0x113: {  	[hbm4b:s7+s3] =	stream.linear.scatter [tilespmem:s31], [sflag:s0], $0x80, $0x38;
	[tilespmem:$0xA980] =	vst v63  }
0x114: {  	s17 =	sadd.s32 $0x5D40, s26;
	s7 =	sadd.s32 s1, s9  }
0x115: {  	[hbm4b:s7+s3] =	stream.linear.scatter [tilespmem:s17], [sflag:s0], $0x80, $0x38;
	[tilespmem:$0xA980] =	vst v63  }
0x116: {  	s18 =	sadd.s32 $0x5DC8, s26;
	s20 =	sadd.s32 $0x10, s7  }
0x117: {  	[hbm4b:s20+s3] =	stream.linear.scatter [tilespmem:s18], [sflag:s0], $0x80, $0x38;
	[tilespmem:$0xA980] =	vst v63  }
0x118: {  	s21 =	sadd.s32 $0x5E50, s26;
	s28 =	sadd.s32 $0x20, s7  }
0x119: {  	[hbm4b:s28+s3] =	stream.linear.scatter [tilespmem:s21], [sflag:s0], $0x80, $0x38;
	[tilespmem:$0xA980] =	vst v63  }
0x11a: {  	s30 =	sadd.s32 $0x5ED8, s26;
	s31 =	sadd.s32 $0x30, s7  }
0x11b: {  	[hbm4b:s31+s3] =	stream.linear.scatter [tilespmem:s30], [sflag:s0], $0x80, $0x38;
	[tilespmem:$0xA980] =	vst v63  }
0x11c: {  	s17 =	sadd.s32 $0x5F60, s26;
	s18 =	sadd.s32 $0x40, s7  }
0x11d: {  	[hbm4b:s18+s3] =	stream.linear.scatter [tilespmem:s17], [sflag:s0], $0x80, $0x38;
	[tilespmem:$0xA980] =	vst v63  }
0x11e: {  	s20 =	sadd.s32 $0x5FE8, s26;
	s21 =	sadd.s32 $0x50, s7  }
0x11f: {  	[hbm4b:s21+s3] =	stream.linear.scatter [tilespmem:s20], [sflag:s0], $0x80, $0x38;
	[tilespmem:$0xA980] =	vst v63  }
0x120: {  	s28 =	sadd.s32 $0x6070, s26;
	s30 =	sadd.s32 $0x60, s7  }
0x121: {  	[hbm4b:s30+s3] =	stream.linear.scatter [tilespmem:s28], [sflag:s0], $0x80, $0x38;
	[tilespmem:$0xA980] =	vst v63  }
0x122: {  	s31 =	sadd.s32 $0x60F8, s26;
	s7 =	sadd.s32 $0x70, s7  }
0x123: {  	[hbm4b:s7+s3] =	stream.linear.scatter [tilespmem:s31], [sflag:s0], $0x80, $0x38;
	[tilespmem:$0xA980] =	vst v63  }
0x124: {  	s17 =	sadd.s32 $0x6180, s26;
	s7 =	sadd.s32 s1, s10  }
0x125: {  	[hbm4b:s7+s3] =	stream.linear.scatter [tilespmem:s17], [sflag:s0], $0x80, $0x38;
	[tilespmem:$0xA980] =	vst v63  }
0x126: {  	s18 =	sadd.s32 $0x6208, s26;
	s20 =	sadd.s32 $0x10, s7  }
0x127: {  	[hbm4b:s20+s3] =	stream.linear.scatter [tilespmem:s18], [sflag:s0], $0x80, $0x38;
	[tilespmem:$0xA980] =	vst v63  }
0x128: {  	s21 =	sadd.s32 $0x6290, s26;
	s28 =	sadd.s32 $0x20, s7  }
0x129: {  	[hbm4b:s28+s3] =	stream.linear.scatter [tilespmem:s21], [sflag:s0], $0x80, $0x38;
	[tilespmem:$0xA980] =	vst v63  }
0x12a: {  	s30 =	sadd.s32 $0x6318, s26;
	s31 =	sadd.s32 $0x30, s7  }
0x12b: {  	[hbm4b:s31+s3] =	stream.linear.scatter [tilespmem:s30], [sflag:s0], $0x80, $0x38;
	[tilespmem:$0xA980] =	vst v63  }
0x12c: {  	s17 =	sadd.s32 $0x63A0, s26;
	s18 =	sadd.s32 $0x40, s7  }
0x12d: {  	[hbm4b:s18+s3] =	stream.linear.scatter [tilespmem:s17], [sflag:s0], $0x80, $0x38;
	[tilespmem:$0xA980] =	vst v63  }
0x12e: {  	s20 =	sadd.s32 $0x6428, s26;
	s21 =	sadd.s32 $0x50, s7  }
0x12f: {  	[hbm4b:s21+s3] =	stream.linear.scatter [tilespmem:s20], [sflag:s0], $0x80, $0x38;
	[tilespmem:$0xA980] =	vst v63  }
0x130: {  	s28 =	sadd.s32 $0x64B0, s26;
	s30 =	sadd.s32 $0x60, s7  }
0x131: {  	[hbm4b:s30+s3] =	stream.linear.scatter [tilespmem:s28], [sflag:s0], $0x80, $0x38;
	[tilespmem:$0xA980] =	vst v63  }
0x132: {  	s31 =	sadd.s32 $0x6538, s26;
	s7 =	sadd.s32 $0x70, s7  }
0x133: {  	[hbm4b:s7+s3] =	stream.linear.scatter [tilespmem:s31], [sflag:s0], $0x80, $0x38;
	[tilespmem:$0xA980] =	vst v63  }
0x134: {  	s17 =	sadd.s32 $0x65C0, s26;
	s7 =	sadd.s32 s1, s11  }
0x135: {  	[hbm4b:s7+s3] =	stream.linear.scatter [tilespmem:s17], [sflag:s0], $0x80, $0x38;
	[tilespmem:$0xA980] =	vst v63  }
0x136: {  	s18 =	sadd.s32 $0x6648, s26;
	s20 =	sadd.s32 $0x10, s7  }
0x137: {  	[hbm4b:s20+s3] =	stream.linear.scatter [tilespmem:s18], [sflag:s0], $0x80, $0x38;
	[tilespmem:$0xA980] =	vst v63  }
0x138: {  	s21 =	sadd.s32 $0x66D0, s26;
	s28 =	sadd.s32 $0x20, s7  }
0x139: {  	[hbm4b:s28+s3] =	stream.linear.scatter [tilespmem:s21], [sflag:s0], $0x80, $0x38;
	[tilespmem:$0xA980] =	vst v63  }
0x13a: {  	s30 =	sadd.s32 $0x6758, s26;
	s31 =	sadd.s32 $0x30, s7  }
0x13b: {  	[hbm4b:s31+s3] =	stream.linear.scatter [tilespmem:s30], [sflag:s0], $0x80, $0x38;
	[tilespmem:$0xA980] =	vst v63  }
0x13c: {  	s17 =	sadd.s32 $0x67E0, s26;
	s18 =	sadd.s32 $0x40, s7  }
0x13d: {  	[hbm4b:s18+s3] =	stream.linear.scatter [tilespmem:s17], [sflag:s0], $0x80, $0x38;
	[tilespmem:$0xA980] =	vst v63  }
0x13e: {  	s20 =	sadd.s32 $0x6868, s26;
	s21 =	sadd.s32 $0x50, s7  }
0x13f: {  	[hbm4b:s21+s3] =	stream.linear.scatter [tilespmem:s20], [sflag:s0], $0x80, $0x38;
	[tilespmem:$0xA980] =	vst v63  }
0x140: {  	s28 =	sadd.s32 $0x68F0, s26;
	s30 =	sadd.s32 $0x60, s7  }
0x141: {  	[hbm4b:s30+s3] =	stream.linear.scatter [tilespmem:s28], [sflag:s0], $0x80, $0x38;
	[tilespmem:$0xA980] =	vst v63  }
0x142: {  	s31 =	sadd.s32 $0x6978, s26;
	s7 =	sadd.s32 $0x70, s7  }
0x143: {  	[hbm4b:s7+s3] =	stream.linear.scatter [tilespmem:s31], [sflag:s0], $0x80, $0x38;
	[tilespmem:$0xA980] =	vst v63  }
0x144: {  	s17 =	sadd.s32 $0x6A00, s26;
	s7 =	sadd.s32 s1, s12  }
0x145: {  	[hbm4b:s7+s3] =	stream.linear.scatter [tilespmem:s17], [sflag:s0], $0x80, $0x38;
	[tilespmem:$0xA980] =	vst v63  }
0x146: {  	s18 =	sadd.s32 $0x6A88, s26;
	s20 =	sadd.s32 $0x10, s7  }
0x147: {  	[hbm4b:s20+s3] =	stream.linear.scatter [tilespmem:s18], [sflag:s0], $0x80, $0x38;
	[tilespmem:$0xA980] =	vst v63  }
0x148: {  	s21 =	sadd.s32 $0x6B10, s26;
	s28 =	sadd.s32 $0x20, s7  }
0x149: {  	[hbm4b:s28+s3] =	stream.linear.scatter [tilespmem:s21], [sflag:s0], $0x80, $0x38;
	[tilespmem:$0xA980] =	vst v63  }
0x14a: {  	s30 =	sadd.s32 $0x6B98, s26;
	s31 =	sadd.s32 $0x30, s7  }
0x14b: {  	[hbm4b:s31+s3] =	stream.linear.scatter [tilespmem:s30], [sflag:s0], $0x80, $0x38;
	[tilespmem:$0xA980] =	vst v63  }
0x14c: {  	s17 =	sadd.s32 $0x6C20, s26;
	s18 =	sadd.s32 $0x40, s7  }
0x14d: {  	[hbm4b:s18+s3] =	stream.linear.scatter [tilespmem:s17], [sflag:s0], $0x80, $0x38;
	[tilespmem:$0xA980] =	vst v63  }
0x14e: {  	s20 =	sadd.s32 $0x6CA8, s26;
	s21 =	sadd.s32 $0x50, s7  }
0x14f: {  	[hbm4b:s21+s3] =	stream.linear.scatter [tilespmem:s20], [sflag:s0], $0x80, $0x38;
	[tilespmem:$0xA980] =	vst v63  }
0x150: {  	s28 =	sadd.s32 $0x6D30, s26;
	s30 =	sadd.s32 $0x60, s7  }
0x151: {  	[hbm4b:s30+s3] =	stream.linear.scatter [tilespmem:s28], [sflag:s0], $0x80, $0x38;
	[tilespmem:$0xA980] =	vst v63  }
0x152: {  	s31 =	sadd.s32 $0x6DB8, s26;
	s7 =	sadd.s32 $0x70, s7  }
0x153: {  	[hbm4b:s7+s3] =	stream.linear.scatter [tilespmem:s31], [sflag:s0], $0x80, $0x38;
	[tilespmem:$0xA980] =	vst v63  }
0x154: {  	s17 =	sadd.s32 $0x6E40, s26;
	s7 =	sadd.s32 s1, s13  }
0x155: {  	[hbm4b:s7+s3] =	stream.linear.scatter [tilespmem:s17], [sflag:s0], $0x80, $0x38;
	[tilespmem:$0xA980] =	vst v63  }
0x156: {  	s18 =	sadd.s32 $0x6EC8, s26;
	s20 =	sadd.s32 $0x10, s7  }
0x157: {  	[hbm4b:s20+s3] =	stream.linear.scatter [tilespmem:s18], [sflag:s0], $0x80, $0x38;
	[tilespmem:$0xA980] =	vst v63  }
0x158: {  	s21 =	sadd.s32 $0x6F50, s26;
	s28 =	sadd.s32 $0x20, s7  }
0x159: {  	[hbm4b:s28+s3] =	stream.linear.scatter [tilespmem:s21], [sflag:s0], $0x80, $0x38;
	[tilespmem:$0xA980] =	vst v63  }
0x15a: {  	s30 =	sadd.s32 $0x6FD8, s26;
	s31 =	sadd.s32 $0x30, s7  }
0x15b: {  	[hbm4b:s31+s3] =	stream.linear.scatter [tilespmem:s30], [sflag:s0], $0x80, $0x38;
	[tilespmem:$0xA980] =	vst v63  }
0x15c: {  	s17 =	sadd.s32 $0x7060, s26;
	s18 =	sadd.s32 $0x40, s7  }
0x15d: {  	[hbm4b:s18+s3] =	stream.linear.scatter [tilespmem:s17], [sflag:s0], $0x80, $0x38;
	[tilespmem:$0xA980] =	vst v63  }
0x15e: {  	s20 =	sadd.s32 $0x70E8, s26;
	s21 =	sadd.s32 $0x50, s7  }
0x15f: {  	[hbm4b:s21+s3] =	stream.linear.scatter [tilespmem:s20], [sflag:s0], $0x80, $0x38;
	[tilespmem:$0xA980] =	vst v63  }
0x160: {  	s28 =	sadd.s32 $0x7170, s26;
	s30 =	sadd.s32 $0x60, s7  }
0x161: {  	[hbm4b:s30+s3] =	stream.linear.scatter [tilespmem:s28], [sflag:s0], $0x80, $0x38;
	[tilespmem:$0xA980] =	vst v63  }
0x162: {  	s31 =	sadd.s32 $0x71F8, s26;
	s7 =	sadd.s32 $0x70, s7  }
0x163: {  	[hbm4b:s7+s3] =	stream.linear.scatter [tilespmem:s31], [sflag:s0], $0x80, $0x38;
	[tilespmem:$0xA980] =	vst v63  }
0x164: {  	s17 =	sadd.s32 $0x7280, s26;
	s7 =	sadd.s32 s1, s14  }
0x165: {  	[hbm4b:s7+s3] =	stream.linear.scatter [tilespmem:s17], [sflag:s0], $0x80, $0x38;
	[tilespmem:$0xA980] =	vst v63  }
0x166: {  	s18 =	sadd.s32 $0x7308, s26;
	s20 =	sadd.s32 $0x10, s7  }
0x167: {  	[hbm4b:s20+s3] =	stream.linear.scatter [tilespmem:s18], [sflag:s0], $0x80, $0x38;
	[tilespmem:$0xA980] =	vst v63  }
0x168: {  	s21 =	sadd.s32 $0x7390, s26;
	s28 =	sadd.s32 $0x20, s7  }
0x169: {  	[hbm4b:s28+s3] =	stream.linear.scatter [tilespmem:s21], [sflag:s0], $0x80, $0x38;
	[tilespmem:$0xA980] =	vst v63  }
0x16a: {  	s30 =	sadd.s32 $0x7418, s26;
	s31 =	sadd.s32 $0x30, s7  }
0x16b: {  	[hbm4b:s31+s3] =	stream.linear.scatter [tilespmem:s30], [sflag:s0], $0x80, $0x38;
	[tilespmem:$0xA980] =	vst v63  }
0x16c: {  	s17 =	sadd.s32 $0x74A0, s26;
	s18 =	sadd.s32 $0x40, s7  }
0x16d: {  	[hbm4b:s18+s3] =	stream.linear.scatter [tilespmem:s17], [sflag:s0], $0x80, $0x38;
	[tilespmem:$0xA980] =	vst v63  }
0x16e: {  	s20 =	sadd.s32 $0x7528, s26;
	s21 =	sadd.s32 $0x50, s7  }
0x16f: {  	[hbm4b:s21+s3] =	stream.linear.scatter [tilespmem:s20], [sflag:s0], $0x80, $0x38;
	[tilespmem:$0xA980] =	vst v63  }
0x170: {  	s28 =	sadd.s32 $0x75B0, s26;
	s30 =	sadd.s32 $0x60, s7  }
0x171: {  	[hbm4b:s30+s3] =	stream.linear.scatter [tilespmem:s28], [sflag:s0], $0x80, $0x38;
	[tilespmem:$0xA980] =	vst v63  }
0x172: {  	s31 =	sadd.s32 $0x7638, s26;
	s7 =	sadd.s32 $0x70, s7  }
0x173: {  	[hbm4b:s7+s3] =	stream.linear.scatter [tilespmem:s31], [sflag:s0], $0x80, $0x38;
	[tilespmem:$0xA980] =	vst v63  }
0x174: {  	s1 =	sadd.s32 s1, s15;
	s17 =	sadd.s32 $0x76C0, s26  }
0x175: {  	[hbm4b:s1+s3] =	stream.linear.scatter [tilespmem:s17], [sflag:s0], $0x80, $0x38;
	[tilespmem:$0xA980] =	vst v63  }
0x176: {  	s18 =	sadd.s32 $0x7748, s26;
	s20 =	sadd.s32 $0x10, s1  }
0x177: {  	[hbm4b:s20+s3] =	stream.linear.scatter [tilespmem:s18], [sflag:s0], $0x80, $0x38;
	[tilespmem:$0xA980] =	vst v63  }
0x178: {  	s21 =	sadd.s32 $0x77D0, s26;
	s28 =	sadd.s32 $0x20, s1  }
0x179: {  	v0 =	vld [tilespmem:$0x1FFD0];
	[hbm4b:s28+s3] =	stream.linear.scatter [tilespmem:s21], [sflag:s0], $0x80, $0x38  }
0x17a: {  	v2 =	vld [tilespmem:$0x1FFE0];
	s30 =	sadd.s32 $0x7858, s26;
	s31 =	sadd.s32 $0x30, s1  }
0x17b: {  	v58 =	vld [tilespmem:$0x1FFC0];
	[hbm4b:s31+s3] =	stream.linear.scatter [tilespmem:s30], [sflag:s0], $0x80, $0x38  }
0x17c: {  	v39 =	vld [tilespmem:$0x1FF40];
	s17 =	sadd.s32 $0x78E0, s26;
	s18 =	sadd.s32 $0x40, s1  }
0x17d: {  	v61 =	vld [tilespmem:$0x1FF70];
	[hbm4b:s18+s3] =	stream.linear.scatter [tilespmem:s17], [sflag:s0], $0x80, $0x38  }
0x17e: {  	p1 =	sne.s32 s25, $0x32;
	v47 =	vld [tilespmem:$0x1FF60];
	s20 =	sadd.s32 $0x7968, s26;
	s21 =	sadd.s32 $0x50, s1  }
0x17f: {  	v50 =	vld [tilespmem:$0x1FFB0];
	[hbm4b:s21+s3] =	stream.linear.scatter [tilespmem:s20], [sflag:s0], $0x80, $0x38  }
.Ltmp1:
0x180: {  	v42 =	vld [tilespmem:$0x1FF20];
	(pc) =	sbr.rel @p1 .LBB2_2-.Ltmp1, $4  }
0x181: {  	p0 =	por !p0, !p0;
	v51 =	vld [tilespmem:$0x1FF90];
	s28 =	sadd.s32 $0x79F0, s26;
	s30 =	sadd.s32 $0x60, s1  }
0x182: {  	v32 =	vld [tilespmem:$0x1FF10];
	[hbm4b:s30+s3] =	stream.linear.scatter [tilespmem:s28], [sflag:s0], $0x80, $0x38  }
0x183: {  	s29 =	smov.u32 s25;
	v45 =	vld [tilespmem:$0x1FF30];
	s31 =	sadd.s32 $0x7A78, s26;
	s1 =	sadd.s32 $0x70, s1  }
0x184: {  	v48 =	vld [tilespmem:$0x1FF50];
	[hbm4b:s1+s3] =	stream.linear.scatter [tilespmem:s31], [sflag:s0], $0x80, $0x38  }
0x185: {  	s24 =	sadd.s32 $0x1, s24  }
0x186: {  	_ =	swait.ge [sflag:s22], $0x2000;
	p0 =	sne.s32 s24, s16  }
.Ltmp2:
0x187: {  	[sflag:s22] =	ssyncset.done $0x0;
	(pc) =	sbr.rel @p0 .LBB2_1-.Ltmp2, $4  }
0x188: {  	[sflag:s22] =	ssyncadd.s32 $0xFFFFE000  }
0x189: {  	_ =	swait.ge [sflag:s23], $0x2000  }
0x18a: {  	[sflag:s23] =	ssyncset.done $0x0  }
0x18b: {  	[sflag:s23] =	ssyncadd.s32 $0xFFFFE000  }
0x18c: {  	_ =	sfence.sel $0x180000  }
0x18d: {  	[bflag:$0x0] =	sbarrier.arrive $0xFFFF  }
0x18e: {  	_ =	strace $0x90000047  }
0x18f: {  	s0 =	stileid.u32;
	[bflag:$0x2] =	sbarrier.arrive $0xFFFF  }
0x190: {  	p0 =	sne.s32 s0, $0x0;
	s0 =	rddreg [dreg:$0x2]  }
0x191: {  	s0 =	sadd.s32 @!p0 $0x100000, s0  }
0x192: {  	[sflag:s0] =	ssyncadd.tile.s32 @!p0 $0x1;
	_ =	shalt  }
.Lfunc_end2:
_tile_overlayer_lowered:
.L_overlay_start_2:
0x193: {  	(tag) =	ssettag $0x2  }
0x194: {  	s0 =	rddreg [dreg:$0x0];
	s2 =	stileid.u32  }
0x195: {  	s1 =	rddreg [dreg:$0x1];
	p0 =	sne.s32 s2, $0x0  }
0x196: {  	s3 =	rddreg [dreg:$0x2];
	[bflag:$0x3] =	sbarrier.arrive $0xFFFF;
	s2 =	simm.s32 @!p0 $0x1C05  }
0x197: {  	[timem:s3], [sflag:s2] =	dma.local @!p0 [hbm:s0], s1  }
0x198: {  	s0 =	simm.s32 @!p0 $0x5  }
0x199: {  	_ =	swait.ge @!p0 [sflag:s0], s1  }
0x19a: {  	s1 =	ssub.s32 @!p0 $0x0, s1;
	[sflag:s0] =	ssyncset.done @!p0 $0x0  }
0x19b: {  	[sflag:s0] =	ssyncadd.s32 @!p0 s1  }
0x19c: {  	[bflag:$0x3] =	sbarrier.arrive $0xFFFF  }
0x19d: {  	_ =	shalt  }

// kernel: embed_pe_g.3.cloned.1.call-start
scs
__scs_entry_jumppad:
0x0: {  	(pc) =	sbr.rel $0x88, $3  }
0x1: {  	(tag) =	ssettag $0x0;
	lr =	simm.s32 $0x1  }
0x2: {  	[smem:$0x3F9D] =	sst lr;
	_ =	strace $0xD0000000  }
0x3: {  	_ = 	snop  }
0x4: {  	_ = 	snop  }
0x5: {  	_ = 	snop  }
0x6: {  	_ = 	snop  }
0x7: {  	_ = 	snop  }
__scs_overlays_trampoline_lowered:
0x8: {  	[smem:$0x3FAC] =	sst s0  }
0x9: {  	[smem:$0x3FAD] =	sst s1  }
0xa: {  	[smem:$0x3FAE] =	sst s2  }
0xb: {  	[smem:$0x3FAF] =	sst s3  }
0xc: {  	[smem:$0x3FB0] =	sst s4  }
0xd: {  	[smem:$0x3FB1] =	sst s5  }
0xe: {  	[smem:$0x3FB2] =	sst s6  }
0xf: {  	[smem:$0x3FB3] =	sst s7  }
0x10: {  	[smem:$0x3FB4] =	sst s8  }
0x11: {  	[smem:$0x3FB5] =	sst s9;
	s0 =	simm.s32 @!p0 $0x0  }
0x12: {  	s1 =	sld [smem:$0x3F9B];
	s0 =	simm.s32 @p0 $0x1  }
0x13: {  	[smem:$0x3FB6] =	sst s0;
	s0 =	simm.s32 @!p1 $0x0  }
0x14: {  	s2 =	sld [smem:$0x3F9A];
	s0 =	simm.s32 @p1 $0x1  }
0x15: {  	[smem:$0x3FB7] =	sst s0;
	s0 =	simm.s32 @!p2 $0x0  }
0x16: {  	s3 =	sld [smem:$0x3FDB];
	s0 =	simm.s32 @p2 $0x1  }
0x17: {  	s4 =	simm.s32 $0x1BF5;
	[smem:$0x3FB9] =	sst s0  }
0x18: {  	s0 =	sld [smem:$0x3F9C];
	_ =	swait.ge [sflag:s4], $0x0  }
0x19: {  	s7 =	sld [smem:$0x3F9D]  }
0x1a: {  	s8 =	sadd.s32 $0xFFFFE003, lr  }
0x1b: {  	s9 =	sadd.s32 $0xFFFFFEF7, lr;
	s5 =	simm.s32 $0xFFFFFFFF;
	p2 =	slt.u32 s8, $0xFFFFF086  }
0x1c: {  	p1 =	slt.u32 s9, $0xF7A;
	s5 =	simm.s32 @!p2 $0x0  }
0x1d: {  	s5 =	simm.s32 @p1 $0x1;
	p0 =	seq.s32 s7, s2  }
0x1e: {  	s7 =	smul.u32 @!p0 $0xF7A, s2;
	p2 =	seq.s32 @!p0 s5, $0x0  }
0x1f: {  	s9 =	smul.u32 $0xF7A, s1;
	s8 =	simm.s32 @!p0 $0x1BF5;
	p2 =	por !p2, p0  }
0x20: {  	[sflag:s8] =	ssyncset.s32 @!p0 $0xFFFFF086;
	s6 =	sadd.s32 @!p0 s3, s7;
	s7 =	simm.s32 @!p0 $0x108  }
0x21: {  	s3 =	sadd.s32 s3, s9;
	s6 =	sadd.s32 @!p0 $0x88, s6;
	s7 =	simm.s32 @p2 $0x1082  }
0x22: {  	[simem:s7], [sflag:s8] =	dma.local @!p0 [hbm:s6], $0xF7A  }
0x23: {  	s9 =	sor.u32 $0xD0000000, s2;
	s6 =	simm.s32 $0x108;
	_ =	swait.ge @!p0 [sflag:s8], $0x0  }
0x24: {  	s3 =	sadd.s32 $0x88, s3;
	s6 =	simm.s32 @!p1 $0x1082;
	[sflag:s4] =	ssyncset.s32 $0xFFFFF086  }
0x25: {  	[simem:s6], [sflag:s4] =	dma.local [hbm:s3], $0xF7A  }
0x26: {  	[smem:$0x3F9D] =	sst s1;
	(tag) =	ssettag s2;
	_ =	strace s9  }
0x27: {  	s1 =	sld [smem:$0x3FAD]  }
0x28: {  	s2 =	sld [smem:$0x3FAE]  }
0x29: {  	s4 =	sld [smem:$0x3FB0]  }
0x2a: {  	p0 =	seq.s32 s5, $0x0;
	s5 =	sld [smem:$0x3FB1]  }
0x2b: {  	s6 =	sld [smem:$0x3FB2]  }
0x2c: {  	s7 =	sld [smem:$0x3FB3]  }
0x2d: {  	s3 =	simm.s32 $0x108;
	s8 =	sld [smem:$0x3FB4]  }
0x2e: {  	s3 =	simm.s32 @!p0 $0x1082;
	s9 =	sld [smem:$0x3FB5]  }
0x2f: {  	lr =	sadd.s32 s0, s3;
	s0 =	sld [smem:$0x3FAC]  }
0x30: {  	s3 =	sld [smem:$0x3FAF]  }
0x31: {  	[smem:$0x3FB8] =	sst s10  }
0x32: {  	s10 =	sld [smem:$0x3FB6];
	_ =	sdelay $0x3  }
0x33: {  	p0 =	seq.s32 s10, $0x1;
	s10 =	sld [smem:$0x3FB8];
	_ =	sdelay $0x3  }
0x34: {  	[smem:$0x3FB8] =	sst s10  }
0x35: {  	s10 =	sld [smem:$0x3FB7];
	_ =	sdelay $0x3  }
0x36: {  	p1 =	seq.s32 s10, $0x1;
	s10 =	sld [smem:$0x3FB8];
	_ =	sdelay $0x3  }
0x37: {  	[smem:$0x3FB8] =	sst s10  }
0x38: {  	s10 =	sld [smem:$0x3FB9]  }
0x39: {  	_ = 	snop;
	(pc) =	sbr.ind lr, $3  }
0x3a: {  	_ = 	snop  }
0x3b: {  	_ = 	snop  }
0x3c: {  	p2 =	seq.s32 s10, $0x1;
	s10 =	sld [smem:$0x3FB8]  }
0x3d: {  	_ =	shalt  }
0x3e: {  	_ =	shalt  }
0x3f: {  	_ =	shalt  }
0x40: {  	_ =	shalt  }
0x41: {  	_ =	shalt  }
0x42: {  	_ =	shalt  }
0x43: {  	_ =	shalt  }
0x44: {  	_ =	shalt  }
0x45: {  	_ =	shalt  }
0x46: {  	_ =	shalt  }
0x47: {  	_ =	shalt  }
0x48: {  	_ =	shalt  }
0x49: {  	_ =	shalt  }
0x4a: {  	_ =	shalt  }
0x4b: {  	_ =	shalt  }
0x4c: {  	_ =	shalt  }
0x4d: {  	_ =	shalt  }
0x4e: {  	_ =	shalt  }
0x4f: {  	_ =	shalt  }
0x50: {  	_ =	shalt  }
0x51: {  	_ =	shalt  }
0x52: {  	_ =	shalt  }
0x53: {  	_ =	shalt  }
0x54: {  	_ =	shalt  }
0x55: {  	_ =	shalt  }
0x56: {  	_ =	shalt  }
0x57: {  	_ =	shalt  }
0x58: {  	_ =	shalt  }
0x59: {  	_ =	shalt  }
0x5a: {  	_ =	shalt  }
0x5b: {  	_ =	shalt  }
0x5c: {  	_ =	shalt  }
0x5d: {  	_ =	shalt  }
0x5e: {  	_ =	shalt  }
0x5f: {  	_ =	shalt  }
0x60: {  	_ =	shalt  }
0x61: {  	_ =	shalt  }
0x62: {  	_ =	shalt  }
0x63: {  	_ =	shalt  }
0x64: {  	_ =	shalt  }
0x65: {  	_ =	shalt  }
0x66: {  	_ =	shalt  }
0x67: {  	_ =	shalt  }
0x68: {  	_ =	shalt  }
0x69: {  	_ =	shalt  }
0x6a: {  	_ =	shalt  }
0x6b: {  	_ =	shalt  }
0x6c: {  	_ =	shalt  }
0x6d: {  	_ =	shalt  }
0x6e: {  	_ =	shalt  }
0x6f: {  	_ =	shalt  }
0x70: {  	_ =	shalt  }
0x71: {  	_ =	shalt  }
0x72: {  	_ =	shalt  }
0x73: {  	_ =	shalt  }
0x74: {  	_ =	shalt  }
0x75: {  	_ =	shalt  }
0x76: {  	_ =	shalt  }
0x77: {  	_ =	shalt  }
0x78: {  	_ =	shalt  }
0x79: {  	_ =	shalt  }
0x7a: {  	_ =	shalt  }
0x7b: {  	_ =	shalt  }
0x7c: {  	_ =	shalt  }
0x7d: {  	_ =	shalt  }
0x7e: {  	_ =	shalt  }
0x7f: {  	_ =	shalt  }
0x80: {  	_ =	shalt  }
0x81: {  	_ =	shalt  }
0x82: {  	_ =	shalt  }
0x83: {  	_ =	shalt  }
0x84: {  	_ =	shalt  }
0x85: {  	_ =	shalt  }
0x86: {  	_ =	shalt  }
0x87: {  	_ =	shalt  }
.Lfunc_end0:
.L_simem_size_0:
called_computation_lowered:
.L_overlay_start_0:
0x88: {  	s2 =	sld [smem:$0x3FD9]  }
0x89: {  	s3 =	sld [smem:$0x3FFE];
	_ =	sdelay $0x1  }
0x8a: {  	s1 =	srdreg.scid  }
0x8b: {  	s0 =	sand.u32 $0x1, s1  }
0x8c: {  	s15 =	sshll.u32 s0, $0xA;
	s2 =	sadd.s32 s3, s2  }
0x8d: {  	s2 =	sadd.s32 s2, s15  }
0x8e: {  	[smem:$0x3FC4] =	sst s2  }
0x8f: {  	_ = 	snop  }
0x90: {  	s2 =	sld [smem:$0x3FD0];
	_ =	sdelay $0x2  }
0x91: {  	s16 =	simm.s32 $0xB;
	s4 =	simm.s32 $0x10  }
0x92: {  	[smem:s4], [sflag:s16] =	dma.local [hbm:s2], $0x1  }
0x93: {  	_ =	swait.eq [sflag:s16], $0x1  }
0x94: {  	[sflag:s16] =	ssyncset.done $0x0  }
0x95: {  	[sflag:s16] =	ssyncadd.s32 $0xFFFFFFFF  }
0x96: {  	s17 =	sld [smem:$0x10];
	(tm) =	ssettm $0x1  }
0x97: {  	s18 =	sld [smem:$0x3FFB];
	_ =	sdelay $0x3  }
0x98: {  	_ =	strace s18  }
0x99: {  	s2 =	sld [smem:$0x3FFC];
	_ =	sdelay $0x3  }
0x9a: {  	_ =	strace s2  }
0x9b: {  	s2 =	sld [smem:$0x3FFD];
	_ =	sdelay $0x3  }
0x9c: {  	_ =	strace s2  }
0x9d: {  	_ =	strace $0x8FFFFFFF  }
0x9e: {  	s19 =	sld [smem:$0x3FDB];
	_ =	sdelay $0x1  }
0x9f: {  	s20 =	simm.s32 $_scs_section_size  }
0xa0: {  	s5 =	simm.s32 $_size__tile_overlayer_lowered;
	s6 =	simm.s32 $_tile_overlayer_lowered  }
0xa1: {  	s7 =	simm.s32 $0x1BFF;
	s21 =	sshll.u32 s6, $0x1;
	s4 =	sadd.s32 s20, s19  }
0xa2: {  	s22 =	simm.s32 $0x0;
	s5 =	sshll.u32 s5, $0x1;
	s6 =	sadd.s32 s21, s4  }
0xa3: {  	[timem:s22], [sflag:s7] =	dma.local [hbm:s6], s5  }
0xa4: {  	_ =	swait.ge [sflag:s7], s5  }
0xa5: {  	s5 =	ssub.s32 $0x0, s5;
	[sflag:s7] =	ssyncset.done $0x0  }
0xa6: {  	[sflag:s7] =	ssyncadd.s32 s5;
	_ =	sdelay $0x1  }
0xa7: {  	s23 =	simm.s32 $0x1B8B  }
0xa8: {  	_ =	swait.ge [sflag:s23], $0x1  }
0xa9: {  	[sflag:s23] =	ssyncset.done $0x0  }
0xaa: {  	[sflag:s23] =	ssyncadd.s32 $0xFFFFFFFF  }
0xab: {  	s5 =	sld [smem:$0x0]  }
0xac: {  	s6 =	sand.u32 $0xFFFFFFFE, s1  }
0xad: {  	p0 =	sne.s32 s1, s6  }
0xae: {  	s6 =	sshll.u32 @p0 s6, $0xE  }
0xaf: {  	s6 =	sadd.s32 @p0 $0x11B8D, s6;
	s7 =	sshll.u32 @p0 s5, $0x11  }
0xb0: {  	s6 =	sor.u32 @p0 s7, s6  }
0xb1: {  	[sflag:s6] =	ssyncadd.remote.s32 @p0 $0x1;
	_ =	sdelay $0x1  }
0xb2: {  	s6 =	simm.s32 @p0 $0x1B8D  }
0xb3: {  	_ =	swait.eq @p0 [sflag:s6], $0x1  }
0xb4: {  	[sflag:s6] =	ssyncadd.s32 @p0 $0xFFFFFFFF  }
0xb5: {  	s7 =	sshll.u32 @!p0 s1, $0xE  }
0xb6: {  	s7 =	sor.u32 @!p0 $0x4000, s7;
	s6 =	simm.s32 @!p0 $0x1B8D  }
0xb7: {  	s5 =	sshll.u32 @!p0 s5, $0x11;
	s7 =	sadd.s32 @!p0 $0x11B8D, s7;
	_ =	swait.eq @!p0 [sflag:s6], $0x1  }
0xb8: {  	s5 =	sor.u32 @!p0 s5, s7;
	[sflag:s6] =	ssyncadd.s32 @!p0 $0xFFFFFFFF  }
0xb9: {  	s25 =	simm.s32 $0x1B8E;
	s24 =	sld [smem:$0x3FFE];
	[sflag:s5] =	ssyncadd.remote.s32 @!p0 $0x1  }
0xba: {  	s26 =	simm.s32 $execute0_lowered;
	[smem:$0x3FD2] =	sst s25  }
0xbb: {  	s6 =	sshll.u32 s26, $0x1;
	_ =	strace $0x80000049;
	[dreg:$0x1] =	wrdreg $0xFFFFFFFF  }
0xbc: {  	s28 =	simm.s32 $_size_execute0_lowered;
	s4 =	sadd.s32 s4, s6;
	[dreg:$0x0] =	wrdreg $0x0  }
0xbd: {  	s6 =	sshll.u32 s28, $0x1;
	[dreg:$0x2] =	wrdreg s4  }
0xbe: {  	[dreg:$0x3] =	wrdreg s6  }
0xbf: {  	[dreg:$0x4] =	wrdreg $0xC0  }
0xc0: {  	_ =	task [dreg:s22], $0x5FFFF  }
0xc1: {  	[dreg:$0x1] =	wrdreg $0xFFFFFFFF  }
0xc2: {  	[dreg:$0x0] =	wrdreg $0x60  }
0xc3: {  	[dreg:$0x2] =	wrdreg s24  }
0xc4: {  	[dreg:$0x3] =	wrdreg s17  }
0xc5: {  	[dreg:$0x4] =	wrdreg $0x9  }
0xc6: {  	_ =	task.clear_ibuf [dreg:s22], $0x5FFFF;
	_ =	strace $0x90000049  }
0xc7: {  	s29 =	simm.s32 $0x9;
	_ =	strace $0x8000004B  }
0xc8: {  	_ =	swait.ge [sflag:s29], $0x1  }
0xc9: {  	[sflag:s29] =	ssyncadd.s32 $0xFFFFFFFF  }
0xca: {  	_ =	strace $0x9000004B  }
0xcb: {  	_ =	sfence  }
0xcc: {  	s30 =	sld [smem:$0x0];
	_ =	sdelay $0x2  }
0xcd: {  	s31 =	sshll.u32 s1, $0xD;
	s1 =	sshrl.u32 s1, $0x2  }
0xce: {  	s4 =	sand.u32 $0x4000, s31;
	s1 =	sadd.s32 s1, s30  }
0xcf: {  	s0 =	sor.u32 s4, s0;
	s1 =	sshll.u32 s1, $0x11  }
0xd0: {  	s0 =	sor.u32 s1, s0  }
0xd1: {  	s0 =	sadd.s32 $0x8F2B, s0  }
0xd2: {  	[sflag:s0] =	ssyncadd.remote.s32 $0x1  }
0xd3: {  	_ =	sfence.sel $0xFFFF  }
0xd4: {  	[dreg:$0x0] =	wrdreg $0xFFFFFFFF;
	(pc) =	sbr.abs _section_cstart, $3  }
0xd5: {  	[dreg:$0x1] =	wrdreg $0xFFFFFFFF  }
0xd6: {  	_ =	task.clear_ibuf [dreg:s22], $0x2FFFF;
	_ =	strace $0x9FFFFFFF  }
0xd7: {  	(tm) =	ssettm $0x7FFFFFFF  }
tec
execute0_lowered:
.L_overlay_start_1:
0x0: {  	(tag) =	ssettag $0x1  }
0x1: {  	v0 =	vlaneseq.u32  }
0x2: {  	s3 =	stileid.u32;
	s5 =	rddreg [dreg:$0x0];
	v25 =	vmul.u32 $0x88, v0  }
0x3: {  	s1 =	sshll.u32 s3, $0x1;
	s4 =	sshll.u32 s3, $0x6;
	s3 =	simm.s32 $0x0  }
0x4: {  	[smem:$0x7FF] =	sst s3;
	v28 =	vadd.s32 $0x1101, v25  }
0x5: {  	s2 =	rddreg [dreg:$0x1];
	v18 =	vadd.s32 $0x880, v25;
	_ =	strace $0x8000004A;
	[tilespmem:$0x1FE90] =	vst v28  }
0x6: {  	v20 =	vadd.s32 $0x1102, v25;
	[tilespmem:$0x1FEA0] =	vst v18  }
0x7: {  	v38 =	vadd.s32 $0x884, v25;
	[tilespmem:$0x1FEB0] =	vst v20  }
0x8: {  	v46 =	vadd.s32 $0x1985, v25;
	[tilespmem:$0x1FEC0] =	vst v38  }
0x9: {  	v1 =	vadd.s32 $0x1986, v25;
	[tilespmem:$0x1FED0] =	vst v46  }
0xa: {  	v3 =	vadd.s32 $0x1987, v25;
	[tilespmem:$0x1FEE0] =	vst v1  }
0xb: {  	v14 =	vadd.s32 $0x1984, v25;
	[tilespmem:$0x1FEF0] =	vst v3  }
0xc: {  	v32 =	vor.u32 $0x7, v25;
	[tilespmem:$0x1FF00] =	vst v14  }
0xd: {  	v42 =	vadd.s32 $0x886, v25;
	[tilespmem:$0x1FF10] =	vst v32  }
0xe: {  	v45 =	vadd.s32 $0x887, v25;
	[tilespmem:$0x1FF20] =	vst v42  }
0xf: {  	v39 =	vor.u32 $0x5, v25;
	[tilespmem:$0x1FF30] =	vst v45  }
0x10: {  	v48 =	vadd.s32 $0x1107, v25;
	[tilespmem:$0x1FF40] =	vst v39  }
0x11: {  	s0 =	srdreg.scid;
	s19 =	simm.s32 $0x5;
	v47 =	vadd.s32 $0x1105, v25;
	[tilespmem:$0x1FF50] =	vst v48  }
0x12: {  	s22 =	simm.s32 $0x4;
	s23 =	simm.s32 $0x3;
	s24 =	simm.s32 $0x0;
	v61 =	vadd.s32 $0x885, v25;
	[tilespmem:$0x1FF60] =	vst v47  }
0x13: {  	s0 =	sand.u32 $0x1, s0;
	s9 =	sadd.s32 $0x400, s2;
	s1 =	sand.u32 $0x2, s1;
	v49 =	vadd.s32 $0x1104, v25;
	[tilespmem:$0x1FF70] =	vst v61  }
0x14: {  	s10 =	sadd.s32 $0x800, s2;
	s11 =	sadd.s32 $0xC00, s2;
	s1 =	sor.u32 s0, s1;
	v51 =	vadd.s32 $0x1106, v25;
	[tilespmem:$0x1FF80] =	vst v49  }
0x15: {  	s12 =	sadd.s32 $0x1000, s2;
	s13 =	sadd.s32 $0x1400, s2;
	v17 =	vadd.s32 $0x1983, v25;
	s6 =	smul.u32 $0xC800, s1;
	[tilespmem:$0x1FF90] =	vst v51  }
0x16: {  	s14 =	sadd.s32 $0x1800, s2;
	s4 =	sand.u32 $0x380, s4;
	v50 =	vor.u32 $0x6, v25;
	s7 =	smul.u32 $0x190, s1;
	[tilespmem:$0x1FFA0] =	vst v17  }
0x17: {  	vm0 =	vcmask $0x300;
	v0 =	vimm.s32 $0x0;
	s15 =	sadd.s32 $0x1C00, s2;
	s0 =	ssub.s32 $0x2, s0;
	v58 =	vor.u32 $0x4, v25;
	[tilespmem:$0x1FFB0] =	vst v50;
	s6 =	sor.u32 s4, s6  }
0x18: {  	v31 =	vsel vm0, $0x3, v0;
	v19 =	vadd.s32 $0x1100, v25;
	v0 =	vadd.s32 $0x883, v25;
	s29 =	sshrl.u32 s0, $0x1;
	[tilespmem:$0x1FFC0] =	vst v58;
	s8 =	sadd.s32 s7, s5;
	s6 =	sshrl.u32 s6, $0x3  }
0x19: {  	v21 =	vadd.s32 $0x1980, v25;
	v23 =	vor.u32 $0x1, v25;
	v2 =	vadd.s32 $0x1103, v25;
	[tilespmem:$0x1FFD0] =	vst v0;
	s0 =	ssub.s32 s0, s29;
	s31 =	sadd.s32 $0x2600, s8;
	s28 =	sadd.s32 s6, s5  }
0x1a: {  	v24 =	vadd.s32 $0x881, v25;
	v26 =	vadd.s32 $0x1981, v25;
	v22 =	vadd.s32 $0x1982, v25;
	[tilespmem:$0x1FFE0] =	vst v2;
	s16 =	smax.u32 s0, $0x1;
	[dreg:$0x4] =	wrdreg s31;
	s30 =	sadd.s32 $0xCC800, s28  }
0x1b: {  	v30 =	vor.u32 $0x2, v25;
	v37 =	vadd.s32 $0x882, v25;
	v57 =	vor.u32 $0x3, v25;
	[tilespmem:$0x1FFF0] =	vst v22;
	s5 =	sadd.s32 $0xD2C00, s5;
	s6 =	smul.u32 $0x32, s1;
	[dreg:$0x3] =	wrdreg s30  }
.LBB2_1:
0x1c: {  	s0 =	rddreg [dreg:$0x3];
	s1 =	simm.s32 $0x80;
	s7 =	simm.s32 $0x400  }
0x1d: {  	[tilespmem:s3], [sflag:$0x5] =	stream.strided.gather [hbm4b:s0+s1], $0x1900, s7, s1, $0x38;
	[tilespmem:$0xA980] =	vst v63  }
0x1e: {  	_ =	swait.ge [sflag:s19], $0x1900  }
0x1f: {  	[sflag:s19] =	ssyncset.done $0x0  }
0x20: {  	s30 =	simm.s32 $0x9D00;
	s28 =	rddreg [dreg:$0x4];
	[sflag:s19] =	ssyncadd.s32 $0xFFFFE700  }
0x21: {  	[tilespmem:s30], [sflag:$0x5] =	stream.linear.gather [hbm4b:s28+s3], $0xC80, $0x38;
	[tilespmem:$0xA980] =	vst v63  }
0x22: {  	_ =	swait.ge [sflag:s19], $0xC80  }
0x23: {  	s31 =	simm.s32 $0x1900;
	[sflag:s19] =	ssyncset.done $0x0  }
0x24: {  	p0 =	por $0x0, $0x0;
	s29 =	simm.s32 $0x0;
	[sflag:s19] =	ssyncadd.s32 $0xFFFFF380  }
0x25: {  	[tilespmem:s31], [sflag:$0x1] =	stream.indirect.gather [hbm4b:s5+s1], $0x40, s3, s1, $0xb8;
	[tilespmem:$0xA980] =	vst v63  }
.LBB2_2:
0x26: {  	s28 =	sand.u32 $0x1, s29;
	p1 =	seq.s32 s29, $0x31  }
0x27: {  	s25 =	sadd.s32 $0x1, s29;
	s0 =	sxor.u32 @!p1 $0x1, s28  }
0x28: {  	s18 =	sshll.u32 @!p1 s25, $0x7;
	s26 =	simm.s32 @!p1 $0x80;
	s1 =	sshll.u32 @!p1 s0, $0xD  }
0x29: {  	s18 =	sand.u32 @!p1 $0x3FFFFF80, s18;
	s0 =	sadd.s32 @!p1 $0x1, s0;
	s1 =	sor.u32 @!p1 $0x1900, s1  }
0x2a: {  	[tilespmem:s1], [sflag:s0] =	stream.indirect.gather @!p1 [hbm4b:s5+s26], $0x40, s18, s26, $0xb8;
	[tilespmem:$0xA980] =	vst v63  }
0x2b: {  	s1 =	sadd.s32 $0x1, s28  }
0x2c: {  	_ =	swait.ge [sflag:s1], $0x2000  }
0x2d: {  	p1 =	slt.u32 s29, $0x2;
	[sflag:s1] =	ssyncset.done $0x0  }
0x2e: {  	s7 =	sshll.u32 s29, $0x6;
	s0 =	sadd.s32 @!p1 $0x3, s28;
	[sflag:s1] =	ssyncadd.s32 $0xFFFFE000  }
0x2f: {  	s20 =	simm.s32 $0x4;
	s21 =	simm.s32 $0x1;
	_ =	swait.ge @!p1 [sflag:s0], $0x2000  }
0x30: {  	s31 =	simm.s32 $0x2;
	s1 =	simm.s32 $0x1;
	[sflag:s0] =	ssyncset.done @!p1 $0x0  }
0x31: {  	v5 =	vmov s21;
	s1 =	simm.s32 @!p0 $0x0;
	[sflag:s0] =	ssyncadd.s32 @!p1 $0xFFFFE000;
	s0 =	sand.u32 $0x3FFFFFC0, s7  }
0x32: {  	v3 =	vmov s20;
	v6 =	vmov s31;
	v5 =	vshrl.u32 v5, $0x3;
	s1 =	sshll.u32 s1, $0xD;
	v36 =	vld [tilespmem:s0+$0x9D00]  }
0x33: {  	v3 =	vshrl.u32 v3, $0x3;
	v6 =	vshrl.u32 v6, $0x3;
	v5 =	vshll.u32 v5, v31;
	s1 =	sor.u32 $0x1A00, s1;
	v35 =	vld [tilespmem:s0+$0x9D10]  }
0x34: {  	v3 =	vshll.u32 v3, v31;
	v6 =	vshll.u32 v6, v31;
	v5 =	vbroadcast v5, $0x0;
	s7 =	simm.s32 $0x3;
	v8 =	vld [tilespmem:s1+$0xFFFFFF40]  }
0x35: {  	v44 =	vbroadcast v3, $0x0;
	v1 =	vbroadcast v6, $0x0;
	v3 =	vmov s7;
	v9 =	vld [tilespmem:s1+$0xFFFFFF80]  }
0x36: {  	s8 =	simm.s32 $0x0;
	v10 =	vadd.s32 v23, v5;
	v11 =	vadd.s32 v26, v5;
	v7 =	vld [tilespmem:s1+$0x0];
	v3 =	vshrl.u32 v3, $0x3  }
0x37: {  	v27 =	vmovc v0;
	v0 =	vmov s8;
	s8 =	smul.u32 $0x8800, s28;
	v12 =	vadd.s32 v30, v1;
	v34 =	vld [tilespmem:s0+$0x9D20];
	[tilespmem:$0x1FE30] =	vst v11;
	v3 =	vshll.u32 v3, v31  }
0x38: {  	s30 =	simm.s32 $0x5;
	v0 =	vshrl.u32 v0, $0x3;
	v6 =	vadd.s32 v58, v44;
	v11 =	vld [tilespmem:s1+$0xFFFFFFC0];
	v56 =	vbroadcast v3, $0x0  }
0x39: {  	v4 =	vmov s30;
	v17 =	vshll.u32 v0, v31;
	s26 =	sshrl.u32 s8, $0x2;
	v33 =	vld [tilespmem:s0+$0x9D30];
	v0 =	vadd.f32 v8, v36  }
0x3a: {  	s17 =	simm.s32 $0x7;
	v4 =	vshrl.u32 v4, $0x3;
	s30 =	sadd.s32 $0x5900, s26;
	v13 =	vld [tilespmem:s1+$0xC0];
	v15 =	vadd.s32 v57, v56;
	v9 =	vadd.f32 v9, v36  }
0x3b: {  	v29 =	vmovc v2;
	v2 =	vmov s17;
	v4 =	vshll.u32 v4, v31;
	v16 =	vld [tilespmem:s1+$0x80];
	v7 =	vadd.f32 v7, v36;
	[tilespmem:v10+s30+$0x0] =	vst.idx.msk $0xffff, v0  }
0x3c: {  	s17 =	simm.s32 $0x6;
	v2 =	vshrl.u32 v2, $0x3;
	v55 =	vbroadcast v4, $0x0;
	[tilespmem:v12+s30+$0x0] =	vst.idx.msk $0xffff, v9;
	v4 =	vld [tilespmem:s1+$0xFFFFFF50]  }
0x3d: {  	v46 =	vmovc v14;
	v14 =	vmov s17;
	v2 =	vshll.u32 v2, v31;
	[tilespmem:v6+s30+$0x0] =	vst.idx.msk $0xffff, v7;
	v7 =	vadd.f32 v11, v36;
	v10 =	vld [tilespmem:s1+$0xFFFFFF90]  }
0x3e: {  	v54 =	vbroadcast v17, $0x0;
	v17 =	vadd.s32 v37, v1;
	v3 =	vld [tilespmem:s1+$0xFFFFFF00];
	v8 =	vshrl.u32 v14, $0x3  }
0x3f: {  	v14 =	vld [tilespmem:s1+$0x40];
	v8 =	vshll.u32 v8, v31;
	v0 =	vadd.s32 v61, v55;
	[tilespmem:v15+s30+$0x0] =	vst.idx.msk $0xffff, v7  }
0x40: {  	v52 =	vbroadcast v8, $0x0;
	v8 =	vadd.f32 v13, v36;
	v6 =	vld [tilespmem:s1+$0x10];
	[tilespmem:$0x1FE10] =	vst v0;
	v0 =	vadd.s32 v29, v56  }
0x41: {  	v12 =	vbroadcast v2, $0x0;
	v11 =	vadd.s32 v38, v44;
	v13 =	vld [tilespmem:s1+$0xFFFFFFD0];
	[tilespmem:$0x1FE40] =	vst v0;
	v0 =	vadd.s32 v18, v54  }
0x42: {  	v38 =	vadd.f32 v4, v35;
	v4 =	vadd.f32 v10, v35;
	[tilespmem:$0x1FE20] =	vst v0;
	v0 =	vadd.s32 v47, v55  }
0x43: {  	v9 =	vadd.s32 v24, v5;
	v7 =	vadd.s32 v50, v52;
	[tilespmem:$0x1FE60] =	vst v0  }
0x44: {  	s31 =	sadd.s32 $0x200, s1;
	v10 =	vadd.s32 v45, v12;
	v0 =	vadd.s32 v51, v52;
	[tilespmem:v17+s30+$0x0] =	vst.idx.msk $0xffff, v4  }
0x45: {  	s20 =	simm.s32 $0x9;
	v45 =	vadd.s32 v28, v5;
	v5 =	vadd.s32 v48, v12;
	v48 =	vld [tilespmem:s31+$0xFFFFFF40];
	[tilespmem:$0x1FE50] =	vst v0;
	v0 =	vadd.s32 v19, v54  }
0x46: {  	v59 =	vmov s20;
	v39 =	vadd.s32 v39, v55;
	[tilespmem:$0x1FE70] =	vst v0  }
0x47: {  	v59 =	vshrl.u32 v59, $0x3;
	v16 =	vadd.f32 v16, v36;
	v40 =	vld [tilespmem:s1+$0xFFFFFFA0]  }
0x48: {  	v63 =	vshll.u32 v59, v31;
	v43 =	vadd.s32 v27, v56;
	v4 =	vld [tilespmem:s31+$0x80]  }
0x49: {  	v41 =	vadd.s32 v25, v54;
	v14 =	vadd.f32 v14, v36;
	[tilespmem:v7+s30+$0x0] =	vst.idx.msk $0xffff, v16;
	v60 =	vld [tilespmem:s31+$0xFFFFFF80]  }
0x4a: {  	v3 =	vadd.f32 v3, v36;
	v6 =	vadd.f32 v6, v35;
	[tilespmem:v9+s30+$0x0] =	vst.idx.msk $0xffff, v38;
	v62 =	vld [tilespmem:s31+$0x0]  }
0x4b: {  	s8 =	simm.s32 $0xA;
	s7 =	simm.s32 $0xC;
	v15 =	vadd.s32 v32, v12;
	v51 =	vbroadcast v63, $0x0;
	v13 =	vadd.f32 v13, v35;
	[tilespmem:v39+s30+$0x0] =	vst.idx.msk $0xffff, v14;
	v59 =	vld [tilespmem:s1+$0x90]  }
0x4c: {  	v47 =	vadd.s32 v20, v1;
	v7 =	vmov s7;
	v16 =	vmov s8;
	v38 =	vld [tilespmem:$0x1FEC0];
	[tilespmem:v11+s30+$0x0] =	vst.idx.msk $0xffff, v6  }
0x4d: {  	v0 =	vadd.s32 v26, v51;
	v16 =	vshrl.u32 v16, $0x3;
	v7 =	vshrl.u32 v7, $0x3;
	v6 =	vld [tilespmem:s1+$0x50];
	[tilespmem:v43+s30+$0x0] =	vst.idx.msk $0xffff, v13  }
0x4e: {  	v29 =	vmov v42;
	v14 =	vshll.u32 v16, v31;
	v16 =	vld [tilespmem:s1+$0xFFFFFF60];
	v7 =	vshll.u32 v7, v31;
	[tilespmem:$0x1FE00] =	vst v0  }
0x4f: {  	v42 =	vadd.s32 v42, v52;
	[tilespmem:v41+s30+$0x0] =	vst.idx.msk $0xffff, v3;
	v11 =	vadd.f32 v40, v34;
	v40 =	vbroadcast v7, $0x0;
	v7 =	vld [tilespmem:s31+$0xFFFFFF00]  }
0x50: {  	v39 =	vbroadcast v14, $0x0;
	[tilespmem:v15+s30+$0x0] =	vst.idx.msk $0xffff, v8;
	v3 =	vadd.f32 v60, v36;
	v60 =	vld [tilespmem:s1+$0xFFFFFF10]  }
0x51: {  	v15 =	vadd.f32 v59, v35;
	v59 =	vadd.f32 v62, v36;
	v62 =	vld [tilespmem:s31+$0xFFFFFFC0];
	v8 =	vadd.s32 v58, v40  }
0x52: {  	s21 =	simm.s32 $0xF;
	[tilespmem:v47+s30+$0x0] =	vst.idx.msk $0xffff, v11;
	v11 =	vld [tilespmem:s31+$0x40]  }
0x53: {  	v53 =	vmov s21;
	s21 =	simm.s32 $0xE;
	v63 =	vadd.s32 v30, v39;
	v16 =	vadd.f32 v16, v34;
	v58 =	vld [tilespmem:s1+$0xD0]  }
0x54: {  	v14 =	vshrl.u32 v53, $0x3;
	v53 =	vadd.s32 v23, v51;
	v47 =	vld [tilespmem:s31+$0xC0];
	[tilespmem:v42+s30+$0x0] =	vst.idx.msk $0xffff, v15;
	v15 =	vmov s21  }
0x55: {  	v0 =	vadd.f32 v48, v36;
	v2 =	vld [tilespmem:s1+$0xFFFFFFB0];
	[tilespmem:v45+s30+$0x0] =	vst.idx.msk $0xffff, v16;
	v15 =	vshrl.u32 v15, $0x3;
	v48 =	vadd.f32 v7, v36  }
0x56: {  	v16 =	vld [tilespmem:s1+$0x20];
	v7 =	vshll.u32 v15, v31;
	[tilespmem:v8+s30+$0x0] =	vst.idx.msk $0xffff, v59;
	v8 =	vadd.s32 v24, v51  }
0x57: {  	v41 =	vbroadcast v7, $0x0;
	v7 =	vld [tilespmem:s1+$0xFFFFFF70];
	[tilespmem:$0x1FE80] =	vst v8  }
0x58: {  	v27 =	vmov v1;
	v1 =	vld [tilespmem:$0x1FFA0];
	[tilespmem:v63+s30+$0x0] =	vst.idx.msk $0xffff, v3;
	v3 =	vadd.f32 v58, v35  }
0x59: {  	[tilespmem:v53+s30+$0x0] =	vst.idx.msk $0xffff, v0  }
0x5a: {  	[tilespmem:v10+s30+$0x0] =	vst.idx.msk $0xffff, v3  }
0x5b: {  	v8 =	vld [tilespmem:$0x1FE10];
	_ =	sdelay $0x1  }
0x5c: {  	v17 =	vadd.s32 v49, v44;
	_ =	sdelay $0x2  }
0x5d: {  	v3 =	vadd.f32 v16, v34  }
0x5e: {  	v6 =	vadd.f32 v6, v35  }
0x5f: {  	s18 =	simm.s32 $0x8;
	[tilespmem:v17+s30+$0x0] =	vst.idx.msk $0xffff, v3  }
0x60: {  	s20 =	simm.s32 $0xB;
	v49 =	vmov s18;
	[tilespmem:v8+s30+$0x0] =	vst.idx.msk $0xffff, v6  }
0x61: {  	v13 =	vshrl.u32 v49, $0x3;
	v49 =	vmov s20;
	v3 =	vld [tilespmem:$0x1FE20]  }
0x62: {  	v43 =	vshrl.u32 v49, $0x3  }
0x63: {  	v15 =	vshll.u32 v43, v31  }
0x64: {  	v43 =	vbroadcast v15, $0x0;
	_ =	sdelay $0x1  }
0x65: {  	v0 =	vadd.s32 v57, v43  }
0x66: {  	v8 =	vadd.f32 v60, v35;
	_ =	sdelay $0x1  }
0x67: {  	v10 =	vadd.f32 v62, v36;
	v6 =	vld [tilespmem:s1+$0xE0];
	[tilespmem:v3+s30+$0x0] =	vst.idx.msk $0xffff, v8  }
0x68: {  	v16 =	vadd.s32 v46, v44;
	v46 =	vld [tilespmem:$0x1FED0]  }
0x69: {  	v3 =	vld [tilespmem:$0x1FFE0];
	[tilespmem:v0+s30+$0x0] =	vst.idx.msk $0xffff, v10  }
0x6a: {  	v8 =	vadd.f32 v4, v36;
	v4 =	vld [tilespmem:$0x1FE30];
	_ =	sdelay $0x4  }
0x6b: {  	v6 =	vadd.f32 v6, v34  }
0x6c: {  	v7 =	vadd.f32 v7, v33  }
0x6d: {  	[tilespmem:v5+s30+$0x0] =	vst.idx.msk $0xffff, v6  }
0x6e: {  	[tilespmem:v4+s30+$0x0] =	vst.idx.msk $0xffff, v7  }
0x6f: {  	s17 =	simm.s32 $0xD;
	v14 =	vshll.u32 v14, v31;
	v6 =	vld [tilespmem:$0x1FE40]  }
0x70: {  	v9 =	vmov s17;
	v45 =	vbroadcast v14, $0x0;
	v14 =	vld [tilespmem:s1+$0xFFFFFFE0]  }
0x71: {  	v9 =	vshrl.u32 v9, $0x3  }
0x72: {  	v9 =	vshll.u32 v9, v31  }
0x73: {  	v42 =	vbroadcast v9, $0x0;
	v9 =	vld [tilespmem:s1+$0xA0]  }
0x74: {  	v49 =	vadd.f32 v47, v36  }
0x75: {  	v47 =	vadd.s32 v61, v42;
	v61 =	vadd.f32 v2, v33;
	v2 =	vadd.f32 v14, v34;
	_ =	sdelay $0x1  }
0x76: {  	[tilespmem:v6+s30+$0x0] =	vst.idx.msk $0xffff, v2  }
0x77: {  	v62 =	vadd.f32 v11, v36;
	v11 =	vadd.f32 v9, v34;
	v9 =	vadd.s32 v1, v56;
	v1 =	vld [tilespmem:$0x1FFD0];
	_ =	sdelay $0x4  }
0x78: {  	v63 =	vadd.s32 v1, v43;
	v1 =	vld [tilespmem:$0x1FE50];
	_ =	sdelay $0x7  }
0x79: {  	[tilespmem:v1+s30+$0x0] =	vst.idx.msk $0xffff, v11  }
0x7a: {  	v1 =	vld [tilespmem:$0x1FEF0];
	_ =	sdelay $0x4  }
0x7b: {  	v11 =	vadd.s32 v1, v12;
	v1 =	vld [tilespmem:$0x1FF30];
	_ =	sdelay $0x4  }
0x7c: {  	v56 =	vadd.s32 v1, v45;
	v1 =	vld [tilespmem:$0x1FE60]  }
0x7d: {  	v0 =	vld [tilespmem:s1+$0x60];
	_ =	sdelay $0x3  }
0x7e: {  	v15 =	vld [tilespmem:s31+$0x10]  }
0x7f: {  	v10 =	vld [tilespmem:s1+$0x30];
	v0 =	vadd.f32 v0, v34;
	_ =	sdelay $0x1  }
0x80: {  	[tilespmem:v1+s30+$0x0] =	vst.idx.msk $0xffff, v0  }
0x81: {  	v59 =	vadd.s32 v50, v41;
	v50 =	vadd.s32 v38, v40;
	v0 =	vld [tilespmem:$0x1FEE0]  }
0x82: {  	v13 =	vshll.u32 v13, v31  }
0x83: {  	v44 =	vbroadcast v13, $0x0;
	v13 =	vadd.f32 v15, v35;
	v15 =	vadd.f32 v10, v33;
	_ =	sdelay $0x1  }
0x84: {  	[tilespmem:v16+s30+$0x0] =	vst.idx.msk $0xffff, v15  }
0x85: {  	v10 =	vadd.s32 v0, v52;
	v0 =	vld [tilespmem:$0x1FF40];
	[tilespmem:v50+s30+$0x0] =	vst.idx.msk $0xffff, v13  }
0x86: {  	v1 =	vld [tilespmem:$0x1FF60];
	_ =	sdelay $0x4  }
0x87: {  	v50 =	vadd.s32 v1, v42;
	v1 =	vld [tilespmem:$0x1FF50]  }
0x88: {  	v17 =	vld [tilespmem:s31+$0xFFFFFF50];
	_ =	sdelay $0x2  }
0x89: {  	v7 =	vld [tilespmem:s31+$0xFFFFFF90]  }
0x8a: {  	v52 =	vadd.s32 v1, v45;
	v1 =	vld [tilespmem:$0x1FE70]  }
0x8b: {  	v4 =	vadd.f32 v17, v35;
	v17 =	vld [tilespmem:s1+$0xFFFFFF20];
	_ =	sdelay $0x4  }
0x8c: {  	v14 =	vadd.f32 v7, v35;
	v7 =	vadd.f32 v17, v34;
	_ =	sdelay $0x1  }
0x8d: {  	[tilespmem:v1+s30+$0x0] =	vst.idx.msk $0xffff, v7  }
0x8e: {  	v1 =	vld [tilespmem:$0x1FE80];
	_ =	sdelay $0x6  }
0x8f: {  	v5 =	vld [tilespmem:s31+$0xFFFFFFD0]  }
0x90: {  	v2 =	vld [tilespmem:s1+$0xF0];
	[tilespmem:v1+s30+$0x0] =	vst.idx.msk $0xffff, v4  }
0x91: {  	v1 =	vld [tilespmem:$0x1FF90]  }
0x92: {  	v53 =	vadd.s32 v32, v45;
	v58 =	vadd.s32 v29, v41  }
0x93: {  	v32 =	vadd.s32 v3, v43;
	v3 =	vadd.s32 v37, v39;
	v60 =	vadd.s32 v46, v55;
	v12 =	vld [tilespmem:s1+$0xB0]  }
0x94: {  	v55 =	vadd.s32 v25, v44;
	v6 =	vadd.f32 v5, v35;
	v5 =	vadd.s32 v21, v54;
	v15 =	vld [tilespmem:s1+$0xFFFFFFF0]  }
0x95: {  	v54 =	vadd.s32 v18, v44;
	v17 =	vadd.f32 v2, v33;
	v2 =	vld [tilespmem:s1+$0x70];
	v16 =	vadd.s32 v0, v42  }
0x96: {  	s0 =	simm.s32 $0x10;
	s18 =	sadd.s32 $0x200, s31;
	v0 =	vadd.s32 v28, v51;
	v13 =	vld [tilespmem:s1+$0xFFFFFF30];
	v4 =	vadd.s32 v20, v39;
	v51 =	vadd.s32 v1, v41  }
.LBB2_3:
0x97: {  	_ =	sdelay $0x2  }
0x98: {  	v1 =	vadd.s32 v19, v44;
	[tilespmem:v16+s30+$0x0] =	vst.idx.msk $0xffff, v62  }
0x99: {  	v18 =	vld [tilespmem:s18+$0xFFFFFF40];
	[tilespmem:$0x1FDF0] =	vst v1  }
0x9a: {  	s21 =	smov.u32 s0;
	v1 =	vld [tilespmem:$0x1FF80];
	[tilespmem:v59+s30+$0x0] =	vst.idx.msk $0xffff, v8  }
0x9b: {  	[tilespmem:v3+s30+$0x0] =	vst.idx.msk $0xffff, v14;
	s17 =	sadd.s32 $0x2, s21;
	v8 =	vld [tilespmem:s18+$0x80]  }
0x9c: {  	[tilespmem:v11+s30+$0x0] =	vst.idx.msk $0xffff, v17;
	v20 =	vld [tilespmem:s31+$0xFFFFFFA0];
	v17 =	vmov s17;
	v3 =	vadd.f32 v15, v33  }
0x9d: {  	s20 =	sadd.s32 $0x7, s0;
	v28 =	vmov v19;
	v16 =	vshrl.u32 v17, $0x3;
	v17 =	vld [tilespmem:s31+$0x50];
	v12 =	vadd.f32 v12, v33  }
0x9e: {  	v29 =	vmovc v21;
	v19 =	vmov s20;
	s20 =	sadd.s32 $0x1, s21;
	v21 =	vadd.s32 v22, v27;
	v22 =	vld [tilespmem:s18+$0xFFFFFF80];
	v13 =	vadd.f32 v13, v33;
	[tilespmem:v9+s30+$0x0] =	vst.idx.msk $0xffff, v3  }
0x9f: {  	v11 =	vmov s20;
	v9 =	vshll.u32 v16, v31;
	v16 =	vld [tilespmem:s31+$0x90];
	[tilespmem:v10+s30+$0x0] =	vst.idx.msk $0xffff, v12  }
0xa0: {  	v11 =	vshrl.u32 v11, $0x3;
	v12 =	vld [tilespmem:s31+$0xFFFFFF60];
	[tilespmem:v5+s30+$0x0] =	vst.idx.msk $0xffff, v13  }
0xa1: {  	v59 =	vmov s21;
	s7 =	sadd.s32 $0x4, s21;
	v3 =	vadd.f32 v2, v33;
	v2 =	vshll.u32 v11, v31;
	v5 =	vld [tilespmem:s18+$0xFFFFFF00];
	[tilespmem:v63+s30+$0x0] =	vst.idx.msk $0xffff, v6  }
0xa2: {  	v14 =	vmov s7;
	v7 =	vadd.s32 v1, v40;
	v1 =	vld [tilespmem:$0x1FFC0];
	v2 =	vbroadcast v2, $0x0;
	[tilespmem:v55+s30+$0x0] =	vst.idx.msk $0xffff, v48  }
0xa3: {  	v27 =	vmovc v39;
	v10 =	vshrl.u32 v14, $0x3;
	v13 =	vshrl.u32 v59, $0x3;
	v39 =	vbroadcast v9, $0x0;
	[tilespmem:v60+s30+$0x0] =	vst.idx.msk $0xffff, v3;
	v55 =	vld [tilespmem:s31+$0xFFFFFF10]  }
0xa4: {  	v3 =	vshll.u32 v10, v31;
	v10 =	vadd.f32 v20, v34;
	v9 =	vld [tilespmem:s18+$0x40];
	v14 =	vadd.s32 v23, v2  }
0xa5: {  	s8 =	sadd.s32 $0x5, s21;
	s1 =	sadd.s32 $0x6, s21;
	s21 =	sadd.s32 $0x3, s21;
	v20 =	vld [tilespmem:s18+$0x0];
	[tilespmem:v21+s30+$0x0] =	vst.idx.msk $0xffff, v61;
	v3 =	vbroadcast v3, $0x0;
	v21 =	vadd.s32 v30, v39;
	v16 =	vadd.f32 v16, v35  }
0xa6: {  	v59 =	vmov s21;
	v60 =	vld [tilespmem:s31+$0x20];
	[tilespmem:v4+s30+$0x0] =	vst.idx.msk $0xffff, v10;
	v12 =	vadd.f32 v12, v34;
	v5 =	vadd.f32 v5, v36  }
0xa7: {  	v59 =	vshrl.u32 v59, $0x3;
	v4 =	vadd.f32 v18, v36;
	v6 =	vadd.s32 v1, v3;
	v1 =	vld [tilespmem:$0x1FFB0];
	[tilespmem:v58+s30+$0x0] =	vst.idx.msk $0xffff, v16  }
0xa8: {  	v62 =	vshll.u32 v59, v31;
	[tilespmem:v0+s30+$0x0] =	vst.idx.msk $0xffff, v12;
	v0 =	vld [tilespmem:s31+$0xFFFFFFB0];
	v12 =	vadd.f32 v22, v36;
	v48 =	vmov v5  }
0xa9: {  	v22 =	vld [tilespmem:s31+$0xFFFFFF70];
	[tilespmem:v14+s30+$0x0] =	vst.idx.msk $0xffff, v4;
	v5 =	vbroadcast v62, $0x0;
	v62 =	vadd.f32 v9, v36;
	v9 =	vadd.f32 v55, v35  }
0xaa: {  	v11 =	vshrl.u32 v19, $0x3;
	v20 =	vadd.f32 v20, v36;
	v14 =	vld [tilespmem:$0x1FF00];
	[tilespmem:v21+s30+$0x0] =	vst.idx.msk $0xffff, v12  }
0xab: {  	v11 =	vshll.u32 v11, v31;
	v17 =	vadd.f32 v17, v35;
	[tilespmem:v54+s30+$0x0] =	vst.idx.msk $0xffff, v9;
	v9 =	vld [tilespmem:$0x1FE00]  }
0xac: {  	v15 =	vmov s8;
	v58 =	vadd.f32 v60, v34;
	v21 =	vbroadcast v11, $0x0;
	v11 =	vld [tilespmem:$0x1FF70];
	[tilespmem:v6+s30+$0x0] =	vst.idx.msk $0xffff, v20  }
0xad: {  	v15 =	vshrl.u32 v15, $0x3;
	v18 =	vmov s1;
	[tilespmem:v47+s30+$0x0] =	vst.idx.msk $0xffff, v17;
	v12 =	vld [tilespmem:s18+$0x10]  }
0xae: {  	v15 =	vshll.u32 v15, v31;
	v18 =	vshrl.u32 v18, $0x3;
	[tilespmem:v7+s30+$0x0] =	vst.idx.msk $0xffff, v58;
	v7 =	vld [tilespmem:s31+$0x60]  }
0xaf: {  	v13 =	vshll.u32 v13, v31;
	v18 =	vshll.u32 v18, v31;
	v6 =	vbroadcast v15, $0x0  }
0xb0: {  	v19 =	vadd.s32 v26, v2;
	v18 =	vbroadcast v18, $0x0;
	v60 =	vadd.s32 v46, v42  }
0xb1: {  	v20 =	vadd.s32 v24, v2;
	v42 =	vmovc v6;
	v11 =	vadd.s32 v11, v6;
	v6 =	vadd.f32 v22, v33  }
0xb2: {  	v61 =	vld [tilespmem:s18+$0xC0];
	v59 =	vadd.s32 v1, v18;
	v1 =	vadd.s32 v38, v3;
	v38 =	vmovc v31;
	v31 =	vmov v24  }
0xb3: {  	v24 =	vadd.s32 v14, v40;
	v14 =	vld [tilespmem:s18+$0xFFFFFF50];
	[tilespmem:v9+s30+$0x0] =	vst.idx.msk $0xffff, v6;
	v6 =	vadd.f32 v7, v34;
	v7 =	vmov v19  }
0xb4: {  	[tilespmem:$0x1FE00] =	vst v7;
	v7 =	vld [tilespmem:$0x1FF20]  }
0xb5: {  	[tilespmem:v53+s30+$0x0] =	vst.idx.msk $0xffff, v49;
	v10 =	vld [tilespmem:s18+$0xFFFFFFC0]  }
0xb6: {  	v16 =	vld [tilespmem:s31+$0xD0]  }
0xb7: {  	v40 =	vmov v3;
	v3 =	vld [tilespmem:$0x1FFE0]  }
0xb8: {  	v47 =	vmov v11;
	v11 =	vld [tilespmem:s31+$0x30]  }
0xb9: {  	v58 =	vadd.s32 v7, v18;
	v7 =	vld [tilespmem:$0x1FFA0]  }
0xba: {  	v13 =	vbroadcast v13, $0x0  }
0xbb: {  	v15 =	vld [tilespmem:s31+$0xA0];
	v16 =	vadd.f32 v16, v35  }
0xbc: {  	v49 =	vadd.f32 v61, v36;
	v55 =	vadd.s32 v25, v13  }
0xbd: {  	v4 =	vadd.f32 v10, v36;
	[tilespmem:v56+s30+$0x0] =	vst.idx.msk $0xffff, v16;
	v16 =	vadd.s32 v57, v5  }
0xbe: {  	v46 =	vmovc v57;
	v56 =	vadd.s32 v3, v5;
	v9 =	vadd.s32 v7, v43;
	v7 =	vadd.f32 v11, v33  }
0xbf: {  	v63 =	vld [tilespmem:$0x1FF10];
	v57 =	vmovc v37;
	v3 =	vadd.s32 v37, v39;
	v37 =	vmovc v26;
	v26 =	vmov v25;
	v25 =	vadd.f32 v12, v35  }
0xc0: {  	v10 =	vld [tilespmem:s31+$0xFFFFFFE0];
	v61 =	vadd.f32 v0, v33;
	v0 =	vadd.f32 v15, v34;
	[tilespmem:v24+s30+$0x0] =	vst.idx.msk $0xffff, v7  }
0xc1: {  	[tilespmem:v1+s30+$0x0] =	vst.idx.msk $0xffff, v25;
	v1 =	vld [tilespmem:$0x1FF60]  }
0xc2: {  	[tilespmem:v51+s30+$0x0] =	vst.idx.msk $0xffff, v0;
	v0 =	vld [tilespmem:$0x1FEF0]  }
0xc3: {  	v17 =	vld [tilespmem:s31+$0xE0]  }
0xc4: {  	v12 =	vld [tilespmem:s18+$0xFFFFFF90]  }
0xc5: {  	v19 =	vmov v28;
	v28 =	vld [tilespmem:$0x1FE90]  }
0xc6: {  	[tilespmem:v50+s30+$0x0] =	vst.idx.msk $0xffff, v6;
	v50 =	vadd.s32 v1, v42;
	v1 =	vld [tilespmem:$0x1FF50]  }
0xc7: {  	v11 =	vadd.s32 v0, v45;
	v0 =	vld [tilespmem:$0x1FF30]  }
0xc8: {  	v22 =	vadd.f32 v14, v35;
	[tilespmem:v16+s30+$0x0] =	vst.idx.msk $0xffff, v4;
	v4 =	vld [tilespmem:s31+$0xFFFFFF20]  }
0xc9: {  	v15 =	vadd.f32 v17, v34;
	v16 =	vld [tilespmem:s18+$0xFFFFFFD0]  }
0xca: {  	v10 =	vadd.f32 v10, v34;
	[tilespmem:v20+s30+$0x0] =	vst.idx.msk $0xffff, v22;
	v22 =	vld [tilespmem:$0x1FFF0];
	v45 =	vmov v21  }
0xcb: {  	[tilespmem:v52+s30+$0x0] =	vst.idx.msk $0xffff, v15;
	v52 =	vadd.s32 v1, v45;
	v1 =	vld [tilespmem:$0x1FDF0]  }
0xcc: {  	[tilespmem:v32+s30+$0x0] =	vst.idx.msk $0xffff, v10;
	v32 =	vmov v56;
	v56 =	vadd.s32 v0, v45;
	v0 =	vld [tilespmem:$0x1FEE0]  }
0xcd: {  	v20 =	vld [tilespmem:$0x1FEB0]  }
0xce: {  	v15 =	vld [tilespmem:s31+$0xFFFFFFF0]  }
0xcf: {  	v17 =	vld [tilespmem:s31+$0xF0]  }
0xd0: {  	v43 =	vmov v5;
	v5 =	vld [tilespmem:$0x1FFD0]  }
0xd1: {  	v4 =	vadd.f32 v4, v34;
	v10 =	vadd.s32 v0, v41;
	v41 =	vmov v18;
	v18 =	vld [tilespmem:$0x1FEA0]  }
0xd2: {  	v0 =	vld [tilespmem:$0x1FF40]  }
0xd3: {  	p1 =	slt.u32 s0, $0x78;
	[tilespmem:v1+s30+$0x0] =	vst.idx.msk $0xffff, v4;
	v1 =	vld [tilespmem:$0x1FF90]  }
.Ltmp0:
0xd4: {  	v8 =	vadd.f32 v8, v36;
	v53 =	vadd.s32 v63, v21;
	v14 =	vadd.f32 v12, v35;
	v12 =	vld [tilespmem:s31+$0xB0];
	(pc) =	sbr.rel @p1 .LBB2_3-.Ltmp0, $4  }
0xd5: {  	v6 =	vadd.f32 v16, v35;
	v17 =	vadd.f32 v17, v33;
	v24 =	vmovc v31;
	v31 =	vmov v38;
	v38 =	vld [tilespmem:$0x1FEC0]  }
0xd6: {  	v25 =	vmovc v26;
	v26 =	vmovc v37;
	v37 =	vmov v57;
	v57 =	vmov v46;
	v46 =	vld [tilespmem:$0x1FED0];
	v63 =	vadd.s32 v5, v43  }
0xd7: {  	v5 =	vadd.s32 v29, v44;
	v44 =	vmovc v13;
	v16 =	vadd.s32 v0, v42;
	v0 =	vadd.s32 v28, v2;
	v2 =	vld [tilespmem:s31+$0x70]  }
0xd8: {  	s0 =	sadd.s32 $0x8, s0;
	v21 =	vmovc v29;
	v54 =	vadd.s32 v18, v44;
	v4 =	vadd.s32 v20, v39;
	v13 =	vld [tilespmem:s31+$0xFFFFFF30];
	s31 =	smov.u32 s18;
	s18 =	sadd.s32 $0x200, s18;
	v51 =	vadd.s32 v1, v41  }
0xd9: {  	_ =	sdelay $0x3  }
0xda: {  	[tilespmem:v59+s30+$0x0] =	vst.idx.msk $0xffff, v8  }
0xdb: {  	[tilespmem:v3+s30+$0x0] =	vst.idx.msk $0xffff, v14  }
0xdc: {  	[tilespmem:v53+s30+$0x0] =	vst.idx.msk $0xffff, v49  }
0xdd: {  	[tilespmem:v11+s30+$0x0] =	vst.idx.msk $0xffff, v17  }
0xde: {  	[tilespmem:v16+s30+$0x0] =	vst.idx.msk $0xffff, v62;
	v7 =	vld [tilespmem:s31+$0xD0]  }
0xdf: {  	v3 =	vadd.f32 v15, v33;
	v36 =	vadd.s32 v22, v27;
	[tilespmem:v55+s30+$0x0] =	vst.idx.msk $0xffff, v48  }
0xe0: {  	v49 =	vadd.f32 v12, v33;
	[tilespmem:v63+s30+$0x0] =	vst.idx.msk $0xffff, v6  }
0xe1: {  	[tilespmem:v9+s30+$0x0] =	vst.idx.msk $0xffff, v3;
	v3 =	vld [tilespmem:s31+$0x90];
	v2 =	vadd.f32 v2, v33  }
0xe2: {  	[tilespmem:v10+s30+$0x0] =	vst.idx.msk $0xffff, v49  }
0xe3: {  	v53 =	vld [tilespmem:s31+$0x50];
	[tilespmem:v60+s30+$0x0] =	vst.idx.msk $0xffff, v2;
	v7 =	vadd.f32 v7, v35  }
0xe4: {  	v55 =	vld [tilespmem:s31+$0xFFFFFF60];
	[tilespmem:v36+s30+$0x0] =	vst.idx.msk $0xffff, v61  }
0xe5: {  	v2 =	vld [tilespmem:s31+$0xFFFFFF10];
	[tilespmem:v56+s30+$0x0] =	vst.idx.msk $0xffff, v7  }
0xe6: {  	v3 =	vadd.f32 v3, v35;
	v49 =	vld [tilespmem:$0x1FF80]  }
0xe7: {  	v7 =	vld [tilespmem:s31+$0xE0]  }
0xe8: {  	v60 =	vadd.f32 v53, v35;
	[tilespmem:v58+s30+$0x0] =	vst.idx.msk $0xffff, v3;
	v3 =	vld [tilespmem:s31+$0xFFFFFFE0]  }
0xe9: {  	v59 =	vld [tilespmem:s31+$0x20];
	v62 =	vadd.f32 v13, v33  }
0xea: {  	[tilespmem:v47+s30+$0x0] =	vst.idx.msk $0xffff, v60;
	v12 =	vld [tilespmem:s31+$0xA0];
	v2 =	vadd.f32 v2, v35  }
0xeb: {  	v63 =	vadd.f32 v55, v34;
	[tilespmem:v5+s30+$0x0] =	vst.idx.msk $0xffff, v62;
	v6 =	vld [tilespmem:s31+$0x60];
	v61 =	vadd.s32 v49, v40  }
0xec: {  	v35 =	vld [tilespmem:s31+$0xFFFFFFA0];
	[tilespmem:v54+s30+$0x0] =	vst.idx.msk $0xffff, v2;
	v2 =	vadd.f32 v7, v34  }
0xed: {  	[tilespmem:v0+s30+$0x0] =	vst.idx.msk $0xffff, v63;
	v3 =	vadd.f32 v3, v34  }
0xee: {  	v8 =	vadd.f32 v59, v34;
	[tilespmem:v52+s30+$0x0] =	vst.idx.msk $0xffff, v2  }
0xef: {  	v0 =	vld [tilespmem:s31+$0xFFFFFF20];
	v47 =	vadd.f32 v12, v34;
	[tilespmem:v32+s30+$0x0] =	vst.idx.msk $0xffff, v3  }
0xf0: {  	v2 =	vadd.f32 v6, v34;
	[tilespmem:v61+s30+$0x0] =	vst.idx.msk $0xffff, v8  }
0xf1: {  	v36 =	vadd.s32 v19, v44;
	v48 =	vadd.f32 v35, v34;
	v14 =	vld [tilespmem:$0x1FF00];
	[tilespmem:v51+s30+$0x0] =	vst.idx.msk $0xffff, v47  }
0xf2: {  	v16 =	vld [tilespmem:$0x1FEF0];
	[tilespmem:v50+s30+$0x0] =	vst.idx.msk $0xffff, v2  }
0xf3: {  	v8 =	vld [tilespmem:s31+$0x30];
	[tilespmem:v4+s30+$0x0] =	vst.idx.msk $0xffff, v48  }
0xf4: {  	v0 =	vadd.f32 v0, v34;
	v17 =	vld [tilespmem:$0x1FFA0]  }
0xf5: {  	v12 =	vld [tilespmem:s31+$0xFFFFFFB0]  }
0xf6: {  	v15 =	vld [tilespmem:$0x1FEE0];
	[tilespmem:v36+s30+$0x0] =	vst.idx.msk $0xffff, v0  }
0xf7: {  	v7 =	vld [tilespmem:$0x1FE00]  }
0xf8: {  	v5 =	vld [tilespmem:s31+$0xFFFFFF70];
	v61 =	vadd.s32 v22, v39  }
0xf9: {  	v3 =	vld [tilespmem:s31+$0xF0];
	v52 =	vadd.s32 v14, v40  }
0xfa: {  	v53 =	vld [tilespmem:s31+$0xFFFFFFF0]  }
0xfb: {  	v2 =	vld [tilespmem:s31+$0xB0];
	v54 =	vadd.s32 v16, v45;
	v63 =	vadd.f32 v12, v33  }
0xfc: {  	v58 =	vld [tilespmem:s31+$0x70];
	v8 =	vadd.f32 v8, v33;
	v56 =	vadd.s32 v17, v43  }
0xfd: {  	v55 =	vadd.f32 v5, v33;
	v59 =	vld [tilespmem:s31+$0xFFFFFF30];
	v13 =	vadd.s32 v15, v41;
	[tilespmem:v61+s30+$0x0] =	vst.idx.msk $0xffff, v63  }
0xfe: {  	v0 =	vadd.s32 v46, v42;
	v3 =	vadd.f32 v3, v33;
	[tilespmem:v52+s30+$0x0] =	vst.idx.msk $0xffff, v8  }
0xff: {  	v62 =	vadd.s32 v21, v44;
	v60 =	vadd.f32 v53, v33;
	[tilespmem:v7+s30+$0x0] =	vst.idx.msk $0xffff, v55  }
0x100: {  	v2 =	vadd.f32 v2, v33;
	[tilespmem:v54+s30+$0x0] =	vst.idx.msk $0xffff, v3  }
0x101: {  	s0 =	sadd.s32 s6, s29;
	v3 =	vadd.f32 v58, v33;
	[tilespmem:v56+s30+$0x0] =	vst.idx.msk $0xffff, v60  }
0x102: {  	s0 =	sshll.u32 s0, $0xD;
	[tilespmem:v13+s30+$0x0] =	vst.idx.msk $0xffff, v2;
	v2 =	vadd.f32 v59, v33  }
0x103: {  	s1 =	sor.u32 s4, s0;
	[tilespmem:v0+s30+$0x0] =	vst.idx.msk $0xffff, v3  }
0x104: {  	s0 =	sadd.s32 $0x3, s28;
	s7 =	sadd.s32 s2, s1;
	[tilespmem:v62+s30+$0x0] =	vst.idx.msk $0xffff, v2  }
0x105: {  	[hbm4b:s7+s3] =	stream.linear.scatter [tilespmem:s30], [sflag:s0], $0x80, $0x38;
	[tilespmem:$0xA980] =	vst v63  }
0x106: {  	s8 =	sadd.s32 $0x5988, s26;
	s17 =	sadd.s32 $0x10, s7  }
0x107: {  	[hbm4b:s17+s3] =	stream.linear.scatter [tilespmem:s8], [sflag:s0], $0x80, $0x38;
	[tilespmem:$0xA980] =	vst v63  }
0x108: {  	s21 =	sadd.s32 $0x5A10, s26;
	s28 =	sadd.s32 $0x20, s7  }
0x109: {  	[hbm4b:s28+s3] =	stream.linear.scatter [tilespmem:s21], [sflag:s0], $0x80, $0x38;
	[tilespmem:$0xA980] =	vst v63  }
0x10a: {  	s31 =	sadd.s32 $0x30, s7;
	s30 =	sadd.s32 $0x5A98, s26  }
0x10b: {  	[hbm4b:s31+s3] =	stream.linear.scatter [tilespmem:s30], [sflag:s0], $0x80, $0x38;
	[tilespmem:$0xA980] =	vst v63  }
0x10c: {  	s18 =	sadd.s32 $0x40, s7;
	s17 =	sadd.s32 $0x5B20, s26  }
0x10d: {  	[hbm4b:s18+s3] =	stream.linear.scatter [tilespmem:s17], [sflag:s0], $0x80, $0x38;
	[tilespmem:$0xA980] =	vst v63  }
0x10e: {  	s20 =	sadd.s32 $0x5BA8, s26;
	s21 =	sadd.s32 $0x50, s7  }
0x10f: {  	[hbm4b:s21+s3] =	stream.linear.scatter [tilespmem:s20], [sflag:s0], $0x80, $0x38;
	[tilespmem:$0xA980] =	vst v63  }
0x110: {  	s28 =	sadd.s32 $0x5C30, s26;
	s30 =	sadd.s32 $0x60, s7  }
0x111: {  	[hbm4b:s30+s3] =	stream.linear.scatter [tilespmem:s28], [sflag:s0], $0x80, $0x38;
	[tilespmem:$0xA980] =	vst v63  }
0x112: {  	s31 =	sadd.s32 $0x5CB8, s26;
	s7 =	sadd.s32 $0x70, s7  }
0x113: {  	[hbm4b:s7+s3] =	stream.linear.scatter [tilespmem:s31], [sflag:s0], $0x80, $0x38;
	[tilespmem:$0xA980] =	vst v63  }
0x114: {  	s17 =	sadd.s32 $0x5D40, s26;
	s7 =	sadd.s32 s1, s9  }
0x115: {  	[hbm4b:s7+s3] =	stream.linear.scatter [tilespmem:s17], [sflag:s0], $0x80, $0x38;
	[tilespmem:$0xA980] =	vst v63  }
0x116: {  	s18 =	sadd.s32 $0x5DC8, s26;
	s20 =	sadd.s32 $0x10, s7  }
0x117: {  	[hbm4b:s20+s3] =	stream.linear.scatter [tilespmem:s18], [sflag:s0], $0x80, $0x38;
	[tilespmem:$0xA980] =	vst v63  }
0x118: {  	s21 =	sadd.s32 $0x5E50, s26;
	s28 =	sadd.s32 $0x20, s7  }
0x119: {  	[hbm4b:s28+s3] =	stream.linear.scatter [tilespmem:s21], [sflag:s0], $0x80, $0x38;
	[tilespmem:$0xA980] =	vst v63  }
0x11a: {  	s30 =	sadd.s32 $0x5ED8, s26;
	s31 =	sadd.s32 $0x30, s7  }
0x11b: {  	[hbm4b:s31+s3] =	stream.linear.scatter [tilespmem:s30], [sflag:s0], $0x80, $0x38;
	[tilespmem:$0xA980] =	vst v63  }
0x11c: {  	s17 =	sadd.s32 $0x5F60, s26;
	s18 =	sadd.s32 $0x40, s7  }
0x11d: {  	[hbm4b:s18+s3] =	stream.linear.scatter [tilespmem:s17], [sflag:s0], $0x80, $0x38;
	[tilespmem:$0xA980] =	vst v63  }
0x11e: {  	s20 =	sadd.s32 $0x5FE8, s26;
	s21 =	sadd.s32 $0x50, s7  }
0x11f: {  	[hbm4b:s21+s3] =	stream.linear.scatter [tilespmem:s20], [sflag:s0], $0x80, $0x38;
	[tilespmem:$0xA980] =	vst v63  }
0x120: {  	s28 =	sadd.s32 $0x6070, s26;
	s30 =	sadd.s32 $0x60, s7  }
0x121: {  	[hbm4b:s30+s3] =	stream.linear.scatter [tilespmem:s28], [sflag:s0], $0x80, $0x38;
	[tilespmem:$0xA980] =	vst v63  }
0x122: {  	s31 =	sadd.s32 $0x60F8, s26;
	s7 =	sadd.s32 $0x70, s7  }
0x123: {  	[hbm4b:s7+s3] =	stream.linear.scatter [tilespmem:s31], [sflag:s0], $0x80, $0x38;
	[tilespmem:$0xA980] =	vst v63  }
0x124: {  	s17 =	sadd.s32 $0x6180, s26;
	s7 =	sadd.s32 s1, s10  }
0x125: {  	[hbm4b:s7+s3] =	stream.linear.scatter [tilespmem:s17], [sflag:s0], $0x80, $0x38;
	[tilespmem:$0xA980] =	vst v63  }
0x126: {  	s18 =	sadd.s32 $0x6208, s26;
	s20 =	sadd.s32 $0x10, s7  }
0x127: {  	[hbm4b:s20+s3] =	stream.linear.scatter [tilespmem:s18], [sflag:s0], $0x80, $0x38;
	[tilespmem:$0xA980] =	vst v63  }
0x128: {  	s21 =	sadd.s32 $0x6290, s26;
	s28 =	sadd.s32 $0x20, s7  }
0x129: {  	[hbm4b:s28+s3] =	stream.linear.scatter [tilespmem:s21], [sflag:s0], $0x80, $0x38;
	[tilespmem:$0xA980] =	vst v63  }
0x12a: {  	s30 =	sadd.s32 $0x6318, s26;
	s31 =	sadd.s32 $0x30, s7  }
0x12b: {  	[hbm4b:s31+s3] =	stream.linear.scatter [tilespmem:s30], [sflag:s0], $0x80, $0x38;
	[tilespmem:$0xA980] =	vst v63  }
0x12c: {  	s17 =	sadd.s32 $0x63A0, s26;
	s18 =	sadd.s32 $0x40, s7  }
0x12d: {  	[hbm4b:s18+s3] =	stream.linear.scatter [tilespmem:s17], [sflag:s0], $0x80, $0x38;
	[tilespmem:$0xA980] =	vst v63  }
0x12e: {  	s20 =	sadd.s32 $0x6428, s26;
	s21 =	sadd.s32 $0x50, s7  }
0x12f: {  	[hbm4b:s21+s3] =	stream.linear.scatter [tilespmem:s20], [sflag:s0], $0x80, $0x38;
	[tilespmem:$0xA980] =	vst v63  }
0x130: {  	s28 =	sadd.s32 $0x64B0, s26;
	s30 =	sadd.s32 $0x60, s7  }
0x131: {  	[hbm4b:s30+s3] =	stream.linear.scatter [tilespmem:s28], [sflag:s0], $0x80, $0x38;
	[tilespmem:$0xA980] =	vst v63  }
0x132: {  	s31 =	sadd.s32 $0x6538, s26;
	s7 =	sadd.s32 $0x70, s7  }
0x133: {  	[hbm4b:s7+s3] =	stream.linear.scatter [tilespmem:s31], [sflag:s0], $0x80, $0x38;
	[tilespmem:$0xA980] =	vst v63  }
0x134: {  	s17 =	sadd.s32 $0x65C0, s26;
	s7 =	sadd.s32 s1, s11  }
0x135: {  	[hbm4b:s7+s3] =	stream.linear.scatter [tilespmem:s17], [sflag:s0], $0x80, $0x38;
	[tilespmem:$0xA980] =	vst v63  }
0x136: {  	s18 =	sadd.s32 $0x6648, s26;
	s20 =	sadd.s32 $0x10, s7  }
0x137: {  	[hbm4b:s20+s3] =	stream.linear.scatter [tilespmem:s18], [sflag:s0], $0x80, $0x38;
	[tilespmem:$0xA980] =	vst v63  }
0x138: {  	s21 =	sadd.s32 $0x66D0, s26;
	s28 =	sadd.s32 $0x20, s7  }
0x139: {  	[hbm4b:s28+s3] =	stream.linear.scatter [tilespmem:s21], [sflag:s0], $0x80, $0x38;
	[tilespmem:$0xA980] =	vst v63  }
0x13a: {  	s30 =	sadd.s32 $0x6758, s26;
	s31 =	sadd.s32 $0x30, s7  }
0x13b: {  	[hbm4b:s31+s3] =	stream.linear.scatter [tilespmem:s30], [sflag:s0], $0x80, $0x38;
	[tilespmem:$0xA980] =	vst v63  }
0x13c: {  	s17 =	sadd.s32 $0x67E0, s26;
	s18 =	sadd.s32 $0x40, s7  }
0x13d: {  	[hbm4b:s18+s3] =	stream.linear.scatter [tilespmem:s17], [sflag:s0], $0x80, $0x38;
	[tilespmem:$0xA980] =	vst v63  }
0x13e: {  	s20 =	sadd.s32 $0x6868, s26;
	s21 =	sadd.s32 $0x50, s7  }
0x13f: {  	[hbm4b:s21+s3] =	stream.linear.scatter [tilespmem:s20], [sflag:s0], $0x80, $0x38;
	[tilespmem:$0xA980] =	vst v63  }
0x140: {  	s28 =	sadd.s32 $0x68F0, s26;
	s30 =	sadd.s32 $0x60, s7  }
0x141: {  	[hbm4b:s30+s3] =	stream.linear.scatter [tilespmem:s28], [sflag:s0], $0x80, $0x38;
	[tilespmem:$0xA980] =	vst v63  }
0x142: {  	s31 =	sadd.s32 $0x6978, s26;
	s7 =	sadd.s32 $0x70, s7  }
0x143: {  	[hbm4b:s7+s3] =	stream.linear.scatter [tilespmem:s31], [sflag:s0], $0x80, $0x38;
	[tilespmem:$0xA980] =	vst v63  }
0x144: {  	s17 =	sadd.s32 $0x6A00, s26;
	s7 =	sadd.s32 s1, s12  }
0x145: {  	[hbm4b:s7+s3] =	stream.linear.scatter [tilespmem:s17], [sflag:s0], $0x80, $0x38;
	[tilespmem:$0xA980] =	vst v63  }
0x146: {  	s18 =	sadd.s32 $0x6A88, s26;
	s20 =	sadd.s32 $0x10, s7  }
0x147: {  	[hbm4b:s20+s3] =	stream.linear.scatter [tilespmem:s18], [sflag:s0], $0x80, $0x38;
	[tilespmem:$0xA980] =	vst v63  }
0x148: {  	s21 =	sadd.s32 $0x6B10, s26;
	s28 =	sadd.s32 $0x20, s7  }
0x149: {  	[hbm4b:s28+s3] =	stream.linear.scatter [tilespmem:s21], [sflag:s0], $0x80, $0x38;
	[tilespmem:$0xA980] =	vst v63  }
0x14a: {  	s30 =	sadd.s32 $0x6B98, s26;
	s31 =	sadd.s32 $0x30, s7  }
0x14b: {  	[hbm4b:s31+s3] =	stream.linear.scatter [tilespmem:s30], [sflag:s0], $0x80, $0x38;
	[tilespmem:$0xA980] =	vst v63  }
0x14c: {  	s17 =	sadd.s32 $0x6C20, s26;
	s18 =	sadd.s32 $0x40, s7  }
0x14d: {  	[hbm4b:s18+s3] =	stream.linear.scatter [tilespmem:s17], [sflag:s0], $0x80, $0x38;
	[tilespmem:$0xA980] =	vst v63  }
0x14e: {  	s20 =	sadd.s32 $0x6CA8, s26;
	s21 =	sadd.s32 $0x50, s7  }
0x14f: {  	[hbm4b:s21+s3] =	stream.linear.scatter [tilespmem:s20], [sflag:s0], $0x80, $0x38;
	[tilespmem:$0xA980] =	vst v63  }
0x150: {  	s28 =	sadd.s32 $0x6D30, s26;
	s30 =	sadd.s32 $0x60, s7  }
0x151: {  	[hbm4b:s30+s3] =	stream.linear.scatter [tilespmem:s28], [sflag:s0], $0x80, $0x38;
	[tilespmem:$0xA980] =	vst v63  }
0x152: {  	s31 =	sadd.s32 $0x6DB8, s26;
	s7 =	sadd.s32 $0x70, s7  }
0x153: {  	[hbm4b:s7+s3] =	stream.linear.scatter [tilespmem:s31], [sflag:s0], $0x80, $0x38;
	[tilespmem:$0xA980] =	vst v63  }
0x154: {  	s17 =	sadd.s32 $0x6E40, s26;
	s7 =	sadd.s32 s1, s13  }
0x155: {  	[hbm4b:s7+s3] =	stream.linear.scatter [tilespmem:s17], [sflag:s0], $0x80, $0x38;
	[tilespmem:$0xA980] =	vst v63  }
0x156: {  	s18 =	sadd.s32 $0x6EC8, s26;
	s20 =	sadd.s32 $0x10, s7  }
0x157: {  	[hbm4b:s20+s3] =	stream.linear.scatter [tilespmem:s18], [sflag:s0], $0x80, $0x38;
	[tilespmem:$0xA980] =	vst v63  }
0x158: {  	s21 =	sadd.s32 $0x6F50, s26;
	s28 =	sadd.s32 $0x20, s7  }
0x159: {  	[hbm4b:s28+s3] =	stream.linear.scatter [tilespmem:s21], [sflag:s0], $0x80, $0x38;
	[tilespmem:$0xA980] =	vst v63  }
0x15a: {  	s30 =	sadd.s32 $0x6FD8, s26;
	s31 =	sadd.s32 $0x30, s7  }
0x15b: {  	[hbm4b:s31+s3] =	stream.linear.scatter [tilespmem:s30], [sflag:s0], $0x80, $0x38;
	[tilespmem:$0xA980] =	vst v63  }
0x15c: {  	s17 =	sadd.s32 $0x7060, s26;
	s18 =	sadd.s32 $0x40, s7  }
0x15d: {  	[hbm4b:s18+s3] =	stream.linear.scatter [tilespmem:s17], [sflag:s0], $0x80, $0x38;
	[tilespmem:$0xA980] =	vst v63  }
0x15e: {  	s20 =	sadd.s32 $0x70E8, s26;
	s21 =	sadd.s32 $0x50, s7  }
0x15f: {  	[hbm4b:s21+s3] =	stream.linear.scatter [tilespmem:s20], [sflag:s0], $0x80, $0x38;
	[tilespmem:$0xA980] =	vst v63  }
0x160: {  	s28 =	sadd.s32 $0x7170, s26;
	s30 =	sadd.s32 $0x60, s7  }
0x161: {  	[hbm4b:s30+s3] =	stream.linear.scatter [tilespmem:s28], [sflag:s0], $0x80, $0x38;
	[tilespmem:$0xA980] =	vst v63  }
0x162: {  	s31 =	sadd.s32 $0x71F8, s26;
	s7 =	sadd.s32 $0x70, s7  }
0x163: {  	[hbm4b:s7+s3] =	stream.linear.scatter [tilespmem:s31], [sflag:s0], $0x80, $0x38;
	[tilespmem:$0xA980] =	vst v63  }
0x164: {  	s17 =	sadd.s32 $0x7280, s26;
	s7 =	sadd.s32 s1, s14  }
0x165: {  	[hbm4b:s7+s3] =	stream.linear.scatter [tilespmem:s17], [sflag:s0], $0x80, $0x38;
	[tilespmem:$0xA980] =	vst v63  }
0x166: {  	s18 =	sadd.s32 $0x7308, s26;
	s20 =	sadd.s32 $0x10, s7  }
0x167: {  	[hbm4b:s20+s3] =	stream.linear.scatter [tilespmem:s18], [sflag:s0], $0x80, $0x38;
	[tilespmem:$0xA980] =	vst v63  }
0x168: {  	s21 =	sadd.s32 $0x7390, s26;
	s28 =	sadd.s32 $0x20, s7  }
0x169: {  	[hbm4b:s28+s3] =	stream.linear.scatter [tilespmem:s21], [sflag:s0], $0x80, $0x38;
	[tilespmem:$0xA980] =	vst v63  }
0x16a: {  	s30 =	sadd.s32 $0x7418, s26;
	s31 =	sadd.s32 $0x30, s7  }
0x16b: {  	[hbm4b:s31+s3] =	stream.linear.scatter [tilespmem:s30], [sflag:s0], $0x80, $0x38;
	[tilespmem:$0xA980] =	vst v63  }
0x16c: {  	s17 =	sadd.s32 $0x74A0, s26;
	s18 =	sadd.s32 $0x40, s7  }
0x16d: {  	[hbm4b:s18+s3] =	stream.linear.scatter [tilespmem:s17], [sflag:s0], $0x80, $0x38;
	[tilespmem:$0xA980] =	vst v63  }
0x16e: {  	s20 =	sadd.s32 $0x7528, s26;
	s21 =	sadd.s32 $0x50, s7  }
0x16f: {  	[hbm4b:s21+s3] =	stream.linear.scatter [tilespmem:s20], [sflag:s0], $0x80, $0x38;
	[tilespmem:$0xA980] =	vst v63  }
0x170: {  	s28 =	sadd.s32 $0x75B0, s26;
	s30 =	sadd.s32 $0x60, s7  }
0x171: {  	[hbm4b:s30+s3] =	stream.linear.scatter [tilespmem:s28], [sflag:s0], $0x80, $0x38;
	[tilespmem:$0xA980] =	vst v63  }
0x172: {  	s31 =	sadd.s32 $0x7638, s26;
	s7 =	sadd.s32 $0x70, s7  }
0x173: {  	[hbm4b:s7+s3] =	stream.linear.scatter [tilespmem:s31], [sflag:s0], $0x80, $0x38;
	[tilespmem:$0xA980] =	vst v63  }
0x174: {  	s1 =	sadd.s32 s1, s15;
	s17 =	sadd.s32 $0x76C0, s26  }
0x175: {  	[hbm4b:s1+s3] =	stream.linear.scatter [tilespmem:s17], [sflag:s0], $0x80, $0x38;
	[tilespmem:$0xA980] =	vst v63  }
0x176: {  	s18 =	sadd.s32 $0x7748, s26;
	s20 =	sadd.s32 $0x10, s1  }
0x177: {  	[hbm4b:s20+s3] =	stream.linear.scatter [tilespmem:s18], [sflag:s0], $0x80, $0x38;
	[tilespmem:$0xA980] =	vst v63  }
0x178: {  	s21 =	sadd.s32 $0x77D0, s26;
	s28 =	sadd.s32 $0x20, s1  }
0x179: {  	v0 =	vld [tilespmem:$0x1FFD0];
	[hbm4b:s28+s3] =	stream.linear.scatter [tilespmem:s21], [sflag:s0], $0x80, $0x38  }
0x17a: {  	v2 =	vld [tilespmem:$0x1FFE0];
	s30 =	sadd.s32 $0x7858, s26;
	s31 =	sadd.s32 $0x30, s1  }
0x17b: {  	v58 =	vld [tilespmem:$0x1FFC0];
	[hbm4b:s31+s3] =	stream.linear.scatter [tilespmem:s30], [sflag:s0], $0x80, $0x38  }
0x17c: {  	v39 =	vld [tilespmem:$0x1FF40];
	s17 =	sadd.s32 $0x78E0, s26;
	s18 =	sadd.s32 $0x40, s1  }
0x17d: {  	v61 =	vld [tilespmem:$0x1FF70];
	[hbm4b:s18+s3] =	stream.linear.scatter [tilespmem:s17], [sflag:s0], $0x80, $0x38  }
0x17e: {  	p1 =	sne.s32 s25, $0x32;
	v47 =	vld [tilespmem:$0x1FF60];
	s20 =	sadd.s32 $0x7968, s26;
	s21 =	sadd.s32 $0x50, s1  }
0x17f: {  	v50 =	vld [tilespmem:$0x1FFB0];
	[hbm4b:s21+s3] =	stream.linear.scatter [tilespmem:s20], [sflag:s0], $0x80, $0x38  }
.Ltmp1:
0x180: {  	v42 =	vld [tilespmem:$0x1FF20];
	(pc) =	sbr.rel @p1 .LBB2_2-.Ltmp1, $4  }
0x181: {  	p0 =	por !p0, !p0;
	v51 =	vld [tilespmem:$0x1FF90];
	s28 =	sadd.s32 $0x79F0, s26;
	s30 =	sadd.s32 $0x60, s1  }
0x182: {  	v32 =	vld [tilespmem:$0x1FF10];
	[hbm4b:s30+s3] =	stream.linear.scatter [tilespmem:s28], [sflag:s0], $0x80, $0x38  }
0x183: {  	s29 =	smov.u32 s25;
	v45 =	vld [tilespmem:$0x1FF30];
	s31 =	sadd.s32 $0x7A78, s26;
	s1 =	sadd.s32 $0x70, s1  }
0x184: {  	v48 =	vld [tilespmem:$0x1FF50];
	[hbm4b:s1+s3] =	stream.linear.scatter [tilespmem:s31], [sflag:s0], $0x80, $0x38  }
0x185: {  	s24 =	sadd.s32 $0x1, s24  }
0x186: {  	_ =	swait.ge [sflag:s22], $0x2000;
	p0 =	sne.s32 s24, s16  }
.Ltmp2:
0x187: {  	[sflag:s22] =	ssyncset.done $0x0;
	(pc) =	sbr.rel @p0 .LBB2_1-.Ltmp2, $4  }
0x188: {  	[sflag:s22] =	ssyncadd.s32 $0xFFFFE000  }
0x189: {  	_ =	swait.ge [sflag:s23], $0x2000  }
0x18a: {  	[sflag:s23] =	ssyncset.done $0x0  }
0x18b: {  	[sflag:s23] =	ssyncadd.s32 $0xFFFFE000  }
0x18c: {  	_ =	sfence.sel $0x180000  }
0x18d: {  	[bflag:$0x0] =	sbarrier.arrive $0xFFFF  }
0x18e: {  	_ =	strace $0x9000004A  }
0x18f: {  	s0 =	stileid.u32;
	[bflag:$0x2] =	sbarrier.arrive $0xFFFF  }
0x190: {  	p0 =	sne.s32 s0, $0x0;
	s0 =	rddreg [dreg:$0x2]  }
0x191: {  	s0 =	sadd.s32 @!p0 $0x100000, s0  }
0x192: {  	[sflag:s0] =	ssyncadd.tile.s32 @!p0 $0x1;
	_ =	shalt  }
.Lfunc_end2:
_tile_overlayer_lowered:
.L_overlay_start_2:
0x193: {  	(tag) =	ssettag $0x2  }
0x194: {  	s0 =	rddreg [dreg:$0x0];
	s2 =	stileid.u32  }
0x195: {  	s1 =	rddreg [dreg:$0x1];
	p0 =	sne.s32 s2, $0x0  }
0x196: {  	s3 =	rddreg [dreg:$0x2];
	[bflag:$0x3] =	sbarrier.arrive $0xFFFF;
	s2 =	simm.s32 @!p0 $0x1C05  }
0x197: {  	[timem:s3], [sflag:s2] =	dma.local @!p0 [hbm:s0], s1  }
0x198: {  	s0 =	simm.s32 @!p0 $0x5  }
0x199: {  	_ =	swait.ge @!p0 [sflag:s0], s1  }
0x19a: {  	s1 =	ssub.s32 @!p0 $0x0, s1;
	[sflag:s0] =	ssyncset.done @!p0 $0x0  }
0x19b: {  	[sflag:s0] =	ssyncadd.s32 @!p0 s1  }
0x19c: {  	[bflag:$0x3] =	sbarrier.arrive $0xFFFF  }
0x19d: {  	_ =	shalt  }

</sc_bundles>
